<compile_context>
chip_gen: v7x
topology: tpu7x:2x2x1
jax: 0.10.2.dev20260603
libtpu: 0.0.44.dev20260713+nightly
codegen_flags: <defaults>
</compile_context>

<pallas_src>
import functools

import jax
import jax.numpy as jnp
from jax import lax
from jax.experimental import pallas as pl
from jax.experimental.pallas import tpu as pltpu
from jax.experimental.pallas import tpu_sc as plsc

_B = 1024
_L = 200
_C = 100000
_W = _C // 4
_WPAD = 25008
_LP = 224
_NVEC = _LP // 16
_NW = 32
_RPW = _B // _NW
_NIDX = 112


def _sc_multihot(idx_pad):
    mesh = plsc.VectorSubcoreMesh(core_axis_name="c", subcore_axis_name="s")

    @functools.partial(
        pl.kernel,
        out_type=jax.ShapeDtypeStruct((_B * _W,), jnp.int32),
        mesh=mesh,
        compiler_params=pltpu.CompilerParams(needs_layout_passes=False),
        scratch_types=[
            pltpu.VMEM((_RPW * _LP,), jnp.int32),
            pltpu.VMEM((_WPAD,), jnp.int32),
            pltpu.VMEM((_WPAD,), jnp.int32),
            pltpu.VMEM((_LP,), jnp.int32),
            pltpu.VMEM((2, _NIDX), jnp.int32),
            pltpu.SemaphoreType.DMA,
            pltpu.SemaphoreType.DMA,
        ],
    )
    def k(idx_hbm, out_words, idx_v, zbuf, acc, outdata, outidx, zsem, ssem):
        wid = lax.axis_index("s") * 2 + lax.axis_index("c")
        base = wid * _RPW

        zeros16 = jnp.zeros((16,), jnp.int32)

        def zbody(i, carry):
            zbuf[pl.ds(i * 16, 16)] = zeros16
            acc[pl.ds(i * 16, 16)] = zeros16
            return carry

        lax.fori_loop(0, _WPAD // 16, zbody, 0)

        pltpu.sync_copy(idx_hbm.at[pl.ds(base * _LP, _RPW * _LP)], idx_v)

        zcopies = [
            pltpu.async_copy(
                zbuf.at[pl.ds(0, _W)],
                out_words.at[pl.ds((base + r) * _W, _W)],
                zsem,
            )
            for r in range(_RPW)
        ]
        for c in zcopies:
            c.wait()

        def row_body(r, carry):
            row = base + r
            for j in range(_NVEC):
                iv = idx_v[pl.ds(r * _LP + j * 16, 16)]
                w = lax.shift_right_logical(iv, 2)
                v = lax.shift_left(
                    jnp.ones((16,), jnp.int32),
                    lax.shift_left(lax.bitwise_and(iv, 3), 3),
                )
                plsc.addupdate_scatter(acc, [w], v)
            for j in range(_NVEC):
                iv = idx_v[pl.ds(r * _LP + j * 16, 16)]
                w = lax.shift_right_logical(iv, 2)
                g = plsc.load_gather(acc, [w])
                t = lax.bitwise_or(
                    g, lax.bitwise_and(lax.shift_right_logical(g, 1), 0x7F7F7F7F)
                )
                t = lax.bitwise_or(
                    t, lax.bitwise_and(lax.shift_right_logical(t, 2), 0x3F3F3F3F)
                )
                t = lax.bitwise_or(
                    t, lax.bitwise_and(lax.shift_right_logical(t, 4), 0x0F0F0F0F)
                )
                outdata[pl.ds(j * 16, 16)] = lax.bitwise_and(t, 0x01010101)
                outidx[j // 7, pl.ds((j % 7) * 16, 16)] = row * _W + w
            for j in range(_NVEC):
                iv = idx_v[pl.ds(r * _LP + j * 16, 16)]
                w = lax.shift_right_logical(iv, 2)
                plsc.store_scatter(acc, [w], zeros16)
            pltpu.async_copy(
                outdata.at[pl.ds(0, _NIDX)],
                out_words.at[outidx.at[0]],
                ssem,
            ).wait()
            pltpu.async_copy(
                outdata.at[pl.ds(_NIDX, _NIDX)],
                out_words.at[outidx.at[1]],
                ssem,
            ).wait()
            return carry

        lax.fori_loop(0, _RPW, row_body, 0)

    return k(idx_pad)


def kernel(indices):
    indices = indices.astype(jnp.int32)
    idx_pad = jnp.concatenate([indices, indices[:, : _LP - _L]], axis=1).reshape(-1)
    out_words = _sc_multihot(idx_pad)
    shifts = jnp.arange(0, 32, 8, dtype=jnp.int32)
    bits = lax.shift_right_logical(
        out_words.reshape(_B, _W)[:, :, None], shifts[None, None, :]
    )
    return (lax.bitwise_and(bits, 1) != 0).reshape(_B, _C)

# --- scband reference (transcript-rebuilt; emitter-appended) ---
"""Pipeline reference for scband-indices-to-multihot-29953101922635 (READ-ONLY COPY).

The authoritative reference and input builder live on the scoring server;
editing this copy changes nothing except your own understanding.
"""

import jax, jax.numpy as jnp
import numpy as np

NUM_CLASSES = 100000


def setup_inputs(seed: int = 0) -> dict:
    key = jax.random.key(seed)
    indices = jax.random.randint(key, (1024, 200), 0, NUM_CLASSES, dtype=jnp.int64)
    return {"indices": indices}


def reference(indices) -> jnp.ndarray:
    # Faithful translation of torchoutil indices_to_multihot with padding_idx=None,
    # dtype=bool: for each row b, set multihot[b, indices[b, j]] = True for all j.
    B, L = indices.shape
    rows = jnp.broadcast_to(jnp.arange(B, dtype=indices.dtype)[:, None], (B, L))
    multihot = jnp.zeros((B, NUM_CLASSES), dtype=jnp.bool_)
    multihot = multihot.at[rows, indices].set(True)
    return multihot

if __name__ == "__main__":
    import jax
    _d = setup_inputs()
    print(jax.jit(kernel)(*tuple(_d.values())))

</pallas_src>

<mosaic_0001>
#map = affine_map<(d0, d1) -> (0)>
module attributes {stable_mosaic.version = 14 : i64} {
  func.func @k(%arg0: i32, %arg1: i32, %arg2: memref<229376xi32, #tpu.memory_space<hbm>>, %arg3: memref<25600000xi32, #tpu.memory_space<hbm>>, %arg4: memref<7168xi32, #tpu.memory_space<vmem>>, %arg5: memref<25008xi32, #tpu.memory_space<vmem>>, %arg6: memref<25008xi32, #tpu.memory_space<vmem>>, %arg7: memref<224xi32, #tpu.memory_space<vmem>>, %arg8: memref<2x112xi32, #tpu.memory_space<vmem>>, %arg9: memref<!tpu.dma_semaphore, #tpu.memory_space<semaphore_mem>>, %arg10: memref<!tpu.dma_semaphore, #tpu.memory_space<semaphore_mem>>) attributes {dimension_semantics = [#tpu.dimension_semantics<core_parallel>, #tpu.dimension_semantics<subcore_parallel>], iteration_bounds = array<i64: 2, 16>, scalar_prefetch = 0 : i64, scratch_operands = 7 : i64, tpu.core_type = #tpu.core_type<sc_vector_subcore>, window_params = [{transform_indices = #map}, {transform_indices = #map}]} {
    %mul3A = arith.constant 2 : i32
    %mul3A_0 = arith.muli %arg1, %mul3A : i32
    %add3A = arith.addi %mul3A_0, %arg0 : i32
    %mul3A_1 = arith.constant 32 : i32
    %mul3A_2 = arith.muli %add3A, %mul3A_1 : i32
    %broadcast_in_dim3A = arith.constant 0 : i32
    %broadcast_in_dim3A_3 = vector.broadcast %broadcast_in_dim3A : i32 to vector<16xi32>
    %scan3A = arith.constant 0 : i32
    %scan3A_4 = arith.constant 0 : i32
    %scan3A_5 = arith.constant 1563 : i32
    %scan3A_6 = arith.addi %scan3A_4, %scan3A_5 : i32
    %scan3A_7 = arith.constant 1 : i32
    scf.for %scan3A_527 = %scan3A_4 to %scan3A_6 step %scan3A_7  : i32 {
      %mul3A_528 = arith.constant 16 : i32
      %mul3A_529 = arith.muli %scan3A_527, %mul3A_528 : i32
      %swap3A = arith.index_cast %mul3A_529 : i32 to index
      %swap3A_530 = tpu.vector_load %arg5[%swap3A] {strides = array<i32>} : memref<25008xi32, #tpu.memory_space<vmem>>, vector<16xi32>,
      tpu.vector_store %arg5[%swap3A], %broadcast_in_dim3A_3 {strides = array<i32>} : memref<25008xi32, #tpu.memory_space<vmem>>, vector<16xi32>,
      %mul3A_531 = arith.constant 16 : i32
      %mul3A_532 = arith.muli %scan3A_527, %mul3A_531 : i32
      %swap3A_533 = arith.index_cast %mul3A_532 : i32 to index
      %swap3A_534 = tpu.vector_load %arg6[%swap3A_533] {strides = array<i32>} : memref<25008xi32, #tpu.memory_space<vmem>>, vector<16xi32>,
      tpu.vector_store %arg6[%swap3A_533], %broadcast_in_dim3A_3 {strides = array<i32>} : memref<25008xi32, #tpu.memory_space<vmem>>, vector<16xi32>,
    }
    %scan3A_8 = arith.constant 1563 : i32
    %mul3A_9 = arith.constant 224 : i32
    %mul3A_10 = arith.muli %mul3A_2, %mul3A_9 : i32
    "tpu.region"() ({
      %run_scoped3A = tpu.sem_alloc : memref<!tpu.dma_semaphore, #tpu.memory_space<semaphore_mem>>
      %dma_start3A_527 = tpu.memref_slice %arg2[%mul3A_10] : memref<229376xi32, #tpu.memory_space<hbm>> -> memref<7168xi32, #tpu.memory_space<hbm>>
      %dma_start3A_528 = tpu.memref_slice %arg2[%mul3A_10] : memref<229376xi32, #tpu.memory_space<hbm>> -> memref<7168xi32, #tpu.memory_space<hbm>>
      tpu.enqueue_dma source(%dma_start3A_528 : memref<7168xi32, #tpu.memory_space<hbm>>) target(%arg4 : memref<7168xi32, #tpu.memory_space<vmem>>) target_semaphore(%run_scoped3A : memref<!tpu.dma_semaphore, #tpu.memory_space<semaphore_mem>>)
      %dma_wait3A_529 = tpu.memref_slice %arg2[%mul3A_10] : memref<229376xi32, #tpu.memory_space<hbm>> -> memref<7168xi32, #tpu.memory_space<hbm>>
      %dma_wait3A_530 = tpu.memref_slice %arg2[%mul3A_10] : memref<229376xi32, #tpu.memory_space<hbm>> -> memref<7168xi32, #tpu.memory_space<hbm>>
      tpu.wait_dma2 semaphore(%run_scoped3A : memref<!tpu.dma_semaphore, #tpu.memory_space<semaphore_mem>>) src(%dma_wait3A_530 : memref<7168xi32, #tpu.memory_space<hbm>>) dst(%arg4 : memref<7168xi32, #tpu.memory_space<vmem>>)
      tpu.yield
    }) : () -> ()
    %add3A_11 = arith.constant 0 : i32
    %add3A_12 = arith.addi %mul3A_2, %add3A_11 : i32
    %mul3A_13 = arith.constant 25000 : i32
    %mul3A_14 = arith.muli %add3A_12, %mul3A_13 : i32
    %dma_start3A = arith.constant 0 : i32
    %dma_start3A_15 = tpu.memref_slice %arg5[%dma_start3A] : memref<25008xi32, #tpu.memory_space<vmem>> -> memref<25000xi32, #tpu.memory_space<vmem>>
    %dma_start3A_16 = tpu.memref_slice %arg3[%mul3A_14] : memref<25600000xi32, #tpu.memory_space<hbm>> -> memref<25000xi32, #tpu.memory_space<hbm>>
    %dma_start3A_17 = tpu.memref_slice %arg3[%mul3A_14] : memref<25600000xi32, #tpu.memory_space<hbm>> -> memref<25000xi32, #tpu.memory_space<hbm>>
    %dma_start3A_18 = arith.constant 0 : i32
    %dma_start3A_19 = tpu.memref_slice %arg5[%dma_start3A_18] : memref<25008xi32, #tpu.memory_space<vmem>> -> memref<25000xi32, #tpu.memory_space<vmem>>
    tpu.enqueue_dma source(%dma_start3A_19 : memref<25000xi32, #tpu.memory_space<vmem>>) target(%dma_start3A_17 : memref<25000xi32, #tpu.memory_space<hbm>>) target_semaphore(%arg9 : memref<!tpu.dma_semaphore, #tpu.memory_space<semaphore_mem>>)
    %add3A_20 = arith.constant 1 : i32
    %add3A_21 = arith.addi %mul3A_2, %add3A_20 : i32
    %mul3A_22 = arith.constant 25000 : i32
    %mul3A_23 = arith.muli %add3A_21, %mul3A_22 : i32
    %dma_start3A_24 = arith.constant 0 : i32
    %dma_start3A_25 = tpu.memref_slice %arg5[%dma_start3A_24] : memref<25008xi32, #tpu.memory_space<vmem>> -> memref<25000xi32, #tpu.memory_space<vmem>>
    %dma_start3A_26 = tpu.memref_slice %arg3[%mul3A_23] : memref<25600000xi32, #tpu.memory_space<hbm>> -> memref<25000xi32, #tpu.memory_space<hbm>>
    %dma_start3A_27 = tpu.memref_slice %arg3[%mul3A_23] : memref<25600000xi32, #tpu.memory_space<hbm>> -> memref<25000xi32, #tpu.memory_space<hbm>>
    %dma_start3A_28 = arith.constant 0 : i32
    %dma_start3A_29 = tpu.memref_slice %arg5[%dma_start3A_28] : memref<25008xi32, #tpu.memory_space<vmem>> -> memref<25000xi32, #tpu.memory_space<vmem>>
    tpu.enqueue_dma source(%dma_start3A_29 : memref<25000xi32, #tpu.memory_space<vmem>>) target(%dma_start3A_27 : memref<25000xi32, #tpu.memory_space<hbm>>) target_semaphore(%arg9 : memref<!tpu.dma_semaphore, #tpu.memory_space<semaphore_mem>>)
    %add3A_30 = arith.constant 2 : i32
    %add3A_31 = arith.addi %mul3A_2, %add3A_30 : i32
    %mul3A_32 = arith.constant 25000 : i32
    %mul3A_33 = arith.muli %add3A_31, %mul3A_32 : i32
    %dma_start3A_34 = arith.constant 0 : i32
    %dma_start3A_35 = tpu.memref_slice %arg5[%dma_start3A_34] : memref<25008xi32, #tpu.memory_space<vmem>> -> memref<25000xi32, #tpu.memory_space<vmem>>
    %dma_start3A_36 = tpu.memref_slice %arg3[%mul3A_33] : memref<25600000xi32, #tpu.memory_space<hbm>> -> memref<25000xi32, #tpu.memory_space<hbm>>
    %dma_start3A_37 = tpu.memref_slice %arg3[%mul3A_33] : memref<25600000xi32, #tpu.memory_space<hbm>> -> memref<25000xi32, #tpu.memory_space<hbm>>
    %dma_start3A_38 = arith.constant 0 : i32
    %dma_start3A_39 = tpu.memref_slice %arg5[%dma_start3A_38] : memref<25008xi32, #tpu.memory_space<vmem>> -> memref<25000xi32, #tpu.memory_space<vmem>>
    tpu.enqueue_dma source(%dma_start3A_39 : memref<25000xi32, #tpu.memory_space<vmem>>) target(%dma_start3A_37 : memref<25000xi32, #tpu.memory_space<hbm>>) target_semaphore(%arg9 : memref<!tpu.dma_semaphore, #tpu.memory_space<semaphore_mem>>)
    %add3A_40 = arith.constant 3 : i32
    %add3A_41 = arith.addi %mul3A_2, %add3A_40 : i32
    %mul3A_42 = arith.constant 25000 : i32
    %mul3A_43 = arith.muli %add3A_41, %mul3A_42 : i32
    %dma_start3A_44 = arith.constant 0 : i32
    %dma_start3A_45 = tpu.memref_slice %arg5[%dma_start3A_44] : memref<25008xi32, #tpu.memory_space<vmem>> -> memref<25000xi32, #tpu.memory_space<vmem>>
    %dma_start3A_46 = tpu.memref_slice %arg3[%mul3A_43] : memref<25600000xi32, #tpu.memory_space<hbm>> -> memref<25000xi32, #tpu.memory_space<hbm>>
    %dma_start3A_47 = tpu.memref_slice %arg3[%mul3A_43] : memref<25600000xi32, #tpu.memory_space<hbm>> -> memref<25000xi32, #tpu.memory_space<hbm>>
    %dma_start3A_48 = arith.constant 0 : i32
    %dma_start3A_49 = tpu.memref_slice %arg5[%dma_start3A_48] : memref<25008xi32, #tpu.memory_space<vmem>> -> memref<25000xi32, #tpu.memory_space<vmem>>
    tpu.enqueue_dma source(%dma_start3A_49 : memref<25000xi32, #tpu.memory_space<vmem>>) target(%dma_start3A_47 : memref<25000xi32, #tpu.memory_space<hbm>>) target_semaphore(%arg9 : memref<!tpu.dma_semaphore, #tpu.memory_space<semaphore_mem>>)
    %add3A_50 = arith.constant 4 : i32
    %add3A_51 = arith.addi %mul3A_2, %add3A_50 : i32
    %mul3A_52 = arith.constant 25000 : i32
    %mul3A_53 = arith.muli %add3A_51, %mul3A_52 : i32
    %dma_start3A_54 = arith.constant 0 : i32
    %dma_start3A_55 = tpu.memref_slice %arg5[%dma_start3A_54] : memref<25008xi32, #tpu.memory_space<vmem>> -> memref<25000xi32, #tpu.memory_space<vmem>>
    %dma_start3A_56 = tpu.memref_slice %arg3[%mul3A_53] : memref<25600000xi32, #tpu.memory_space<hbm>> -> memref<25000xi32, #tpu.memory_space<hbm>>
    %dma_start3A_57 = tpu.memref_slice %arg3[%mul3A_53] : memref<25600000xi32, #tpu.memory_space<hbm>> -> memref<25000xi32, #tpu.memory_space<hbm>>
    %dma_start3A_58 = arith.constant 0 : i32
    %dma_start3A_59 = tpu.memref_slice %arg5[%dma_start3A_58] : memref<25008xi32, #tpu.memory_space<vmem>> -> memref<25000xi32, #tpu.memory_space<vmem>>
    tpu.enqueue_dma source(%dma_start3A_59 : memref<25000xi32, #tpu.memory_space<vmem>>) target(%dma_start3A_57 : memref<25000xi32, #tpu.memory_space<hbm>>) target_semaphore(%arg9 : memref<!tpu.dma_semaphore, #tpu.memory_space<semaphore_mem>>)
    %add3A_60 = arith.constant 5 : i32
    %add3A_61 = arith.addi %mul3A_2, %add3A_60 : i32
    %mul3A_62 = arith.constant 25000 : i32
    %mul3A_63 = arith.muli %add3A_61, %mul3A_62 : i32
    %dma_start3A_64 = arith.constant 0 : i32
    %dma_start3A_65 = tpu.memref_slice %arg5[%dma_start3A_64] : memref<25008xi32, #tpu.memory_space<vmem>> -> memref<25000xi32, #tpu.memory_space<vmem>>
    %dma_start3A_66 = tpu.memref_slice %arg3[%mul3A_63] : memref<25600000xi32, #tpu.memory_space<hbm>> -> memref<25000xi32, #tpu.memory_space<hbm>>
    %dma_start3A_67 = tpu.memref_slice %arg3[%mul3A_63] : memref<25600000xi32, #tpu.memory_space<hbm>> -> memref<25000xi32, #tpu.memory_space<hbm>>
    %dma_start3A_68 = arith.constant 0 : i32
    %dma_start3A_69 = tpu.memref_slice %arg5[%dma_start3A_68] : memref<25008xi32, #tpu.memory_space<vmem>> -> memref<25000xi32, #tpu.memory_space<vmem>>
    tpu.enqueue_dma source(%dma_start3A_69 : memref<25000xi32, #tpu.memory_space<vmem>>) target(%dma_start3A_67 : memref<25000xi32, #tpu.memory_space<hbm>>) target_semaphore(%arg9 : memref<!tpu.dma_semaphore, #tpu.memory_space<semaphore_mem>>)
    %add3A_70 = arith.constant 6 : i32
    %add3A_71 = arith.addi %mul3A_2, %add3A_70 : i32
    %mul3A_72 = arith.constant 25000 : i32
    %mul3A_73 = arith.muli %add3A_71, %mul3A_72 : i32
    %dma_start3A_74 = arith.constant 0 : i32
    %dma_start3A_75 = tpu.memref_slice %arg5[%dma_start3A_74] : memref<25008xi32, #tpu.memory_space<vmem>> -> memref<25000xi32, #tpu.memory_space<vmem>>
    %dma_start3A_76 = tpu.memref_slice %arg3[%mul3A_73] : memref<25600000xi32, #tpu.memory_space<hbm>> -> memref<25000xi32, #tpu.memory_space<hbm>>
    %dma_start3A_77 = tpu.memref_slice %arg3[%mul3A_73] : memref<25600000xi32, #tpu.memory_space<hbm>> -> memref<25000xi32, #tpu.memory_space<hbm>>
    %dma_start3A_78 = arith.constant 0 : i32
    %dma_start3A_79 = tpu.memref_slice %arg5[%dma_start3A_78] : memref<25008xi32, #tpu.memory_space<vmem>> -> memref<25000xi32, #tpu.memory_space<vmem>>
    tpu.enqueue_dma source(%dma_start3A_79 : memref<25000xi32, #tpu.memory_space<vmem>>) target(%dma_start3A_77 : memref<25000xi32, #tpu.memory_space<hbm>>) target_semaphore(%arg9 : memref<!tpu.dma_semaphore, #tpu.memory_space<semaphore_mem>>)
    %add3A_80 = arith.constant 7 : i32
    %add3A_81 = arith.addi %mul3A_2, %add3A_80 : i32
    %mul3A_82 = arith.constant 25000 : i32
    %mul3A_83 = arith.muli %add3A_81, %mul3A_82 : i32
    %dma_start3A_84 = arith.constant 0 : i32
    %dma_start3A_85 = tpu.memref_slice %arg5[%dma_start3A_84] : memref<25008xi32, #tpu.memory_space<vmem>> -> memref<25000xi32, #tpu.memory_space<vmem>>
    %dma_start3A_86 = tpu.memref_slice %arg3[%mul3A_83] : memref<25600000xi32, #tpu.memory_space<hbm>> -> memref<25000xi32, #tpu.memory_space<hbm>>
    %dma_start3A_87 = tpu.memref_slice %arg3[%mul3A_83] : memref<25600000xi32, #tpu.memory_space<hbm>> -> memref<25000xi32, #tpu.memory_space<hbm>>
    %dma_start3A_88 = arith.constant 0 : i32
    %dma_start3A_89 = tpu.memref_slice %arg5[%dma_start3A_88] : memref<25008xi32, #tpu.memory_space<vmem>> -> memref<25000xi32, #tpu.memory_space<vmem>>
    tpu.enqueue_dma source(%dma_start3A_89 : memref<25000xi32, #tpu.memory_space<vmem>>) target(%dma_start3A_87 : memref<25000xi32, #tpu.memory_space<hbm>>) target_semaphore(%arg9 : memref<!tpu.dma_semaphore, #tpu.memory_space<semaphore_mem>>)
    %add3A_90 = arith.constant 8 : i32
    %add3A_91 = arith.addi %mul3A_2, %add3A_90 : i32
    %mul3A_92 = arith.constant 25000 : i32
    %mul3A_93 = arith.muli %add3A_91, %mul3A_92 : i32
    %dma_start3A_94 = arith.constant 0 : i32
    %dma_start3A_95 = tpu.memref_slice %arg5[%dma_start3A_94] : memref<25008xi32, #tpu.memory_space<vmem>> -> memref<25000xi32, #tpu.memory_space<vmem>>
    %dma_start3A_96 = tpu.memref_slice %arg3[%mul3A_93] : memref<25600000xi32, #tpu.memory_space<hbm>> -> memref<25000xi32, #tpu.memory_space<hbm>>
    %dma_start3A_97 = tpu.memref_slice %arg3[%mul3A_93] : memref<25600000xi32, #tpu.memory_space<hbm>> -> memref<25000xi32, #tpu.memory_space<hbm>>
    %dma_start3A_98 = arith.constant 0 : i32
    %dma_start3A_99 = tpu.memref_slice %arg5[%dma_start3A_98] : memref<25008xi32, #tpu.memory_space<vmem>> -> memref<25000xi32, #tpu.memory_space<vmem>>
    tpu.enqueue_dma source(%dma_start3A_99 : memref<25000xi32, #tpu.memory_space<vmem>>) target(%dma_start3A_97 : memref<25000xi32, #tpu.memory_space<hbm>>) target_semaphore(%arg9 : memref<!tpu.dma_semaphore, #tpu.memory_space<semaphore_mem>>)
    %add3A_100 = arith.constant 9 : i32
    %add3A_101 = arith.addi %mul3A_2, %add3A_100 : i32
    %mul3A_102 = arith.constant 25000 : i32
    %mul3A_103 = arith.muli %add3A_101, %mul3A_102 : i32
    %dma_start3A_104 = arith.constant 0 : i32
    %dma_start3A_105 = tpu.memref_slice %arg5[%dma_start3A_104] : memref<25008xi32, #tpu.memory_space<vmem>> -> memref<25000xi32, #tpu.memory_space<vmem>>
    %dma_start3A_106 = tpu.memref_slice %arg3[%mul3A_103] : memref<25600000xi32, #tpu.memory_space<hbm>> -> memref<25000xi32, #tpu.memory_space<hbm>>
    %dma_start3A_107 = tpu.memref_slice %arg3[%mul3A_103] : memref<25600000xi32, #tpu.memory_space<hbm>> -> memref<25000xi32, #tpu.memory_space<hbm>>
    %dma_start3A_108 = arith.constant 0 : i32
    %dma_start3A_109 = tpu.memref_slice %arg5[%dma_start3A_108] : memref<25008xi32, #tpu.memory_space<vmem>> -> memref<25000xi32, #tpu.memory_space<vmem>>
    tpu.enqueue_dma source(%dma_start3A_109 : memref<25000xi32, #tpu.memory_space<vmem>>) target(%dma_start3A_107 : memref<25000xi32, #tpu.memory_space<hbm>>) target_semaphore(%arg9 : memref<!tpu.dma_semaphore, #tpu.memory_space<semaphore_mem>>)
    %add3A_110 = arith.constant 10 : i32
    %add3A_111 = arith.addi %mul3A_2, %add3A_110 : i32
    %mul3A_112 = arith.constant 25000 : i32
    %mul3A_113 = arith.muli %add3A_111, %mul3A_112 : i32
    %dma_start3A_114 = arith.constant 0 : i32
    %dma_start3A_115 = tpu.memref_slice %arg5[%dma_start3A_114] : memref<25008xi32, #tpu.memory_space<vmem>> -> memref<25000xi32, #tpu.memory_space<vmem>>
    %dma_start3A_116 = tpu.memref_slice %arg3[%mul3A_113] : memref<25600000xi32, #tpu.memory_space<hbm>> -> memref<25000xi32, #tpu.memory_space<hbm>>
    %dma_start3A_117 = tpu.memref_slice %arg3[%mul3A_113] : memref<25600000xi32, #tpu.memory_space<hbm>> -> memref<25000xi32, #tpu.memory_space<hbm>>
    %dma_start3A_118 = arith.constant 0 : i32
    %dma_start3A_119 = tpu.memref_slice %arg5[%dma_start3A_118] : memref<25008xi32, #tpu.memory_space<vmem>> -> memref<25000xi32, #tpu.memory_space<vmem>>
    tpu.enqueue_dma source(%dma_start3A_119 : memref<25000xi32, #tpu.memory_space<vmem>>) target(%dma_start3A_117 : memref<25000xi32, #tpu.memory_space<hbm>>) target_semaphore(%arg9 : memref<!tpu.dma_semaphore, #tpu.memory_space<semaphore_mem>>)
    %add3A_120 = arith.constant 11 : i32
    %add3A_121 = arith.addi %mul3A_2, %add3A_120 : i32
    %mul3A_122 = arith.constant 25000 : i32
    %mul3A_123 = arith.muli %add3A_121, %mul3A_122 : i32
    %dma_start3A_124 = arith.constant 0 : i32
    %dma_start3A_125 = tpu.memref_slice %arg5[%dma_start3A_124] : memref<25008xi32, #tpu.memory_space<vmem>> -> memref<25000xi32, #tpu.memory_space<vmem>>
    %dma_start3A_126 = tpu.memref_slice %arg3[%mul3A_123] : memref<25600000xi32, #tpu.memory_space<hbm>> -> memref<25000xi32, #tpu.memory_space<hbm>>
    %dma_start3A_127 = tpu.memref_slice %arg3[%mul3A_123] : memref<25600000xi32, #tpu.memory_space<hbm>> -> memref<25000xi32, #tpu.memory_space<hbm>>
    %dma_start3A_128 = arith.constant 0 : i32
    %dma_start3A_129 = tpu.memref_slice %arg5[%dma_start3A_128] : memref<25008xi32, #tpu.memory_space<vmem>> -> memref<25000xi32, #tpu.memory_space<vmem>>
    tpu.enqueue_dma source(%dma_start3A_129 : memref<25000xi32, #tpu.memory_space<vmem>>) target(%dma_start3A_127 : memref<25000xi32, #tpu.memory_space<hbm>>) target_semaphore(%arg9 : memref<!tpu.dma_semaphore, #tpu.memory_space<semaphore_mem>>)
    %add3A_130 = arith.constant 12 : i32
    %add3A_131 = arith.addi %mul3A_2, %add3A_130 : i32
    %mul3A_132 = arith.constant 25000 : i32
    %mul3A_133 = arith.muli %add3A_131, %mul3A_132 : i32
    %dma_start3A_134 = arith.constant 0 : i32
    %dma_start3A_135 = tpu.memref_slice %arg5[%dma_start3A_134] : memref<25008xi32, #tpu.memory_space<vmem>> -> memref<25000xi32, #tpu.memory_space<vmem>>
    %dma_start3A_136 = tpu.memref_slice %arg3[%mul3A_133] : memref<25600000xi32, #tpu.memory_space<hbm>> -> memref<25000xi32, #tpu.memory_space<hbm>>
    %dma_start3A_137 = tpu.memref_slice %arg3[%mul3A_133] : memref<25600000xi32, #tpu.memory_space<hbm>> -> memref<25000xi32, #tpu.memory_space<hbm>>
    %dma_start3A_138 = arith.constant 0 : i32
    %dma_start3A_139 = tpu.memref_slice %arg5[%dma_start3A_138] : memref<25008xi32, #tpu.memory_space<vmem>> -> memref<25000xi32, #tpu.memory_space<vmem>>
    tpu.enqueue_dma source(%dma_start3A_139 : memref<25000xi32, #tpu.memory_space<vmem>>) target(%dma_start3A_137 : memref<25000xi32, #tpu.memory_space<hbm>>) target_semaphore(%arg9 : memref<!tpu.dma_semaphore, #tpu.memory_space<semaphore_mem>>)
    %add3A_140 = arith.constant 13 : i32
    %add3A_141 = arith.addi %mul3A_2, %add3A_140 : i32
    %mul3A_142 = arith.constant 25000 : i32
    %mul3A_143 = arith.muli %add3A_141, %mul3A_142 : i32
    %dma_start3A_144 = arith.constant 0 : i32
    %dma_start3A_145 = tpu.memref_slice %arg5[%dma_start3A_144] : memref<25008xi32, #tpu.memory_space<vmem>> -> memref<25000xi32, #tpu.memory_space<vmem>>
    %dma_start3A_146 = tpu.memref_slice %arg3[%mul3A_143] : memref<25600000xi32, #tpu.memory_space<hbm>> -> memref<25000xi32, #tpu.memory_space<hbm>>
    %dma_start3A_147 = tpu.memref_slice %arg3[%mul3A_143] : memref<25600000xi32, #tpu.memory_space<hbm>> -> memref<25000xi32, #tpu.memory_space<hbm>>
    %dma_start3A_148 = arith.constant 0 : i32
    %dma_start3A_149 = tpu.memref_slice %arg5[%dma_start3A_148] : memref<25008xi32, #tpu.memory_space<vmem>> -> memref<25000xi32, #tpu.memory_space<vmem>>
    tpu.enqueue_dma source(%dma_start3A_149 : memref<25000xi32, #tpu.memory_space<vmem>>) target(%dma_start3A_147 : memref<25000xi32, #tpu.memory_space<hbm>>) target_semaphore(%arg9 : memref<!tpu.dma_semaphore, #tpu.memory_space<semaphore_mem>>)
    %add3A_150 = arith.constant 14 : i32
    %add3A_151 = arith.addi %mul3A_2, %add3A_150 : i32
    %mul3A_152 = arith.constant 25000 : i32
    %mul3A_153 = arith.muli %add3A_151, %mul3A_152 : i32
    %dma_start3A_154 = arith.constant 0 : i32
    %dma_start3A_155 = tpu.memref_slice %arg5[%dma_start3A_154] : memref<25008xi32, #tpu.memory_space<vmem>> -> memref<25000xi32, #tpu.memory_space<vmem>>
    %dma_start3A_156 = tpu.memref_slice %arg3[%mul3A_153] : memref<25600000xi32, #tpu.memory_space<hbm>> -> memref<25000xi32, #tpu.memory_space<hbm>>
    %dma_start3A_157 = tpu.memref_slice %arg3[%mul3A_153] : memref<25600000xi32, #tpu.memory_space<hbm>> -> memref<25000xi32, #tpu.memory_space<hbm>>
    %dma_start3A_158 = arith.constant 0 : i32
    %dma_start3A_159 = tpu.memref_slice %arg5[%dma_start3A_158] : memref<25008xi32, #tpu.memory_space<vmem>> -> memref<25000xi32, #tpu.memory_space<vmem>>
    tpu.enqueue_dma source(%dma_start3A_159 : memref<25000xi32, #tpu.memory_space<vmem>>) target(%dma_start3A_157 : memref<25000xi32, #tpu.memory_space<hbm>>) target_semaphore(%arg9 : memref<!tpu.dma_semaphore, #tpu.memory_space<semaphore_mem>>)
    %add3A_160 = arith.constant 15 : i32
    %add3A_161 = arith.addi %mul3A_2, %add3A_160 : i32
    %mul3A_162 = arith.constant 25000 : i32
    %mul3A_163 = arith.muli %add3A_161, %mul3A_162 : i32
    %dma_start3A_164 = arith.constant 0 : i32
    %dma_start3A_165 = tpu.memref_slice %arg5[%dma_start3A_164] : memref<25008xi32, #tpu.memory_space<vmem>> -> memref<25000xi32, #tpu.memory_space<vmem>>
    %dma_start3A_166 = tpu.memref_slice %arg3[%mul3A_163] : memref<25600000xi32, #tpu.memory_space<hbm>> -> memref<25000xi32, #tpu.memory_space<hbm>>
    %dma_start3A_167 = tpu.memref_slice %arg3[%mul3A_163] : memref<25600000xi32, #tpu.memory_space<hbm>> -> memref<25000xi32, #tpu.memory_space<hbm>>
    %dma_start3A_168 = arith.constant 0 : i32
    %dma_start3A_169 = tpu.memref_slice %arg5[%dma_start3A_168] : memref<25008xi32, #tpu.memory_space<vmem>> -> memref<25000xi32, #tpu.memory_space<vmem>>
    tpu.enqueue_dma source(%dma_start3A_169 : memref<25000xi32, #tpu.memory_space<vmem>>) target(%dma_start3A_167 : memref<25000xi32, #tpu.memory_space<hbm>>) target_semaphore(%arg9 : memref<!tpu.dma_semaphore, #tpu.memory_space<semaphore_mem>>)
    %add3A_170 = arith.constant 16 : i32
    %add3A_171 = arith.addi %mul3A_2, %add3A_170 : i32
    %mul3A_172 = arith.constant 25000 : i32
    %mul3A_173 = arith.muli %add3A_171, %mul3A_172 : i32
    %dma_start3A_174 = arith.constant 0 : i32
    %dma_start3A_175 = tpu.memref_slice %arg5[%dma_start3A_174] : memref<25008xi32, #tpu.memory_space<vmem>> -> memref<25000xi32, #tpu.memory_space<vmem>>
    %dma_start3A_176 = tpu.memref_slice %arg3[%mul3A_173] : memref<25600000xi32, #tpu.memory_space<hbm>> -> memref<25000xi32, #tpu.memory_space<hbm>>
    %dma_start3A_177 = tpu.memref_slice %arg3[%mul3A_173] : memref<25600000xi32, #tpu.memory_space<hbm>> -> memref<25000xi32, #tpu.memory_space<hbm>>
    %dma_start3A_178 = arith.constant 0 : i32
    %dma_start3A_179 = tpu.memref_slice %arg5[%dma_start3A_178] : memref<25008xi32, #tpu.memory_space<vmem>> -> memref<25000xi32, #tpu.memory_space<vmem>>
    tpu.enqueue_dma source(%dma_start3A_179 : memref<25000xi32, #tpu.memory_space<vmem>>) target(%dma_start3A_177 : memref<25000xi32, #tpu.memory_space<hbm>>) target_semaphore(%arg9 : memref<!tpu.dma_semaphore, #tpu.memory_space<semaphore_mem>>)
    %add3A_180 = arith.constant 17 : i32
    %add3A_181 = arith.addi %mul3A_2, %add3A_180 : i32
    %mul3A_182 = arith.constant 25000 : i32
    %mul3A_183 = arith.muli %add3A_181, %mul3A_182 : i32
    %dma_start3A_184 = arith.constant 0 : i32
    %dma_start3A_185 = tpu.memref_slice %arg5[%dma_start3A_184] : memref<25008xi32, #tpu.memory_space<vmem>> -> memref<25000xi32, #tpu.memory_space<vmem>>
    %dma_start3A_186 = tpu.memref_slice %arg3[%mul3A_183] : memref<25600000xi32, #tpu.memory_space<hbm>> -> memref<25000xi32, #tpu.memory_space<hbm>>
    %dma_start3A_187 = tpu.memref_slice %arg3[%mul3A_183] : memref<25600000xi32, #tpu.memory_space<hbm>> -> memref<25000xi32, #tpu.memory_space<hbm>>
    %dma_start3A_188 = arith.constant 0 : i32
    %dma_start3A_189 = tpu.memref_slice %arg5[%dma_start3A_188] : memref<25008xi32, #tpu.memory_space<vmem>> -> memref<25000xi32, #tpu.memory_space<vmem>>
    tpu.enqueue_dma source(%dma_start3A_189 : memref<25000xi32, #tpu.memory_space<vmem>>) target(%dma_start3A_187 : memref<25000xi32, #tpu.memory_space<hbm>>) target_semaphore(%arg9 : memref<!tpu.dma_semaphore, #tpu.memory_space<semaphore_mem>>)
    %add3A_190 = arith.constant 18 : i32
    %add3A_191 = arith.addi %mul3A_2, %add3A_190 : i32
    %mul3A_192 = arith.constant 25000 : i32
    %mul3A_193 = arith.muli %add3A_191, %mul3A_192 : i32
    %dma_start3A_194 = arith.constant 0 : i32
    %dma_start3A_195 = tpu.memref_slice %arg5[%dma_start3A_194] : memref<25008xi32, #tpu.memory_space<vmem>> -> memref<25000xi32, #tpu.memory_space<vmem>>
    %dma_start3A_196 = tpu.memref_slice %arg3[%mul3A_193] : memref<25600000xi32, #tpu.memory_space<hbm>> -> memref<25000xi32, #tpu.memory_space<hbm>>
    %dma_start3A_197 = tpu.memref_slice %arg3[%mul3A_193] : memref<25600000xi32, #tpu.memory_space<hbm>> -> memref<25000xi32, #tpu.memory_space<hbm>>
    %dma_start3A_198 = arith.constant 0 : i32
    %dma_start3A_199 = tpu.memref_slice %arg5[%dma_start3A_198] : memref<25008xi32, #tpu.memory_space<vmem>> -> memref<25000xi32, #tpu.memory_space<vmem>>
    tpu.enqueue_dma source(%dma_start3A_199 : memref<25000xi32, #tpu.memory_space<vmem>>) target(%dma_start3A_197 : memref<25000xi32, #tpu.memory_space<hbm>>) target_semaphore(%arg9 : memref<!tpu.dma_semaphore, #tpu.memory_space<semaphore_mem>>)
    %add3A_200 = arith.constant 19 : i32
    %add3A_201 = arith.addi %mul3A_2, %add3A_200 : i32
    %mul3A_202 = arith.constant 25000 : i32
    %mul3A_203 = arith.muli %add3A_201, %mul3A_202 : i32
    %dma_start3A_204 = arith.constant 0 : i32
    %dma_start3A_205 = tpu.memref_slice %arg5[%dma_start3A_204] : memref<25008xi32, #tpu.memory_space<vmem>> -> memref<25000xi32, #tpu.memory_space<vmem>>
    %dma_start3A_206 = tpu.memref_slice %arg3[%mul3A_203] : memref<25600000xi32, #tpu.memory_space<hbm>> -> memref<25000xi32, #tpu.memory_space<hbm>>
    %dma_start3A_207 = tpu.memref_slice %arg3[%mul3A_203] : memref<25600000xi32, #tpu.memory_space<hbm>> -> memref<25000xi32, #tpu.memory_space<hbm>>
    %dma_start3A_208 = arith.constant 0 : i32
    %dma_start3A_209 = tpu.memref_slice %arg5[%dma_start3A_208] : memref<25008xi32, #tpu.memory_space<vmem>> -> memref<25000xi32, #tpu.memory_space<vmem>>
    tpu.enqueue_dma source(%dma_start3A_209 : memref<25000xi32, #tpu.memory_space<vmem>>) target(%dma_start3A_207 : memref<25000xi32, #tpu.memory_space<hbm>>) target_semaphore(%arg9 : memref<!tpu.dma_semaphore, #tpu.memory_space<semaphore_mem>>)
    %add3A_210 = arith.constant 20 : i32
    %add3A_211 = arith.addi %mul3A_2, %add3A_210 : i32
    %mul3A_212 = arith.constant 25000 : i32
    %mul3A_213 = arith.muli %add3A_211, %mul3A_212 : i32
    %dma_start3A_214 = arith.constant 0 : i32
    %dma_start3A_215 = tpu.memref_slice %arg5[%dma_start3A_214] : memref<25008xi32, #tpu.memory_space<vmem>> -> memref<25000xi32, #tpu.memory_space<vmem>>
    %dma_start3A_216 = tpu.memref_slice %arg3[%mul3A_213] : memref<25600000xi32, #tpu.memory_space<hbm>> -> memref<25000xi32, #tpu.memory_space<hbm>>
    %dma_start3A_217 = tpu.memref_slice %arg3[%mul3A_213] : memref<25600000xi32, #tpu.memory_space<hbm>> -> memref<25000xi32, #tpu.memory_space<hbm>>
    %dma_start3A_218 = arith.constant 0 : i32
    %dma_start3A_219 = tpu.memref_slice %arg5[%dma_start3A_218] : memref<25008xi32, #tpu.memory_space<vmem>> -> memref<25000xi32, #tpu.memory_space<vmem>>
    tpu.enqueue_dma source(%dma_start3A_219 : memref<25000xi32, #tpu.memory_space<vmem>>) target(%dma_start3A_217 : memref<25000xi32, #tpu.memory_space<hbm>>) target_semaphore(%arg9 : memref<!tpu.dma_semaphore, #tpu.memory_space<semaphore_mem>>)
    %add3A_220 = arith.constant 21 : i32
    %add3A_221 = arith.addi %mul3A_2, %add3A_220 : i32
    %mul3A_222 = arith.constant 25000 : i32
    %mul3A_223 = arith.muli %add3A_221, %mul3A_222 : i32
    %dma_start3A_224 = arith.constant 0 : i32
    %dma_start3A_225 = tpu.memref_slice %arg5[%dma_start3A_224] : memref<25008xi32, #tpu.memory_space<vmem>> -> memref<25000xi32, #tpu.memory_space<vmem>>
    %dma_start3A_226 = tpu.memref_slice %arg3[%mul3A_223] : memref<25600000xi32, #tpu.memory_space<hbm>> -> memref<25000xi32, #tpu.memory_space<hbm>>
    %dma_start3A_227 = tpu.memref_slice %arg3[%mul3A_223] : memref<25600000xi32, #tpu.memory_space<hbm>> -> memref<25000xi32, #tpu.memory_space<hbm>>
    %dma_start3A_228 = arith.constant 0 : i32
    %dma_start3A_229 = tpu.memref_slice %arg5[%dma_start3A_228] : memref<25008xi32, #tpu.memory_space<vmem>> -> memref<25000xi32, #tpu.memory_space<vmem>>
    tpu.enqueue_dma source(%dma_start3A_229 : memref<25000xi32, #tpu.memory_space<vmem>>) target(%dma_start3A_227 : memref<25000xi32, #tpu.memory_space<hbm>>) target_semaphore(%arg9 : memref<!tpu.dma_semaphore, #tpu.memory_space<semaphore_mem>>)
    %add3A_230 = arith.constant 22 : i32
    %add3A_231 = arith.addi %mul3A_2, %add3A_230 : i32
    %mul3A_232 = arith.constant 25000 : i32
    %mul3A_233 = arith.muli %add3A_231, %mul3A_232 : i32
    %dma_start3A_234 = arith.constant 0 : i32
    %dma_start3A_235 = tpu.memref_slice %arg5[%dma_start3A_234] : memref<25008xi32, #tpu.memory_space<vmem>> -> memref<25000xi32, #tpu.memory_space<vmem>>
    %dma_start3A_236 = tpu.memref_slice %arg3[%mul3A_233] : memref<25600000xi32, #tpu.memory_space<hbm>> -> memref<25000xi32, #tpu.memory_space<hbm>>
    %dma_start3A_237 = tpu.memref_slice %arg3[%mul3A_233] : memref<25600000xi32, #tpu.memory_space<hbm>> -> memref<25000xi32, #tpu.memory_space<hbm>>
    %dma_start3A_238 = arith.constant 0 : i32
    %dma_start3A_239 = tpu.memref_slice %arg5[%dma_start3A_238] : memref<25008xi32, #tpu.memory_space<vmem>> -> memref<25000xi32, #tpu.memory_space<vmem>>
    tpu.enqueue_dma source(%dma_start3A_239 : memref<25000xi32, #tpu.memory_space<vmem>>) target(%dma_start3A_237 : memref<25000xi32, #tpu.memory_space<hbm>>) target_semaphore(%arg9 : memref<!tpu.dma_semaphore, #tpu.memory_space<semaphore_mem>>)
    %add3A_240 = arith.constant 23 : i32
    %add3A_241 = arith.addi %mul3A_2, %add3A_240 : i32
    %mul3A_242 = arith.constant 25000 : i32
    %mul3A_243 = arith.muli %add3A_241, %mul3A_242 : i32
    %dma_start3A_244 = arith.constant 0 : i32
    %dma_start3A_245 = tpu.memref_slice %arg5[%dma_start3A_244] : memref<25008xi32, #tpu.memory_space<vmem>> -> memref<25000xi32, #tpu.memory_space<vmem>>
    %dma_start3A_246 = tpu.memref_slice %arg3[%mul3A_243] : memref<25600000xi32, #tpu.memory_space<hbm>> -> memref<25000xi32, #tpu.memory_space<hbm>>
    %dma_start3A_247 = tpu.memref_slice %arg3[%mul3A_243] : memref<25600000xi32, #tpu.memory_space<hbm>> -> memref<25000xi32, #tpu.memory_space<hbm>>
    %dma_start3A_248 = arith.constant 0 : i32
    %dma_start3A_249 = tpu.memref_slice %arg5[%dma_start3A_248] : memref<25008xi32, #tpu.memory_space<vmem>> -> memref<25000xi32, #tpu.memory_space<vmem>>
    tpu.enqueue_dma source(%dma_start3A_249 : memref<25000xi32, #tpu.memory_space<vmem>>) target(%dma_start3A_247 : memref<25000xi32, #tpu.memory_space<hbm>>) target_semaphore(%arg9 : memref<!tpu.dma_semaphore, #tpu.memory_space<semaphore_mem>>)
    %add3A_250 = arith.constant 24 : i32
    %add3A_251 = arith.addi %mul3A_2, %add3A_250 : i32
    %mul3A_252 = arith.constant 25000 : i32
    %mul3A_253 = arith.muli %add3A_251, %mul3A_252 : i32
    %dma_start3A_254 = arith.constant 0 : i32
    %dma_start3A_255 = tpu.memref_slice %arg5[%dma_start3A_254] : memref<25008xi32, #tpu.memory_space<vmem>> -> memref<25000xi32, #tpu.memory_space<vmem>>
    %dma_start3A_256 = tpu.memref_slice %arg3[%mul3A_253] : memref<25600000xi32, #tpu.memory_space<hbm>> -> memref<25000xi32, #tpu.memory_space<hbm>>
    %dma_start3A_257 = tpu.memref_slice %arg3[%mul3A_253] : memref<25600000xi32, #tpu.memory_space<hbm>> -> memref<25000xi32, #tpu.memory_space<hbm>>
    %dma_start3A_258 = arith.constant 0 : i32
    %dma_start3A_259 = tpu.memref_slice %arg5[%dma_start3A_258] : memref<25008xi32, #tpu.memory_space<vmem>> -> memref<25000xi32, #tpu.memory_space<vmem>>
    tpu.enqueue_dma source(%dma_start3A_259 : memref<25000xi32, #tpu.memory_space<vmem>>) target(%dma_start3A_257 : memref<25000xi32, #tpu.memory_space<hbm>>) target_semaphore(%arg9 : memref<!tpu.dma_semaphore, #tpu.memory_space<semaphore_mem>>)
    %add3A_260 = arith.constant 25 : i32
    %add3A_261 = arith.addi %mul3A_2, %add3A_260 : i32
    %mul3A_262 = arith.constant 25000 : i32
    %mul3A_263 = arith.muli %add3A_261, %mul3A_262 : i32
    %dma_start3A_264 = arith.constant 0 : i32
    %dma_start3A_265 = tpu.memref_slice %arg5[%dma_start3A_264] : memref<25008xi32, #tpu.memory_space<vmem>> -> memref<25000xi32, #tpu.memory_space<vmem>>
    %dma_start3A_266 = tpu.memref_slice %arg3[%mul3A_263] : memref<25600000xi32, #tpu.memory_space<hbm>> -> memref<25000xi32, #tpu.memory_space<hbm>>
    %dma_start3A_267 = tpu.memref_slice %arg3[%mul3A_263] : memref<25600000xi32, #tpu.memory_space<hbm>> -> memref<25000xi32, #tpu.memory_space<hbm>>
    %dma_start3A_268 = arith.constant 0 : i32
    %dma_start3A_269 = tpu.memref_slice %arg5[%dma_start3A_268] : memref<25008xi32, #tpu.memory_space<vmem>> -> memref<25000xi32, #tpu.memory_space<vmem>>
    tpu.enqueue_dma source(%dma_start3A_269 : memref<25000xi32, #tpu.memory_space<vmem>>) target(%dma_start3A_267 : memref<25000xi32, #tpu.memory_space<hbm>>) target_semaphore(%arg9 : memref<!tpu.dma_semaphore, #tpu.memory_space<semaphore_mem>>)
    %add3A_270 = arith.constant 26 : i32
    %add3A_271 = arith.addi %mul3A_2, %add3A_270 : i32
    %mul3A_272 = arith.constant 25000 : i32
    %mul3A_273 = arith.muli %add3A_271, %mul3A_272 : i32
    %dma_start3A_274 = arith.constant 0 : i32
    %dma_start3A_275 = tpu.memref_slice %arg5[%dma_start3A_274] : memref<25008xi32, #tpu.memory_space<vmem>> -> memref<25000xi32, #tpu.memory_space<vmem>>
    %dma_start3A_276 = tpu.memref_slice %arg3[%mul3A_273] : memref<25600000xi32, #tpu.memory_space<hbm>> -> memref<25000xi32, #tpu.memory_space<hbm>>
    %dma_start3A_277 = tpu.memref_slice %arg3[%mul3A_273] : memref<25600000xi32, #tpu.memory_space<hbm>> -> memref<25000xi32, #tpu.memory_space<hbm>>
    %dma_start3A_278 = arith.constant 0 : i32
    %dma_start3A_279 = tpu.memref_slice %arg5[%dma_start3A_278] : memref<25008xi32, #tpu.memory_space<vmem>> -> memref<25000xi32, #tpu.memory_space<vmem>>
    tpu.enqueue_dma source(%dma_start3A_279 : memref<25000xi32, #tpu.memory_space<vmem>>) target(%dma_start3A_277 : memref<25000xi32, #tpu.memory_space<hbm>>) target_semaphore(%arg9 : memref<!tpu.dma_semaphore, #tpu.memory_space<semaphore_mem>>)
    %add3A_280 = arith.constant 27 : i32
    %add3A_281 = arith.addi %mul3A_2, %add3A_280 : i32
    %mul3A_282 = arith.constant 25000 : i32
    %mul3A_283 = arith.muli %add3A_281, %mul3A_282 : i32
    %dma_start3A_284 = arith.constant 0 : i32
    %dma_start3A_285 = tpu.memref_slice %arg5[%dma_start3A_284] : memref<25008xi32, #tpu.memory_space<vmem>> -> memref<25000xi32, #tpu.memory_space<vmem>>
    %dma_start3A_286 = tpu.memref_slice %arg3[%mul3A_283] : memref<25600000xi32, #tpu.memory_space<hbm>> -> memref<25000xi32, #tpu.memory_space<hbm>>
    %dma_start3A_287 = tpu.memref_slice %arg3[%mul3A_283] : memref<25600000xi32, #tpu.memory_space<hbm>> -> memref<25000xi32, #tpu.memory_space<hbm>>
    %dma_start3A_288 = arith.constant 0 : i32
    %dma_start3A_289 = tpu.memref_slice %arg5[%dma_start3A_288] : memref<25008xi32, #tpu.memory_space<vmem>> -> memref<25000xi32, #tpu.memory_space<vmem>>
    tpu.enqueue_dma source(%dma_start3A_289 : memref<25000xi32, #tpu.memory_space<vmem>>) target(%dma_start3A_287 : memref<25000xi32, #tpu.memory_space<hbm>>) target_semaphore(%arg9 : memref<!tpu.dma_semaphore, #tpu.memory_space<semaphore_mem>>)
    %add3A_290 = arith.constant 28 : i32
    %add3A_291 = arith.addi %mul3A_2, %add3A_290 : i32
    %mul3A_292 = arith.constant 25000 : i32
    %mul3A_293 = arith.muli %add3A_291, %mul3A_292 : i32
    %dma_start3A_294 = arith.constant 0 : i32
    %dma_start3A_295 = tpu.memref_slice %arg5[%dma_start3A_294] : memref<25008xi32, #tpu.memory_space<vmem>> -> memref<25000xi32, #tpu.memory_space<vmem>>
    %dma_start3A_296 = tpu.memref_slice %arg3[%mul3A_293] : memref<25600000xi32, #tpu.memory_space<hbm>> -> memref<25000xi32, #tpu.memory_space<hbm>>
    %dma_start3A_297 = tpu.memref_slice %arg3[%mul3A_293] : memref<25600000xi32, #tpu.memory_space<hbm>> -> memref<25000xi32, #tpu.memory_space<hbm>>
    %dma_start3A_298 = arith.constant 0 : i32
    %dma_start3A_299 = tpu.memref_slice %arg5[%dma_start3A_298] : memref<25008xi32, #tpu.memory_space<vmem>> -> memref<25000xi32, #tpu.memory_space<vmem>>
    tpu.enqueue_dma source(%dma_start3A_299 : memref<25000xi32, #tpu.memory_space<vmem>>) target(%dma_start3A_297 : memref<25000xi32, #tpu.memory_space<hbm>>) target_semaphore(%arg9 : memref<!tpu.dma_semaphore, #tpu.memory_space<semaphore_mem>>)
    %add3A_300 = arith.constant 29 : i32
    %add3A_301 = arith.addi %mul3A_2, %add3A_300 : i32
    %mul3A_302 = arith.constant 25000 : i32
    %mul3A_303 = arith.muli %add3A_301, %mul3A_302 : i32
    %dma_start3A_304 = arith.constant 0 : i32
    %dma_start3A_305 = tpu.memref_slice %arg5[%dma_start3A_304] : memref<25008xi32, #tpu.memory_space<vmem>> -> memref<25000xi32, #tpu.memory_space<vmem>>
    %dma_start3A_306 = tpu.memref_slice %arg3[%mul3A_303] : memref<25600000xi32, #tpu.memory_space<hbm>> -> memref<25000xi32, #tpu.memory_space<hbm>>
    %dma_start3A_307 = tpu.memref_slice %arg3[%mul3A_303] : memref<25600000xi32, #tpu.memory_space<hbm>> -> memref<25000xi32, #tpu.memory_space<hbm>>
    %dma_start3A_308 = arith.constant 0 : i32
    %dma_start3A_309 = tpu.memref_slice %arg5[%dma_start3A_308] : memref<25008xi32, #tpu.memory_space<vmem>> -> memref<25000xi32, #tpu.memory_space<vmem>>
    tpu.enqueue_dma source(%dma_start3A_309 : memref<25000xi32, #tpu.memory_space<vmem>>) target(%dma_start3A_307 : memref<25000xi32, #tpu.memory_space<hbm>>) target_semaphore(%arg9 : memref<!tpu.dma_semaphore, #tpu.memory_space<semaphore_mem>>)
    %add3A_310 = arith.constant 30 : i32
    %add3A_311 = arith.addi %mul3A_2, %add3A_310 : i32
    %mul3A_312 = arith.constant 25000 : i32
    %mul3A_313 = arith.muli %add3A_311, %mul3A_312 : i32
    %dma_start3A_314 = arith.constant 0 : i32
    %dma_start3A_315 = tpu.memref_slice %arg5[%dma_start3A_314] : memref<25008xi32, #tpu.memory_space<vmem>> -> memref<25000xi32, #tpu.memory_space<vmem>>
    %dma_start3A_316 = tpu.memref_slice %arg3[%mul3A_313] : memref<25600000xi32, #tpu.memory_space<hbm>> -> memref<25000xi32, #tpu.memory_space<hbm>>
    %dma_start3A_317 = tpu.memref_slice %arg3[%mul3A_313] : memref<25600000xi32, #tpu.memory_space<hbm>> -> memref<25000xi32, #tpu.memory_space<hbm>>
    %dma_start3A_318 = arith.constant 0 : i32
    %dma_start3A_319 = tpu.memref_slice %arg5[%dma_start3A_318] : memref<25008xi32, #tpu.memory_space<vmem>> -> memref<25000xi32, #tpu.memory_space<vmem>>
    tpu.enqueue_dma source(%dma_start3A_319 : memref<25000xi32, #tpu.memory_space<vmem>>) target(%dma_start3A_317 : memref<25000xi32, #tpu.memory_space<hbm>>) target_semaphore(%arg9 : memref<!tpu.dma_semaphore, #tpu.memory_space<semaphore_mem>>)
    %add3A_320 = arith.constant 31 : i32
    %add3A_321 = arith.addi %mul3A_2, %add3A_320 : i32
    %mul3A_322 = arith.constant 25000 : i32
    %mul3A_323 = arith.muli %add3A_321, %mul3A_322 : i32
    %dma_start3A_324 = arith.constant 0 : i32
    %dma_start3A_325 = tpu.memref_slice %arg5[%dma_start3A_324] : memref<25008xi32, #tpu.memory_space<vmem>> -> memref<25000xi32, #tpu.memory_space<vmem>>
    %dma_start3A_326 = tpu.memref_slice %arg3[%mul3A_323] : memref<25600000xi32, #tpu.memory_space<hbm>> -> memref<25000xi32, #tpu.memory_space<hbm>>
    %dma_start3A_327 = tpu.memref_slice %arg3[%mul3A_323] : memref<25600000xi32, #tpu.memory_space<hbm>> -> memref<25000xi32, #tpu.memory_space<hbm>>
    %dma_start3A_328 = arith.constant 0 : i32
    %dma_start3A_329 = tpu.memref_slice %arg5[%dma_start3A_328] : memref<25008xi32, #tpu.memory_space<vmem>> -> memref<25000xi32, #tpu.memory_space<vmem>>
    tpu.enqueue_dma source(%dma_start3A_329 : memref<25000xi32, #tpu.memory_space<vmem>>) target(%dma_start3A_327 : memref<25000xi32, #tpu.memory_space<hbm>>) target_semaphore(%arg9 : memref<!tpu.dma_semaphore, #tpu.memory_space<semaphore_mem>>)
    %dma_wait3A = arith.constant 0 : i32
    %dma_wait3A_330 = tpu.memref_slice %arg5[%dma_wait3A] : memref<25008xi32, #tpu.memory_space<vmem>> -> memref<25000xi32, #tpu.memory_space<vmem>>
    %dma_wait3A_331 = tpu.memref_slice %arg3[%mul3A_14] : memref<25600000xi32, #tpu.memory_space<hbm>> -> memref<25000xi32, #tpu.memory_space<hbm>>
    %dma_wait3A_332 = tpu.memref_slice %arg3[%mul3A_14] : memref<25600000xi32, #tpu.memory_space<hbm>> -> memref<25000xi32, #tpu.memory_space<hbm>>
    %dma_wait3A_333 = arith.constant 0 : i32
    %dma_wait3A_334 = tpu.memref_slice %arg5[%dma_wait3A_333] : memref<25008xi32, #tpu.memory_space<vmem>> -> memref<25000xi32, #tpu.memory_space<vmem>>
    tpu.wait_dma2 semaphore(%arg9 : memref<!tpu.dma_semaphore, #tpu.memory_space<semaphore_mem>>) src(%dma_wait3A_334 : memref<25000xi32, #tpu.memory_space<vmem>>) dst(%dma_wait3A_332 : memref<25000xi32, #tpu.memory_space<hbm>>)
    %dma_wait3A_335 = arith.constant 0 : i32
    %dma_wait3A_336 = tpu.memref_slice %arg5[%dma_wait3A_335] : memref<25008xi32, #tpu.memory_space<vmem>> -> memref<25000xi32, #tpu.memory_space<vmem>>
    %dma_wait3A_337 = tpu.memref_slice %arg3[%mul3A_23] : memref<25600000xi32, #tpu.memory_space<hbm>> -> memref<25000xi32, #tpu.memory_space<hbm>>
    %dma_wait3A_338 = tpu.memref_slice %arg3[%mul3A_23] : memref<25600000xi32, #tpu.memory_space<hbm>> -> memref<25000xi32, #tpu.memory_space<hbm>>
    %dma_wait3A_339 = arith.constant 0 : i32
    %dma_wait3A_340 = tpu.memref_slice %arg5[%dma_wait3A_339] : memref<25008xi32, #tpu.memory_space<vmem>> -> memref<25000xi32, #tpu.memory_space<vmem>>
    tpu.wait_dma2 semaphore(%arg9 : memref<!tpu.dma_semaphore, #tpu.memory_space<semaphore_mem>>) src(%dma_wait3A_340 : memref<25000xi32, #tpu.memory_space<vmem>>) dst(%dma_wait3A_338 : memref<25000xi32, #tpu.memory_space<hbm>>)
    %dma_wait3A_341 = arith.constant 0 : i32
    %dma_wait3A_342 = tpu.memref_slice %arg5[%dma_wait3A_341] : memref<25008xi32, #tpu.memory_space<vmem>> -> memref<25000xi32, #tpu.memory_space<vmem>>
    %dma_wait3A_343 = tpu.memref_slice %arg3[%mul3A_33] : memref<25600000xi32, #tpu.memory_space<hbm>> -> memref<25000xi32, #tpu.memory_space<hbm>>
    %dma_wait3A_344 = tpu.memref_slice %arg3[%mul3A_33] : memref<25600000xi32, #tpu.memory_space<hbm>> -> memref<25000xi32, #tpu.memory_space<hbm>>
    %dma_wait3A_345 = arith.constant 0 : i32
    %dma_wait3A_346 = tpu.memref_slice %arg5[%dma_wait3A_345] : memref<25008xi32, #tpu.memory_space<vmem>> -> memref<25000xi32, #tpu.memory_space<vmem>>
    tpu.wait_dma2 semaphore(%arg9 : memref<!tpu.dma_semaphore, #tpu.memory_space<semaphore_mem>>) src(%dma_wait3A_346 : memref<25000xi32, #tpu.memory_space<vmem>>) dst(%dma_wait3A_344 : memref<25000xi32, #tpu.memory_space<hbm>>)
    %dma_wait3A_347 = arith.constant 0 : i32
    %dma_wait3A_348 = tpu.memref_slice %arg5[%dma_wait3A_347] : memref<25008xi32, #tpu.memory_space<vmem>> -> memref<25000xi32, #tpu.memory_space<vmem>>
    %dma_wait3A_349 = tpu.memref_slice %arg3[%mul3A_43] : memref<25600000xi32, #tpu.memory_space<hbm>> -> memref<25000xi32, #tpu.memory_space<hbm>>
    %dma_wait3A_350 = tpu.memref_slice %arg3[%mul3A_43] : memref<25600000xi32, #tpu.memory_space<hbm>> -> memref<25000xi32, #tpu.memory_space<hbm>>
    %dma_wait3A_351 = arith.constant 0 : i32
    %dma_wait3A_352 = tpu.memref_slice %arg5[%dma_wait3A_351] : memref<25008xi32, #tpu.memory_space<vmem>> -> memref<25000xi32, #tpu.memory_space<vmem>>
    tpu.wait_dma2 semaphore(%arg9 : memref<!tpu.dma_semaphore, #tpu.memory_space<semaphore_mem>>) src(%dma_wait3A_352 : memref<25000xi32, #tpu.memory_space<vmem>>) dst(%dma_wait3A_350 : memref<25000xi32, #tpu.memory_space<hbm>>)
    %dma_wait3A_353 = arith.constant 0 : i32
    %dma_wait3A_354 = tpu.memref_slice %arg5[%dma_wait3A_353] : memref<25008xi32, #tpu.memory_space<vmem>> -> memref<25000xi32, #tpu.memory_space<vmem>>
    %dma_wait3A_355 = tpu.memref_slice %arg3[%mul3A_53] : memref<25600000xi32, #tpu.memory_space<hbm>> -> memref<25000xi32, #tpu.memory_space<hbm>>
    %dma_wait3A_356 = tpu.memref_slice %arg3[%mul3A_53] : memref<25600000xi32, #tpu.memory_space<hbm>> -> memref<25000xi32, #tpu.memory_space<hbm>>
    %dma_wait3A_357 = arith.constant 0 : i32
    %dma_wait3A_358 = tpu.memref_slice %arg5[%dma_wait3A_357] : memref<25008xi32, #tpu.memory_space<vmem>> -> memref<25000xi32, #tpu.memory_space<vmem>>
    tpu.wait_dma2 semaphore(%arg9 : memref<!tpu.dma_semaphore, #tpu.memory_space<semaphore_mem>>) src(%dma_wait3A_358 : memref<25000xi32, #tpu.memory_space<vmem>>) dst(%dma_wait3A_356 : memref<25000xi32, #tpu.memory_space<hbm>>)
    %dma_wait3A_359 = arith.constant 0 : i32
    %dma_wait3A_360 = tpu.memref_slice %arg5[%dma_wait3A_359] : memref<25008xi32, #tpu.memory_space<vmem>> -> memref<25000xi32, #tpu.memory_space<vmem>>
    %dma_wait3A_361 = tpu.memref_slice %arg3[%mul3A_63] : memref<25600000xi32, #tpu.memory_space<hbm>> -> memref<25000xi32, #tpu.memory_space<hbm>>
    %dma_wait3A_362 = tpu.memref_slice %arg3[%mul3A_63] : memref<25600000xi32, #tpu.memory_space<hbm>> -> memref<25000xi32, #tpu.memory_space<hbm>>
    %dma_wait3A_363 = arith.constant 0 : i32
    %dma_wait3A_364 = tpu.memref_slice %arg5[%dma_wait3A_363] : memref<25008xi32, #tpu.memory_space<vmem>> -> memref<25000xi32, #tpu.memory_space<vmem>>
    tpu.wait_dma2 semaphore(%arg9 : memref<!tpu.dma_semaphore, #tpu.memory_space<semaphore_mem>>) src(%dma_wait3A_364 : memref<25000xi32, #tpu.memory_space<vmem>>) dst(%dma_wait3A_362 : memref<25000xi32, #tpu.memory_space<hbm>>)
    %dma_wait3A_365 = arith.constant 0 : i32
    %dma_wait3A_366 = tpu.memref_slice %arg5[%dma_wait3A_365] : memref<25008xi32, #tpu.memory_space<vmem>> -> memref<25000xi32, #tpu.memory_space<vmem>>
    %dma_wait3A_367 = tpu.memref_slice %arg3[%mul3A_73] : memref<25600000xi32, #tpu.memory_space<hbm>> -> memref<25000xi32, #tpu.memory_space<hbm>>
    %dma_wait3A_368 = tpu.memref_slice %arg3[%mul3A_73] : memref<25600000xi32, #tpu.memory_space<hbm>> -> memref<25000xi32, #tpu.memory_space<hbm>>
    %dma_wait3A_369 = arith.constant 0 : i32
    %dma_wait3A_370 = tpu.memref_slice %arg5[%dma_wait3A_369] : memref<25008xi32, #tpu.memory_space<vmem>> -> memref<25000xi32, #tpu.memory_space<vmem>>
    tpu.wait_dma2 semaphore(%arg9 : memref<!tpu.dma_semaphore, #tpu.memory_space<semaphore_mem>>) src(%dma_wait3A_370 : memref<25000xi32, #tpu.memory_space<vmem>>) dst(%dma_wait3A_368 : memref<25000xi32, #tpu.memory_space<hbm>>)
    %dma_wait3A_371 = arith.constant 0 : i32
    %dma_wait3A_372 = tpu.memref_slice %arg5[%dma_wait3A_371] : memref<25008xi32, #tpu.memory_space<vmem>> -> memref<25000xi32, #tpu.memory_space<vmem>>
    %dma_wait3A_373 = tpu.memref_slice %arg3[%mul3A_83] : memref<25600000xi32, #tpu.memory_space<hbm>> -> memref<25000xi32, #tpu.memory_space<hbm>>
    %dma_wait3A_374 = tpu.memref_slice %arg3[%mul3A_83] : memref<25600000xi32, #tpu.memory_space<hbm>> -> memref<25000xi32, #tpu.memory_space<hbm>>
    %dma_wait3A_375 = arith.constant 0 : i32
    %dma_wait3A_376 = tpu.memref_slice %arg5[%dma_wait3A_375] : memref<25008xi32, #tpu.memory_space<vmem>> -> memref<25000xi32, #tpu.memory_space<vmem>>
    tpu.wait_dma2 semaphore(%arg9 : memref<!tpu.dma_semaphore, #tpu.memory_space<semaphore_mem>>) src(%dma_wait3A_376 : memref<25000xi32, #tpu.memory_space<vmem>>) dst(%dma_wait3A_374 : memref<25000xi32, #tpu.memory_space<hbm>>)
    %dma_wait3A_377 = arith.constant 0 : i32
    %dma_wait3A_378 = tpu.memref_slice %arg5[%dma_wait3A_377] : memref<25008xi32, #tpu.memory_space<vmem>> -> memref<25000xi32, #tpu.memory_space<vmem>>
    %dma_wait3A_379 = tpu.memref_slice %arg3[%mul3A_93] : memref<25600000xi32, #tpu.memory_space<hbm>> -> memref<25000xi32, #tpu.memory_space<hbm>>
    %dma_wait3A_380 = tpu.memref_slice %arg3[%mul3A_93] : memref<25600000xi32, #tpu.memory_space<hbm>> -> memref<25000xi32, #tpu.memory_space<hbm>>
    %dma_wait3A_381 = arith.constant 0 : i32
    %dma_wait3A_382 = tpu.memref_slice %arg5[%dma_wait3A_381] : memref<25008xi32, #tpu.memory_space<vmem>> -> memref<25000xi32, #tpu.memory_space<vmem>>
    tpu.wait_dma2 semaphore(%arg9 : memref<!tpu.dma_semaphore, #tpu.memory_space<semaphore_mem>>) src(%dma_wait3A_382 : memref<25000xi32, #tpu.memory_space<vmem>>) dst(%dma_wait3A_380 : memref<25000xi32, #tpu.memory_space<hbm>>)
    %dma_wait3A_383 = arith.constant 0 : i32
    %dma_wait3A_384 = tpu.memref_slice %arg5[%dma_wait3A_383] : memref<25008xi32, #tpu.memory_space<vmem>> -> memref<25000xi32, #tpu.memory_space<vmem>>
    %dma_wait3A_385 = tpu.memref_slice %arg3[%mul3A_103] : memref<25600000xi32, #tpu.memory_space<hbm>> -> memref<25000xi32, #tpu.memory_space<hbm>>
    %dma_wait3A_386 = tpu.memref_slice %arg3[%mul3A_103] : memref<25600000xi32, #tpu.memory_space<hbm>> -> memref<25000xi32, #tpu.memory_space<hbm>>
    %dma_wait3A_387 = arith.constant 0 : i32
    %dma_wait3A_388 = tpu.memref_slice %arg5[%dma_wait3A_387] : memref<25008xi32, #tpu.memory_space<vmem>> -> memref<25000xi32, #tpu.memory_space<vmem>>
    tpu.wait_dma2 semaphore(%arg9 : memref<!tpu.dma_semaphore, #tpu.memory_space<semaphore_mem>>) src(%dma_wait3A_388 : memref<25000xi32, #tpu.memory_space<vmem>>) dst(%dma_wait3A_386 : memref<25000xi32, #tpu.memory_space<hbm>>)
    %dma_wait3A_389 = arith.constant 0 : i32
    %dma_wait3A_390 = tpu.memref_slice %arg5[%dma_wait3A_389] : memref<25008xi32, #tpu.memory_space<vmem>> -> memref<25000xi32, #tpu.memory_space<vmem>>
    %dma_wait3A_391 = tpu.memref_slice %arg3[%mul3A_113] : memref<25600000xi32, #tpu.memory_space<hbm>> -> memref<25000xi32, #tpu.memory_space<hbm>>
    %dma_wait3A_392 = tpu.memref_slice %arg3[%mul3A_113] : memref<25600000xi32, #tpu.memory_space<hbm>> -> memref<25000xi32, #tpu.memory_space<hbm>>
    %dma_wait3A_393 = arith.constant 0 : i32
    %dma_wait3A_394 = tpu.memref_slice %arg5[%dma_wait3A_393] : memref<25008xi32, #tpu.memory_space<vmem>> -> memref<25000xi32, #tpu.memory_space<vmem>>
    tpu.wait_dma2 semaphore(%arg9 : memref<!tpu.dma_semaphore, #tpu.memory_space<semaphore_mem>>) src(%dma_wait3A_394 : memref<25000xi32, #tpu.memory_space<vmem>>) dst(%dma_wait3A_392 : memref<25000xi32, #tpu.memory_space<hbm>>)
    %dma_wait3A_395 = arith.constant 0 : i32
    %dma_wait3A_396 = tpu.memref_slice %arg5[%dma_wait3A_395] : memref<25008xi32, #tpu.memory_space<vmem>> -> memref<25000xi32, #tpu.memory_space<vmem>>
    %dma_wait3A_397 = tpu.memref_slice %arg3[%mul3A_123] : memref<25600000xi32, #tpu.memory_space<hbm>> -> memref<25000xi32, #tpu.memory_space<hbm>>
    %dma_wait3A_398 = tpu.memref_slice %arg3[%mul3A_123] : memref<25600000xi32, #tpu.memory_space<hbm>> -> memref<25000xi32, #tpu.memory_space<hbm>>
    %dma_wait3A_399 = arith.constant 0 : i32
    %dma_wait3A_400 = tpu.memref_slice %arg5[%dma_wait3A_399] : memref<25008xi32, #tpu.memory_space<vmem>> -> memref<25000xi32, #tpu.memory_space<vmem>>
    tpu.wait_dma2 semaphore(%arg9 : memref<!tpu.dma_semaphore, #tpu.memory_space<semaphore_mem>>) src(%dma_wait3A_400 : memref<25000xi32, #tpu.memory_space<vmem>>) dst(%dma_wait3A_398 : memref<25000xi32, #tpu.memory_space<hbm>>)
    %dma_wait3A_401 = arith.constant 0 : i32
    %dma_wait3A_402 = tpu.memref_slice %arg5[%dma_wait3A_401] : memref<25008xi32, #tpu.memory_space<vmem>> -> memref<25000xi32, #tpu.memory_space<vmem>>
    %dma_wait3A_403 = tpu.memref_slice %arg3[%mul3A_133] : memref<25600000xi32, #tpu.memory_space<hbm>> -> memref<25000xi32, #tpu.memory_space<hbm>>
    %dma_wait3A_404 = tpu.memref_slice %arg3[%mul3A_133] : memref<25600000xi32, #tpu.memory_space<hbm>> -> memref<25000xi32, #tpu.memory_space<hbm>>
    %dma_wait3A_405 = arith.constant 0 : i32
    %dma_wait3A_406 = tpu.memref_slice %arg5[%dma_wait3A_405] : memref<25008xi32, #tpu.memory_space<vmem>> -> memref<25000xi32, #tpu.memory_space<vmem>>
    tpu.wait_dma2 semaphore(%arg9 : memref<!tpu.dma_semaphore, #tpu.memory_space<semaphore_mem>>) src(%dma_wait3A_406 : memref<25000xi32, #tpu.memory_space<vmem>>) dst(%dma_wait3A_404 : memref<25000xi32, #tpu.memory_space<hbm>>)
    %dma_wait3A_407 = arith.constant 0 : i32
    %dma_wait3A_408 = tpu.memref_slice %arg5[%dma_wait3A_407] : memref<25008xi32, #tpu.memory_space<vmem>> -> memref<25000xi32, #tpu.memory_space<vmem>>
    %dma_wait3A_409 = tpu.memref_slice %arg3[%mul3A_143] : memref<25600000xi32, #tpu.memory_space<hbm>> -> memref<25000xi32, #tpu.memory_space<hbm>>
    %dma_wait3A_410 = tpu.memref_slice %arg3[%mul3A_143] : memref<25600000xi32, #tpu.memory_space<hbm>> -> memref<25000xi32, #tpu.memory_space<hbm>>
    %dma_wait3A_411 = arith.constant 0 : i32
    %dma_wait3A_412 = tpu.memref_slice %arg5[%dma_wait3A_411] : memref<25008xi32, #tpu.memory_space<vmem>> -> memref<25000xi32, #tpu.memory_space<vmem>>
    tpu.wait_dma2 semaphore(%arg9 : memref<!tpu.dma_semaphore, #tpu.memory_space<semaphore_mem>>) src(%dma_wait3A_412 : memref<25000xi32, #tpu.memory_space<vmem>>) dst(%dma_wait3A_410 : memref<25000xi32, #tpu.memory_space<hbm>>)
    %dma_wait3A_413 = arith.constant 0 : i32
    %dma_wait3A_414 = tpu.memref_slice %arg5[%dma_wait3A_413] : memref<25008xi32, #tpu.memory_space<vmem>> -> memref<25000xi32, #tpu.memory_space<vmem>>
    %dma_wait3A_415 = tpu.memref_slice %arg3[%mul3A_153] : memref<25600000xi32, #tpu.memory_space<hbm>> -> memref<25000xi32, #tpu.memory_space<hbm>>
    %dma_wait3A_416 = tpu.memref_slice %arg3[%mul3A_153] : memref<25600000xi32, #tpu.memory_space<hbm>> -> memref<25000xi32, #tpu.memory_space<hbm>>
    %dma_wait3A_417 = arith.constant 0 : i32
    %dma_wait3A_418 = tpu.memref_slice %arg5[%dma_wait3A_417] : memref<25008xi32, #tpu.memory_space<vmem>> -> memref<25000xi32, #tpu.memory_space<vmem>>
    tpu.wait_dma2 semaphore(%arg9 : memref<!tpu.dma_semaphore, #tpu.memory_space<semaphore_mem>>) src(%dma_wait3A_418 : memref<25000xi32, #tpu.memory_space<vmem>>) dst(%dma_wait3A_416 : memref<25000xi32, #tpu.memory_space<hbm>>)
    %dma_wait3A_419 = arith.constant 0 : i32
    %dma_wait3A_420 = tpu.memref_slice %arg5[%dma_wait3A_419] : memref<25008xi32, #tpu.memory_space<vmem>> -> memref<25000xi32, #tpu.memory_space<vmem>>
    %dma_wait3A_421 = tpu.memref_slice %arg3[%mul3A_163] : memref<25600000xi32, #tpu.memory_space<hbm>> -> memref<25000xi32, #tpu.memory_space<hbm>>
    %dma_wait3A_422 = tpu.memref_slice %arg3[%mul3A_163] : memref<25600000xi32, #tpu.memory_space<hbm>> -> memref<25000xi32, #tpu.memory_space<hbm>>
    %dma_wait3A_423 = arith.constant 0 : i32
    %dma_wait3A_424 = tpu.memref_slice %arg5[%dma_wait3A_423] : memref<25008xi32, #tpu.memory_space<vmem>> -> memref<25000xi32, #tpu.memory_space<vmem>>
    tpu.wait_dma2 semaphore(%arg9 : memref<!tpu.dma_semaphore, #tpu.memory_space<semaphore_mem>>) src(%dma_wait3A_424 : memref<25000xi32, #tpu.memory_space<vmem>>) dst(%dma_wait3A_422 : memref<25000xi32, #tpu.memory_space<hbm>>)
    %dma_wait3A_425 = arith.constant 0 : i32
    %dma_wait3A_426 = tpu.memref_slice %arg5[%dma_wait3A_425] : memref<25008xi32, #tpu.memory_space<vmem>> -> memref<25000xi32, #tpu.memory_space<vmem>>
    %dma_wait3A_427 = tpu.memref_slice %arg3[%mul3A_173] : memref<25600000xi32, #tpu.memory_space<hbm>> -> memref<25000xi32, #tpu.memory_space<hbm>>
    %dma_wait3A_428 = tpu.memref_slice %arg3[%mul3A_173] : memref<25600000xi32, #tpu.memory_space<hbm>> -> memref<25000xi32, #tpu.memory_space<hbm>>
    %dma_wait3A_429 = arith.constant 0 : i32
    %dma_wait3A_430 = tpu.memref_slice %arg5[%dma_wait3A_429] : memref<25008xi32, #tpu.memory_space<vmem>> -> memref<25000xi32, #tpu.memory_space<vmem>>
    tpu.wait_dma2 semaphore(%arg9 : memref<!tpu.dma_semaphore, #tpu.memory_space<semaphore_mem>>) src(%dma_wait3A_430 : memref<25000xi32, #tpu.memory_space<vmem>>) dst(%dma_wait3A_428 : memref<25000xi32, #tpu.memory_space<hbm>>)
    %dma_wait3A_431 = arith.constant 0 : i32
    %dma_wait3A_432 = tpu.memref_slice %arg5[%dma_wait3A_431] : memref<25008xi32, #tpu.memory_space<vmem>> -> memref<25000xi32, #tpu.memory_space<vmem>>
    %dma_wait3A_433 = tpu.memref_slice %arg3[%mul3A_183] : memref<25600000xi32, #tpu.memory_space<hbm>> -> memref<25000xi32, #tpu.memory_space<hbm>>
    %dma_wait3A_434 = tpu.memref_slice %arg3[%mul3A_183] : memref<25600000xi32, #tpu.memory_space<hbm>> -> memref<25000xi32, #tpu.memory_space<hbm>>
    %dma_wait3A_435 = arith.constant 0 : i32
    %dma_wait3A_436 = tpu.memref_slice %arg5[%dma_wait3A_435] : memref<25008xi32, #tpu.memory_space<vmem>> -> memref<25000xi32, #tpu.memory_space<vmem>>
    tpu.wait_dma2 semaphore(%arg9 : memref<!tpu.dma_semaphore, #tpu.memory_space<semaphore_mem>>) src(%dma_wait3A_436 : memref<25000xi32, #tpu.memory_space<vmem>>) dst(%dma_wait3A_434 : memref<25000xi32, #tpu.memory_space<hbm>>)
    %dma_wait3A_437 = arith.constant 0 : i32
    %dma_wait3A_438 = tpu.memref_slice %arg5[%dma_wait3A_437] : memref<25008xi32, #tpu.memory_space<vmem>> -> memref<25000xi32, #tpu.memory_space<vmem>>
    %dma_wait3A_439 = tpu.memref_slice %arg3[%mul3A_193] : memref<25600000xi32, #tpu.memory_space<hbm>> -> memref<25000xi32, #tpu.memory_space<hbm>>
    %dma_wait3A_440 = tpu.memref_slice %arg3[%mul3A_193] : memref<25600000xi32, #tpu.memory_space<hbm>> -> memref<25000xi32, #tpu.memory_space<hbm>>
    %dma_wait3A_441 = arith.constant 0 : i32
    %dma_wait3A_442 = tpu.memref_slice %arg5[%dma_wait3A_441] : memref<25008xi32, #tpu.memory_space<vmem>> -> memref<25000xi32, #tpu.memory_space<vmem>>
    tpu.wait_dma2 semaphore(%arg9 : memref<!tpu.dma_semaphore, #tpu.memory_space<semaphore_mem>>) src(%dma_wait3A_442 : memref<25000xi32, #tpu.memory_space<vmem>>) dst(%dma_wait3A_440 : memref<25000xi32, #tpu.memory_space<hbm>>)
    %dma_wait3A_443 = arith.constant 0 : i32
    %dma_wait3A_444 = tpu.memref_slice %arg5[%dma_wait3A_443] : memref<25008xi32, #tpu.memory_space<vmem>> -> memref<25000xi32, #tpu.memory_space<vmem>>
    %dma_wait3A_445 = tpu.memref_slice %arg3[%mul3A_203] : memref<25600000xi32, #tpu.memory_space<hbm>> -> memref<25000xi32, #tpu.memory_space<hbm>>
    %dma_wait3A_446 = tpu.memref_slice %arg3[%mul3A_203] : memref<25600000xi32, #tpu.memory_space<hbm>> -> memref<25000xi32, #tpu.memory_space<hbm>>
    %dma_wait3A_447 = arith.constant 0 : i32
    %dma_wait3A_448 = tpu.memref_slice %arg5[%dma_wait3A_447] : memref<25008xi32, #tpu.memory_space<vmem>> -> memref<25000xi32, #tpu.memory_space<vmem>>
    tpu.wait_dma2 semaphore(%arg9 : memref<!tpu.dma_semaphore, #tpu.memory_space<semaphore_mem>>) src(%dma_wait3A_448 : memref<25000xi32, #tpu.memory_space<vmem>>) dst(%dma_wait3A_446 : memref<25000xi32, #tpu.memory_space<hbm>>)
    %dma_wait3A_449 = arith.constant 0 : i32
    %dma_wait3A_450 = tpu.memref_slice %arg5[%dma_wait3A_449] : memref<25008xi32, #tpu.memory_space<vmem>> -> memref<25000xi32, #tpu.memory_space<vmem>>
    %dma_wait3A_451 = tpu.memref_slice %arg3[%mul3A_213] : memref<25600000xi32, #tpu.memory_space<hbm>> -> memref<25000xi32, #tpu.memory_space<hbm>>
    %dma_wait3A_452 = tpu.memref_slice %arg3[%mul3A_213] : memref<25600000xi32, #tpu.memory_space<hbm>> -> memref<25000xi32, #tpu.memory_space<hbm>>
    %dma_wait3A_453 = arith.constant 0 : i32
    %dma_wait3A_454 = tpu.memref_slice %arg5[%dma_wait3A_453] : memref<25008xi32, #tpu.memory_space<vmem>> -> memref<25000xi32, #tpu.memory_space<vmem>>
    tpu.wait_dma2 semaphore(%arg9 : memref<!tpu.dma_semaphore, #tpu.memory_space<semaphore_mem>>) src(%dma_wait3A_454 : memref<25000xi32, #tpu.memory_space<vmem>>) dst(%dma_wait3A_452 : memref<25000xi32, #tpu.memory_space<hbm>>)
    %dma_wait3A_455 = arith.constant 0 : i32
    %dma_wait3A_456 = tpu.memref_slice %arg5[%dma_wait3A_455] : memref<25008xi32, #tpu.memory_space<vmem>> -> memref<25000xi32, #tpu.memory_space<vmem>>
    %dma_wait3A_457 = tpu.memref_slice %arg3[%mul3A_223] : memref<25600000xi32, #tpu.memory_space<hbm>> -> memref<25000xi32, #tpu.memory_space<hbm>>
    %dma_wait3A_458 = tpu.memref_slice %arg3[%mul3A_223] : memref<25600000xi32, #tpu.memory_space<hbm>> -> memref<25000xi32, #tpu.memory_space<hbm>>
    %dma_wait3A_459 = arith.constant 0 : i32
    %dma_wait3A_460 = tpu.memref_slice %arg5[%dma_wait3A_459] : memref<25008xi32, #tpu.memory_space<vmem>> -> memref<25000xi32, #tpu.memory_space<vmem>>
    tpu.wait_dma2 semaphore(%arg9 : memref<!tpu.dma_semaphore, #tpu.memory_space<semaphore_mem>>) src(%dma_wait3A_460 : memref<25000xi32, #tpu.memory_space<vmem>>) dst(%dma_wait3A_458 : memref<25000xi32, #tpu.memory_space<hbm>>)
    %dma_wait3A_461 = arith.constant 0 : i32
    %dma_wait3A_462 = tpu.memref_slice %arg5[%dma_wait3A_461] : memref<25008xi32, #tpu.memory_space<vmem>> -> memref<25000xi32, #tpu.memory_space<vmem>>
    %dma_wait3A_463 = tpu.memref_slice %arg3[%mul3A_233] : memref<25600000xi32, #tpu.memory_space<hbm>> -> memref<25000xi32, #tpu.memory_space<hbm>>
    %dma_wait3A_464 = tpu.memref_slice %arg3[%mul3A_233] : memref<25600000xi32, #tpu.memory_space<hbm>> -> memref<25000xi32, #tpu.memory_space<hbm>>
    %dma_wait3A_465 = arith.constant 0 : i32
    %dma_wait3A_466 = tpu.memref_slice %arg5[%dma_wait3A_465] : memref<25008xi32, #tpu.memory_space<vmem>> -> memref<25000xi32, #tpu.memory_space<vmem>>
    tpu.wait_dma2 semaphore(%arg9 : memref<!tpu.dma_semaphore, #tpu.memory_space<semaphore_mem>>) src(%dma_wait3A_466 : memref<25000xi32, #tpu.memory_space<vmem>>) dst(%dma_wait3A_464 : memref<25000xi32, #tpu.memory_space<hbm>>)
    %dma_wait3A_467 = arith.constant 0 : i32
    %dma_wait3A_468 = tpu.memref_slice %arg5[%dma_wait3A_467] : memref<25008xi32, #tpu.memory_space<vmem>> -> memref<25000xi32, #tpu.memory_space<vmem>>
    %dma_wait3A_469 = tpu.memref_slice %arg3[%mul3A_243] : memref<25600000xi32, #tpu.memory_space<hbm>> -> memref<25000xi32, #tpu.memory_space<hbm>>
    %dma_wait3A_470 = tpu.memref_slice %arg3[%mul3A_243] : memref<25600000xi32, #tpu.memory_space<hbm>> -> memref<25000xi32, #tpu.memory_space<hbm>>
    %dma_wait3A_471 = arith.constant 0 : i32
    %dma_wait3A_472 = tpu.memref_slice %arg5[%dma_wait3A_471] : memref<25008xi32, #tpu.memory_space<vmem>> -> memref<25000xi32, #tpu.memory_space<vmem>>
    tpu.wait_dma2 semaphore(%arg9 : memref<!tpu.dma_semaphore, #tpu.memory_space<semaphore_mem>>) src(%dma_wait3A_472 : memref<25000xi32, #tpu.memory_space<vmem>>) dst(%dma_wait3A_470 : memref<25000xi32, #tpu.memory_space<hbm>>)
    %dma_wait3A_473 = arith.constant 0 : i32
    %dma_wait3A_474 = tpu.memref_slice %arg5[%dma_wait3A_473] : memref<25008xi32, #tpu.memory_space<vmem>> -> memref<25000xi32, #tpu.memory_space<vmem>>
    %dma_wait3A_475 = tpu.memref_slice %arg3[%mul3A_253] : memref<25600000xi32, #tpu.memory_space<hbm>> -> memref<25000xi32, #tpu.memory_space<hbm>>
    %dma_wait3A_476 = tpu.memref_slice %arg3[%mul3A_253] : memref<25600000xi32, #tpu.memory_space<hbm>> -> memref<25000xi32, #tpu.memory_space<hbm>>
    %dma_wait3A_477 = arith.constant 0 : i32
    %dma_wait3A_478 = tpu.memref_slice %arg5[%dma_wait3A_477] : memref<25008xi32, #tpu.memory_space<vmem>> -> memref<25000xi32, #tpu.memory_space<vmem>>
    tpu.wait_dma2 semaphore(%arg9 : memref<!tpu.dma_semaphore, #tpu.memory_space<semaphore_mem>>) src(%dma_wait3A_478 : memref<25000xi32, #tpu.memory_space<vmem>>) dst(%dma_wait3A_476 : memref<25000xi32, #tpu.memory_space<hbm>>)
    %dma_wait3A_479 = arith.constant 0 : i32
    %dma_wait3A_480 = tpu.memref_slice %arg5[%dma_wait3A_479] : memref<25008xi32, #tpu.memory_space<vmem>> -> memref<25000xi32, #tpu.memory_space<vmem>>
    %dma_wait3A_481 = tpu.memref_slice %arg3[%mul3A_263] : memref<25600000xi32, #tpu.memory_space<hbm>> -> memref<25000xi32, #tpu.memory_space<hbm>>
    %dma_wait3A_482 = tpu.memref_slice %arg3[%mul3A_263] : memref<25600000xi32, #tpu.memory_space<hbm>> -> memref<25000xi32, #tpu.memory_space<hbm>>
    %dma_wait3A_483 = arith.constant 0 : i32
    %dma_wait3A_484 = tpu.memref_slice %arg5[%dma_wait3A_483] : memref<25008xi32, #tpu.memory_space<vmem>> -> memref<25000xi32, #tpu.memory_space<vmem>>
    tpu.wait_dma2 semaphore(%arg9 : memref<!tpu.dma_semaphore, #tpu.memory_space<semaphore_mem>>) src(%dma_wait3A_484 : memref<25000xi32, #tpu.memory_space<vmem>>) dst(%dma_wait3A_482 : memref<25000xi32, #tpu.memory_space<hbm>>)
    %dma_wait3A_485 = arith.constant 0 : i32
    %dma_wait3A_486 = tpu.memref_slice %arg5[%dma_wait3A_485] : memref<25008xi32, #tpu.memory_space<vmem>> -> memref<25000xi32, #tpu.memory_space<vmem>>
    %dma_wait3A_487 = tpu.memref_slice %arg3[%mul3A_273] : memref<25600000xi32, #tpu.memory_space<hbm>> -> memref<25000xi32, #tpu.memory_space<hbm>>
    %dma_wait3A_488 = tpu.memref_slice %arg3[%mul3A_273] : memref<25600000xi32, #tpu.memory_space<hbm>> -> memref<25000xi32, #tpu.memory_space<hbm>>
    %dma_wait3A_489 = arith.constant 0 : i32
    %dma_wait3A_490 = tpu.memref_slice %arg5[%dma_wait3A_489] : memref<25008xi32, #tpu.memory_space<vmem>> -> memref<25000xi32, #tpu.memory_space<vmem>>
    tpu.wait_dma2 semaphore(%arg9 : memref<!tpu.dma_semaphore, #tpu.memory_space<semaphore_mem>>) src(%dma_wait3A_490 : memref<25000xi32, #tpu.memory_space<vmem>>) dst(%dma_wait3A_488 : memref<25000xi32, #tpu.memory_space<hbm>>)
    %dma_wait3A_491 = arith.constant 0 : i32
    %dma_wait3A_492 = tpu.memref_slice %arg5[%dma_wait3A_491] : memref<25008xi32, #tpu.memory_space<vmem>> -> memref<25000xi32, #tpu.memory_space<vmem>>
    %dma_wait3A_493 = tpu.memref_slice %arg3[%mul3A_283] : memref<25600000xi32, #tpu.memory_space<hbm>> -> memref<25000xi32, #tpu.memory_space<hbm>>
    %dma_wait3A_494 = tpu.memref_slice %arg3[%mul3A_283] : memref<25600000xi32, #tpu.memory_space<hbm>> -> memref<25000xi32, #tpu.memory_space<hbm>>
    %dma_wait3A_495 = arith.constant 0 : i32
    %dma_wait3A_496 = tpu.memref_slice %arg5[%dma_wait3A_495] : memref<25008xi32, #tpu.memory_space<vmem>> -> memref<25000xi32, #tpu.memory_space<vmem>>
    tpu.wait_dma2 semaphore(%arg9 : memref<!tpu.dma_semaphore, #tpu.memory_space<semaphore_mem>>) src(%dma_wait3A_496 : memref<25000xi32, #tpu.memory_space<vmem>>) dst(%dma_wait3A_494 : memref<25000xi32, #tpu.memory_space<hbm>>)
    %dma_wait3A_497 = arith.constant 0 : i32
    %dma_wait3A_498 = tpu.memref_slice %arg5[%dma_wait3A_497] : memref<25008xi32, #tpu.memory_space<vmem>> -> memref<25000xi32, #tpu.memory_space<vmem>>
    %dma_wait3A_499 = tpu.memref_slice %arg3[%mul3A_293] : memref<25600000xi32, #tpu.memory_space<hbm>> -> memref<25000xi32, #tpu.memory_space<hbm>>
    %dma_wait3A_500 = tpu.memref_slice %arg3[%mul3A_293] : memref<25600000xi32, #tpu.memory_space<hbm>> -> memref<25000xi32, #tpu.memory_space<hbm>>
    %dma_wait3A_501 = arith.constant 0 : i32
    %dma_wait3A_502 = tpu.memref_slice %arg5[%dma_wait3A_501] : memref<25008xi32, #tpu.memory_space<vmem>> -> memref<25000xi32, #tpu.memory_space<vmem>>
    tpu.wait_dma2 semaphore(%arg9 : memref<!tpu.dma_semaphore, #tpu.memory_space<semaphore_mem>>) src(%dma_wait3A_502 : memref<25000xi32, #tpu.memory_space<vmem>>) dst(%dma_wait3A_500 : memref<25000xi32, #tpu.memory_space<hbm>>)
    %dma_wait3A_503 = arith.constant 0 : i32
    %dma_wait3A_504 = tpu.memref_slice %arg5[%dma_wait3A_503] : memref<25008xi32, #tpu.memory_space<vmem>> -> memref<25000xi32, #tpu.memory_space<vmem>>
    %dma_wait3A_505 = tpu.memref_slice %arg3[%mul3A_303] : memref<25600000xi32, #tpu.memory_space<hbm>> -> memref<25000xi32, #tpu.memory_space<hbm>>
    %dma_wait3A_506 = tpu.memref_slice %arg3[%mul3A_303] : memref<25600000xi32, #tpu.memory_space<hbm>> -> memref<25000xi32, #tpu.memory_space<hbm>>
    %dma_wait3A_507 = arith.constant 0 : i32
    %dma_wait3A_508 = tpu.memref_slice %arg5[%dma_wait3A_507] : memref<25008xi32, #tpu.memory_space<vmem>> -> memref<25000xi32, #tpu.memory_space<vmem>>
    tpu.wait_dma2 semaphore(%arg9 : memref<!tpu.dma_semaphore, #tpu.memory_space<semaphore_mem>>) src(%dma_wait3A_508 : memref<25000xi32, #tpu.memory_space<vmem>>) dst(%dma_wait3A_506 : memref<25000xi32, #tpu.memory_space<hbm>>)
    %dma_wait3A_509 = arith.constant 0 : i32
    %dma_wait3A_510 = tpu.memref_slice %arg5[%dma_wait3A_509] : memref<25008xi32, #tpu.memory_space<vmem>> -> memref<25000xi32, #tpu.memory_space<vmem>>
    %dma_wait3A_511 = tpu.memref_slice %arg3[%mul3A_313] : memref<25600000xi32, #tpu.memory_space<hbm>> -> memref<25000xi32, #tpu.memory_space<hbm>>
    %dma_wait3A_512 = tpu.memref_slice %arg3[%mul3A_313] : memref<25600000xi32, #tpu.memory_space<hbm>> -> memref<25000xi32, #tpu.memory_space<hbm>>
    %dma_wait3A_513 = arith.constant 0 : i32
    %dma_wait3A_514 = tpu.memref_slice %arg5[%dma_wait3A_513] : memref<25008xi32, #tpu.memory_space<vmem>> -> memref<25000xi32, #tpu.memory_space<vmem>>
    tpu.wait_dma2 semaphore(%arg9 : memref<!tpu.dma_semaphore, #tpu.memory_space<semaphore_mem>>) src(%dma_wait3A_514 : memref<25000xi32, #tpu.memory_space<vmem>>) dst(%dma_wait3A_512 : memref<25000xi32, #tpu.memory_space<hbm>>)
    %dma_wait3A_515 = arith.constant 0 : i32
    %dma_wait3A_516 = tpu.memref_slice %arg5[%dma_wait3A_515] : memref<25008xi32, #tpu.memory_space<vmem>> -> memref<25000xi32, #tpu.memory_space<vmem>>
    %dma_wait3A_517 = tpu.memref_slice %arg3[%mul3A_323] : memref<25600000xi32, #tpu.memory_space<hbm>> -> memref<25000xi32, #tpu.memory_space<hbm>>
    %dma_wait3A_518 = tpu.memref_slice %arg3[%mul3A_323] : memref<25600000xi32, #tpu.memory_space<hbm>> -> memref<25000xi32, #tpu.memory_space<hbm>>
    %dma_wait3A_519 = arith.constant 0 : i32
    %dma_wait3A_520 = tpu.memref_slice %arg5[%dma_wait3A_519] : memref<25008xi32, #tpu.memory_space<vmem>> -> memref<25000xi32, #tpu.memory_space<vmem>>
    tpu.wait_dma2 semaphore(%arg9 : memref<!tpu.dma_semaphore, #tpu.memory_space<semaphore_mem>>) src(%dma_wait3A_520 : memref<25000xi32, #tpu.memory_space<vmem>>) dst(%dma_wait3A_518 : memref<25000xi32, #tpu.memory_space<hbm>>)
    %scan3A_521 = arith.constant 0 : i32
    %scan3A_522 = arith.constant 0 : i32
    %scan3A_523 = arith.constant 32 : i32
    %scan3A_524 = arith.addi %scan3A_522, %scan3A_523 : i32
    %scan3A_525 = arith.constant 1 : i32
    scf.for %scan3A_527 = %scan3A_522 to %scan3A_524 step %scan3A_525  : i32 {
      %add3A_528 = arith.addi %mul3A_2, %scan3A_527 : i32
      %mul3A_529 = arith.constant 224 : i32
      %mul3A_530 = arith.muli %scan3A_527, %mul3A_529 : i32
      %add3A_531 = arith.constant 0 : i32
      %add3A_532 = arith.addi %mul3A_530, %add3A_531 : i32
      %get3A = arith.index_cast %add3A_532 : i32 to index
      %get3A_533 = tpu.vector_load %arg4[%get3A] {strides = array<i32>} : memref<7168xi32, #tpu.memory_space<vmem>>, vector<16xi32>,
      %shift_right_logical3A = arith.constant 2 : i32
      %shift_right_logical3A_534 = vector.broadcast %shift_right_logical3A : i32 to vector<16xi32>
      %shift_right_logical3A_535 = arith.shrui %get3A_533, %shift_right_logical3A_534 : vector<16xi32>
      %broadcast_in_dim3A_536 = arith.constant 1 : i32
      %broadcast_in_dim3A_537 = vector.broadcast %broadcast_in_dim3A_536 : i32 to vector<16xi32>
      %and3A = arith.constant 3 : i32
      %and3A_538 = vector.broadcast %and3A : i32 to vector<16xi32>
      %and3A_539 = arith.andi %get3A_533, %and3A_538 : vector<16xi32>
      %shift_left3A = arith.constant 3 : i32
      %shift_left3A_540 = vector.broadcast %shift_left3A : i32 to vector<16xi32>
      %shift_left3A_541 = arith.shli %and3A_539, %shift_left3A_540 : vector<16xi32>
      %shift_left3A_542 = arith.shli %broadcast_in_dim3A_537, %shift_left3A_541 : vector<16xi32>
      tpu.vector_store_idx %arg6[%shift_right_logical3A_535], %shift_left3A_542 {add = true} : memref<25008xi32, #tpu.memory_space<vmem>>[vector<16xi32>], vector<16xi32>,
      %mul3A_543 = arith.constant 224 : i32
      %mul3A_544 = arith.muli %scan3A_527, %mul3A_543 : i32
      %add3A_545 = arith.constant 16 : i32
      %add3A_546 = arith.addi %mul3A_544, %add3A_545 : i32
      %get3A_547 = arith.index_cast %add3A_546 : i32 to index
      %get3A_548 = tpu.vector_load %arg4[%get3A_547] {strides = array<i32>} : memref<7168xi32, #tpu.memory_space<vmem>>, vector<16xi32>,
      %shift_right_logical3A_549 = arith.constant 2 : i32
      %shift_right_logical3A_550 = vector.broadcast %shift_right_logical3A_549 : i32 to vector<16xi32>
      %shift_right_logical3A_551 = arith.shrui %get3A_548, %shift_right_logical3A_550 : vector<16xi32>
      %broadcast_in_dim3A_552 = arith.constant 1 : i32
      %broadcast_in_dim3A_553 = vector.broadcast %broadcast_in_dim3A_552 : i32 to vector<16xi32>
      %and3A_554 = arith.constant 3 : i32
      %and3A_555 = vector.broadcast %and3A_554 : i32 to vector<16xi32>
      %and3A_556 = arith.andi %get3A_548, %and3A_555 : vector<16xi32>
      %shift_left3A_557 = arith.constant 3 : i32
      %shift_left3A_558 = vector.broadcast %shift_left3A_557 : i32 to vector<16xi32>
      %shift_left3A_559 = arith.shli %and3A_556, %shift_left3A_558 : vector<16xi32>
      %shift_left3A_560 = arith.shli %broadcast_in_dim3A_553, %shift_left3A_559 : vector<16xi32>
      tpu.vector_store_idx %arg6[%shift_right_logical3A_551], %shift_left3A_560 {add = true} : memref<25008xi32, #tpu.memory_space<vmem>>[vector<16xi32>], vector<16xi32>,
      %mul3A_561 = arith.constant 224 : i32
      %mul3A_562 = arith.muli %scan3A_527, %mul3A_561 : i32
      %add3A_563 = arith.constant 32 : i32
      %add3A_564 = arith.addi %mul3A_562, %add3A_563 : i32
      %get3A_565 = arith.index_cast %add3A_564 : i32 to index
      %get3A_566 = tpu.vector_load %arg4[%get3A_565] {strides = array<i32>} : memref<7168xi32, #tpu.memory_space<vmem>>, vector<16xi32>,
      %shift_right_logical3A_567 = arith.constant 2 : i32
      %shift_right_logical3A_568 = vector.broadcast %shift_right_logical3A_567 : i32 to vector<16xi32>
      %shift_right_logical3A_569 = arith.shrui %get3A_566, %shift_right_logical3A_568 : vector<16xi32>
      %broadcast_in_dim3A_570 = arith.constant 1 : i32
      %broadcast_in_dim3A_571 = vector.broadcast %broadcast_in_dim3A_570 : i32 to vector<16xi32>
      %and3A_572 = arith.constant 3 : i32
      %and3A_573 = vector.broadcast %and3A_572 : i32 to vector<16xi32>
      %and3A_574 = arith.andi %get3A_566, %and3A_573 : vector<16xi32>
      %shift_left3A_575 = arith.constant 3 : i32
      %shift_left3A_576 = vector.broadcast %shift_left3A_575 : i32 to vector<16xi32>
      %shift_left3A_577 = arith.shli %and3A_574, %shift_left3A_576 : vector<16xi32>
      %shift_left3A_578 = arith.shli %broadcast_in_dim3A_571, %shift_left3A_577 : vector<16xi32>
      tpu.vector_store_idx %arg6[%shift_right_logical3A_569], %shift_left3A_578 {add = true} : memref<25008xi32, #tpu.memory_space<vmem>>[vector<16xi32>], vector<16xi32>,
      %mul3A_579 = arith.constant 224 : i32
      %mul3A_580 = arith.muli %scan3A_527, %mul3A_579 : i32
      %add3A_581 = arith.constant 48 : i32
      %add3A_582 = arith.addi %mul3A_580, %add3A_581 : i32
      %get3A_583 = arith.index_cast %add3A_582 : i32 to index
      %get3A_584 = tpu.vector_load %arg4[%get3A_583] {strides = array<i32>} : memref<7168xi32, #tpu.memory_space<vmem>>, vector<16xi32>,
      %shift_right_logical3A_585 = arith.constant 2 : i32
      %shift_right_logical3A_586 = vector.broadcast %shift_right_logical3A_585 : i32 to vector<16xi32>
      %shift_right_logical3A_587 = arith.shrui %get3A_584, %shift_right_logical3A_586 : vector<16xi32>
      %broadcast_in_dim3A_588 = arith.constant 1 : i32
      %broadcast_in_dim3A_589 = vector.broadcast %broadcast_in_dim3A_588 : i32 to vector<16xi32>
      %and3A_590 = arith.constant 3 : i32
      %and3A_591 = vector.broadcast %and3A_590 : i32 to vector<16xi32>
      %and3A_592 = arith.andi %get3A_584, %and3A_591 : vector<16xi32>
      %shift_left3A_593 = arith.constant 3 : i32
      %shift_left3A_594 = vector.broadcast %shift_left3A_593 : i32 to vector<16xi32>
      %shift_left3A_595 = arith.shli %and3A_592, %shift_left3A_594 : vector<16xi32>
      %shift_left3A_596 = arith.shli %broadcast_in_dim3A_589, %shift_left3A_595 : vector<16xi32>
      tpu.vector_store_idx %arg6[%shift_right_logical3A_587], %shift_left3A_596 {add = true} : memref<25008xi32, #tpu.memory_space<vmem>>[vector<16xi32>], vector<16xi32>,
      %mul3A_597 = arith.constant 224 : i32
      %mul3A_598 = arith.muli %scan3A_527, %mul3A_597 : i32
      %add3A_599 = arith.constant 64 : i32
      %add3A_600 = arith.addi %mul3A_598, %add3A_599 : i32
      %get3A_601 = arith.index_cast %add3A_600 : i32 to index
      %get3A_602 = tpu.vector_load %arg4[%get3A_601] {strides = array<i32>} : memref<7168xi32, #tpu.memory_space<vmem>>, vector<16xi32>,
      %shift_right_logical3A_603 = arith.constant 2 : i32
      %shift_right_logical3A_604 = vector.broadcast %shift_right_logical3A_603 : i32 to vector<16xi32>
      %shift_right_logical3A_605 = arith.shrui %get3A_602, %shift_right_logical3A_604 : vector<16xi32>
      %broadcast_in_dim3A_606 = arith.constant 1 : i32
      %broadcast_in_dim3A_607 = vector.broadcast %broadcast_in_dim3A_606 : i32 to vector<16xi32>
      %and3A_608 = arith.constant 3 : i32
      %and3A_609 = vector.broadcast %and3A_608 : i32 to vector<16xi32>
      %and3A_610 = arith.andi %get3A_602, %and3A_609 : vector<16xi32>
      %shift_left3A_611 = arith.constant 3 : i32
      %shift_left3A_612 = vector.broadcast %shift_left3A_611 : i32 to vector<16xi32>
      %shift_left3A_613 = arith.shli %and3A_610, %shift_left3A_612 : vector<16xi32>
      %shift_left3A_614 = arith.shli %broadcast_in_dim3A_607, %shift_left3A_613 : vector<16xi32>
      tpu.vector_store_idx %arg6[%shift_right_logical3A_605], %shift_left3A_614 {add = true} : memref<25008xi32, #tpu.memory_space<vmem>>[vector<16xi32>], vector<16xi32>,
      %mul3A_615 = arith.constant 224 : i32
      %mul3A_616 = arith.muli %scan3A_527, %mul3A_615 : i32
      %add3A_617 = arith.constant 80 : i32
      %add3A_618 = arith.addi %mul3A_616, %add3A_617 : i32
      %get3A_619 = arith.index_cast %add3A_618 : i32 to index
      %get3A_620 = tpu.vector_load %arg4[%get3A_619] {strides = array<i32>} : memref<7168xi32, #tpu.memory_space<vmem>>, vector<16xi32>,
      %shift_right_logical3A_621 = arith.constant 2 : i32
      %shift_right_logical3A_622 = vector.broadcast %shift_right_logical3A_621 : i32 to vector<16xi32>
      %shift_right_logical3A_623 = arith.shrui %get3A_620, %shift_right_logical3A_622 : vector<16xi32>
      %broadcast_in_dim3A_624 = arith.constant 1 : i32
      %broadcast_in_dim3A_625 = vector.broadcast %broadcast_in_dim3A_624 : i32 to vector<16xi32>
      %and3A_626 = arith.constant 3 : i32
      %and3A_627 = vector.broadcast %and3A_626 : i32 to vector<16xi32>
      %and3A_628 = arith.andi %get3A_620, %and3A_627 : vector<16xi32>
      %shift_left3A_629 = arith.constant 3 : i32
      %shift_left3A_630 = vector.broadcast %shift_left3A_629 : i32 to vector<16xi32>
      %shift_left3A_631 = arith.shli %and3A_628, %shift_left3A_630 : vector<16xi32>
      %shift_left3A_632 = arith.shli %broadcast_in_dim3A_625, %shift_left3A_631 : vector<16xi32>
      tpu.vector_store_idx %arg6[%shift_right_logical3A_623], %shift_left3A_632 {add = true} : memref<25008xi32, #tpu.memory_space<vmem>>[vector<16xi32>], vector<16xi32>,
      %mul3A_633 = arith.constant 224 : i32
      %mul3A_634 = arith.muli %scan3A_527, %mul3A_633 : i32
      %add3A_635 = arith.constant 96 : i32
      %add3A_636 = arith.addi %mul3A_634, %add3A_635 : i32
      %get3A_637 = arith.index_cast %add3A_636 : i32 to index
      %get3A_638 = tpu.vector_load %arg4[%get3A_637] {strides = array<i32>} : memref<7168xi32, #tpu.memory_space<vmem>>, vector<16xi32>,
      %shift_right_logical3A_639 = arith.constant 2 : i32
      %shift_right_logical3A_640 = vector.broadcast %shift_right_logical3A_639 : i32 to vector<16xi32>
      %shift_right_logical3A_641 = arith.shrui %get3A_638, %shift_right_logical3A_640 : vector<16xi32>
      %broadcast_in_dim3A_642 = arith.constant 1 : i32
      %broadcast_in_dim3A_643 = vector.broadcast %broadcast_in_dim3A_642 : i32 to vector<16xi32>
      %and3A_644 = arith.constant 3 : i32
      %and3A_645 = vector.broadcast %and3A_644 : i32 to vector<16xi32>
      %and3A_646 = arith.andi %get3A_638, %and3A_645 : vector<16xi32>
      %shift_left3A_647 = arith.constant 3 : i32
      %shift_left3A_648 = vector.broadcast %shift_left3A_647 : i32 to vector<16xi32>
      %shift_left3A_649 = arith.shli %and3A_646, %shift_left3A_648 : vector<16xi32>
      %shift_left3A_650 = arith.shli %broadcast_in_dim3A_643, %shift_left3A_649 : vector<16xi32>
      tpu.vector_store_idx %arg6[%shift_right_logical3A_641], %shift_left3A_650 {add = true} : memref<25008xi32, #tpu.memory_space<vmem>>[vector<16xi32>], vector<16xi32>,
      %mul3A_651 = arith.constant 224 : i32
      %mul3A_652 = arith.muli %scan3A_527, %mul3A_651 : i32
      %add3A_653 = arith.constant 112 : i32
      %add3A_654 = arith.addi %mul3A_652, %add3A_653 : i32
      %get3A_655 = arith.index_cast %add3A_654 : i32 to index
      %get3A_656 = tpu.vector_load %arg4[%get3A_655] {strides = array<i32>} : memref<7168xi32, #tpu.memory_space<vmem>>, vector<16xi32>,
      %shift_right_logical3A_657 = arith.constant 2 : i32
      %shift_right_logical3A_658 = vector.broadcast %shift_right_logical3A_657 : i32 to vector<16xi32>
      %shift_right_logical3A_659 = arith.shrui %get3A_656, %shift_right_logical3A_658 : vector<16xi32>
      %broadcast_in_dim3A_660 = arith.constant 1 : i32
      %broadcast_in_dim3A_661 = vector.broadcast %broadcast_in_dim3A_660 : i32 to vector<16xi32>
      %and3A_662 = arith.constant 3 : i32
      %and3A_663 = vector.broadcast %and3A_662 : i32 to vector<16xi32>
      %and3A_664 = arith.andi %get3A_656, %and3A_663 : vector<16xi32>
      %shift_left3A_665 = arith.constant 3 : i32
      %shift_left3A_666 = vector.broadcast %shift_left3A_665 : i32 to vector<16xi32>
      %shift_left3A_667 = arith.shli %and3A_664, %shift_left3A_666 : vector<16xi32>
      %shift_left3A_668 = arith.shli %broadcast_in_dim3A_661, %shift_left3A_667 : vector<16xi32>
      tpu.vector_store_idx %arg6[%shift_right_logical3A_659], %shift_left3A_668 {add = true} : memref<25008xi32, #tpu.memory_space<vmem>>[vector<16xi32>], vector<16xi32>,
      %mul3A_669 = arith.constant 224 : i32
      %mul3A_670 = arith.muli %scan3A_527, %mul3A_669 : i32
      %add3A_671 = arith.constant 128 : i32
      %add3A_672 = arith.addi %mul3A_670, %add3A_671 : i32
      %get3A_673 = arith.index_cast %add3A_672 : i32 to index
      %get3A_674 = tpu.vector_load %arg4[%get3A_673] {strides = array<i32>} : memref<7168xi32, #tpu.memory_space<vmem>>, vector<16xi32>,
      %shift_right_logical3A_675 = arith.constant 2 : i32
      %shift_right_logical3A_676 = vector.broadcast %shift_right_logical3A_675 : i32 to vector<16xi32>
      %shift_right_logical3A_677 = arith.shrui %get3A_674, %shift_right_logical3A_676 : vector<16xi32>
      %broadcast_in_dim3A_678 = arith.constant 1 : i32
      %broadcast_in_dim3A_679 = vector.broadcast %broadcast_in_dim3A_678 : i32 to vector<16xi32>
      %and3A_680 = arith.constant 3 : i32
      %and3A_681 = vector.broadcast %and3A_680 : i32 to vector<16xi32>
      %and3A_682 = arith.andi %get3A_674, %and3A_681 : vector<16xi32>
      %shift_left3A_683 = arith.constant 3 : i32
      %shift_left3A_684 = vector.broadcast %shift_left3A_683 : i32 to vector<16xi32>
      %shift_left3A_685 = arith.shli %and3A_682, %shift_left3A_684 : vector<16xi32>
      %shift_left3A_686 = arith.shli %broadcast_in_dim3A_679, %shift_left3A_685 : vector<16xi32>
      tpu.vector_store_idx %arg6[%shift_right_logical3A_677], %shift_left3A_686 {add = true} : memref<25008xi32, #tpu.memory_space<vmem>>[vector<16xi32>], vector<16xi32>,
      %mul3A_687 = arith.constant 224 : i32
      %mul3A_688 = arith.muli %scan3A_527, %mul3A_687 : i32
      %add3A_689 = arith.constant 144 : i32
      %add3A_690 = arith.addi %mul3A_688, %add3A_689 : i32
      %get3A_691 = arith.index_cast %add3A_690 : i32 to index
      %get3A_692 = tpu.vector_load %arg4[%get3A_691] {strides = array<i32>} : memref<7168xi32, #tpu.memory_space<vmem>>, vector<16xi32>,
      %shift_right_logical3A_693 = arith.constant 2 : i32
      %shift_right_logical3A_694 = vector.broadcast %shift_right_logical3A_693 : i32 to vector<16xi32>
      %shift_right_logical3A_695 = arith.shrui %get3A_692, %shift_right_logical3A_694 : vector<16xi32>
      %broadcast_in_dim3A_696 = arith.constant 1 : i32
      %broadcast_in_dim3A_697 = vector.broadcast %broadcast_in_dim3A_696 : i32 to vector<16xi32>
      %and3A_698 = arith.constant 3 : i32
      %and3A_699 = vector.broadcast %and3A_698 : i32 to vector<16xi32>
      %and3A_700 = arith.andi %get3A_692, %and3A_699 : vector<16xi32>
      %shift_left3A_701 = arith.constant 3 : i32
      %shift_left3A_702 = vector.broadcast %shift_left3A_701 : i32 to vector<16xi32>
      %shift_left3A_703 = arith.shli %and3A_700, %shift_left3A_702 : vector<16xi32>
      %shift_left3A_704 = arith.shli %broadcast_in_dim3A_697, %shift_left3A_703 : vector<16xi32>
      tpu.vector_store_idx %arg6[%shift_right_logical3A_695], %shift_left3A_704 {add = true} : memref<25008xi32, #tpu.memory_space<vmem>>[vector<16xi32>], vector<16xi32>,
      %mul3A_705 = arith.constant 224 : i32
      %mul3A_706 = arith.muli %scan3A_527, %mul3A_705 : i32
      %add3A_707 = arith.constant 160 : i32
      %add3A_708 = arith.addi %mul3A_706, %add3A_707 : i32
      %get3A_709 = arith.index_cast %add3A_708 : i32 to index
      %get3A_710 = tpu.vector_load %arg4[%get3A_709] {strides = array<i32>} : memref<7168xi32, #tpu.memory_space<vmem>>, vector<16xi32>,
      %shift_right_logical3A_711 = arith.constant 2 : i32
      %shift_right_logical3A_712 = vector.broadcast %shift_right_logical3A_711 : i32 to vector<16xi32>
      %shift_right_logical3A_713 = arith.shrui %get3A_710, %shift_right_logical3A_712 : vector<16xi32>
      %broadcast_in_dim3A_714 = arith.constant 1 : i32
      %broadcast_in_dim3A_715 = vector.broadcast %broadcast_in_dim3A_714 : i32 to vector<16xi32>
      %and3A_716 = arith.constant 3 : i32
      %and3A_717 = vector.broadcast %and3A_716 : i32 to vector<16xi32>
      %and3A_718 = arith.andi %get3A_710, %and3A_717 : vector<16xi32>
      %shift_left3A_719 = arith.constant 3 : i32
      %shift_left3A_720 = vector.broadcast %shift_left3A_719 : i32 to vector<16xi32>
      %shift_left3A_721 = arith.shli %and3A_718, %shift_left3A_720 : vector<16xi32>
      %shift_left3A_722 = arith.shli %broadcast_in_dim3A_715, %shift_left3A_721 : vector<16xi32>
      tpu.vector_store_idx %arg6[%shift_right_logical3A_713], %shift_left3A_722 {add = true} : memref<25008xi32, #tpu.memory_space<vmem>>[vector<16xi32>], vector<16xi32>,
      %mul3A_723 = arith.constant 224 : i32
      %mul3A_724 = arith.muli %scan3A_527, %mul3A_723 : i32
      %add3A_725 = arith.constant 176 : i32
      %add3A_726 = arith.addi %mul3A_724, %add3A_725 : i32
      %get3A_727 = arith.index_cast %add3A_726 : i32 to index
      %get3A_728 = tpu.vector_load %arg4[%get3A_727] {strides = array<i32>} : memref<7168xi32, #tpu.memory_space<vmem>>, vector<16xi32>,
      %shift_right_logical3A_729 = arith.constant 2 : i32
      %shift_right_logical3A_730 = vector.broadcast %shift_right_logical3A_729 : i32 to vector<16xi32>
      %shift_right_logical3A_731 = arith.shrui %get3A_728, %shift_right_logical3A_730 : vector<16xi32>
      %broadcast_in_dim3A_732 = arith.constant 1 : i32
      %broadcast_in_dim3A_733 = vector.broadcast %broadcast_in_dim3A_732 : i32 to vector<16xi32>
      %and3A_734 = arith.constant 3 : i32
      %and3A_735 = vector.broadcast %and3A_734 : i32 to vector<16xi32>
      %and3A_736 = arith.andi %get3A_728, %and3A_735 : vector<16xi32>
      %shift_left3A_737 = arith.constant 3 : i32
      %shift_left3A_738 = vector.broadcast %shift_left3A_737 : i32 to vector<16xi32>
      %shift_left3A_739 = arith.shli %and3A_736, %shift_left3A_738 : vector<16xi32>
      %shift_left3A_740 = arith.shli %broadcast_in_dim3A_733, %shift_left3A_739 : vector<16xi32>
      tpu.vector_store_idx %arg6[%shift_right_logical3A_731], %shift_left3A_740 {add = true} : memref<25008xi32, #tpu.memory_space<vmem>>[vector<16xi32>], vector<16xi32>,
      %mul3A_741 = arith.constant 224 : i32
      %mul3A_742 = arith.muli %scan3A_527, %mul3A_741 : i32
      %add3A_743 = arith.constant 192 : i32
      %add3A_744 = arith.addi %mul3A_742, %add3A_743 : i32
      %get3A_745 = arith.index_cast %add3A_744 : i32 to index
      %get3A_746 = tpu.vector_load %arg4[%get3A_745] {strides = array<i32>} : memref<7168xi32, #tpu.memory_space<vmem>>, vector<16xi32>,
      %shift_right_logical3A_747 = arith.constant 2 : i32
      %shift_right_logical3A_748 = vector.broadcast %shift_right_logical3A_747 : i32 to vector<16xi32>
      %shift_right_logical3A_749 = arith.shrui %get3A_746, %shift_right_logical3A_748 : vector<16xi32>
      %broadcast_in_dim3A_750 = arith.constant 1 : i32
      %broadcast_in_dim3A_751 = vector.broadcast %broadcast_in_dim3A_750 : i32 to vector<16xi32>
      %and3A_752 = arith.constant 3 : i32
      %and3A_753 = vector.broadcast %and3A_752 : i32 to vector<16xi32>
      %and3A_754 = arith.andi %get3A_746, %and3A_753 : vector<16xi32>
      %shift_left3A_755 = arith.constant 3 : i32
      %shift_left3A_756 = vector.broadcast %shift_left3A_755 : i32 to vector<16xi32>
      %shift_left3A_757 = arith.shli %and3A_754, %shift_left3A_756 : vector<16xi32>
      %shift_left3A_758 = arith.shli %broadcast_in_dim3A_751, %shift_left3A_757 : vector<16xi32>
      tpu.vector_store_idx %arg6[%shift_right_logical3A_749], %shift_left3A_758 {add = true} : memref<25008xi32, #tpu.memory_space<vmem>>[vector<16xi32>], vector<16xi32>,
      %mul3A_759 = arith.constant 224 : i32
      %mul3A_760 = arith.muli %scan3A_527, %mul3A_759 : i32
      %add3A_761 = arith.constant 208 : i32
      %add3A_762 = arith.addi %mul3A_760, %add3A_761 : i32
      %get3A_763 = arith.index_cast %add3A_762 : i32 to index
      %get3A_764 = tpu.vector_load %arg4[%get3A_763] {strides = array<i32>} : memref<7168xi32, #tpu.memory_space<vmem>>, vector<16xi32>,
      %shift_right_logical3A_765 = arith.constant 2 : i32
      %shift_right_logical3A_766 = vector.broadcast %shift_right_logical3A_765 : i32 to vector<16xi32>
      %shift_right_logical3A_767 = arith.shrui %get3A_764, %shift_right_logical3A_766 : vector<16xi32>
      %broadcast_in_dim3A_768 = arith.constant 1 : i32
      %broadcast_in_dim3A_769 = vector.broadcast %broadcast_in_dim3A_768 : i32 to vector<16xi32>
      %and3A_770 = arith.constant 3 : i32
      %and3A_771 = vector.broadcast %and3A_770 : i32 to vector<16xi32>
      %and3A_772 = arith.andi %get3A_764, %and3A_771 : vector<16xi32>
      %shift_left3A_773 = arith.constant 3 : i32
      %shift_left3A_774 = vector.broadcast %shift_left3A_773 : i32 to vector<16xi32>
      %shift_left3A_775 = arith.shli %and3A_772, %shift_left3A_774 : vector<16xi32>
      %shift_left3A_776 = arith.shli %broadcast_in_dim3A_769, %shift_left3A_775 : vector<16xi32>
      tpu.vector_store_idx %arg6[%shift_right_logical3A_767], %shift_left3A_776 {add = true} : memref<25008xi32, #tpu.memory_space<vmem>>[vector<16xi32>], vector<16xi32>,
      %mul3A_777 = arith.constant 224 : i32
      %mul3A_778 = arith.muli %scan3A_527, %mul3A_777 : i32
      %add3A_779 = arith.constant 0 : i32
      %add3A_780 = arith.addi %mul3A_778, %add3A_779 : i32
      %get3A_781 = arith.index_cast %add3A_780 : i32 to index
      %get3A_782 = tpu.vector_load %arg4[%get3A_781] {strides = array<i32>} : memref<7168xi32, #tpu.memory_space<vmem>>, vector<16xi32>,
      %shift_right_logical3A_783 = arith.constant 2 : i32
      %shift_right_logical3A_784 = vector.broadcast %shift_right_logical3A_783 : i32 to vector<16xi32>
      %shift_right_logical3A_785 = arith.shrui %get3A_782, %shift_right_logical3A_784 : vector<16xi32>
      %gather3A = tpu.vector_load_idx %arg6[%shift_right_logical3A_785] : memref<25008xi32, #tpu.memory_space<vmem>>[vector<16xi32>], vector<16xi32>,
      %shift_right_logical3A_786 = arith.constant 1 : i32
      %shift_right_logical3A_787 = vector.broadcast %shift_right_logical3A_786 : i32 to vector<16xi32>
      %shift_right_logical3A_788 = arith.shrui %gather3A, %shift_right_logical3A_787 : vector<16xi32>
      %and3A_789 = arith.constant 2139062143 : i32
      %and3A_790 = vector.broadcast %and3A_789 : i32 to vector<16xi32>
      %and3A_791 = arith.andi %shift_right_logical3A_788, %and3A_790 : vector<16xi32>
      %or3A = arith.ori %gather3A, %and3A_791 : vector<16xi32>
      %shift_right_logical3A_792 = arith.constant 2 : i32
      %shift_right_logical3A_793 = vector.broadcast %shift_right_logical3A_792 : i32 to vector<16xi32>
      %shift_right_logical3A_794 = arith.shrui %or3A, %shift_right_logical3A_793 : vector<16xi32>
      %and3A_795 = arith.constant 1061109567 : i32
      %and3A_796 = vector.broadcast %and3A_795 : i32 to vector<16xi32>
      %and3A_797 = arith.andi %shift_right_logical3A_794, %and3A_796 : vector<16xi32>
      %or3A_798 = arith.ori %or3A, %and3A_797 : vector<16xi32>
      %shift_right_logical3A_799 = arith.constant 4 : i32
      %shift_right_logical3A_800 = vector.broadcast %shift_right_logical3A_799 : i32 to vector<16xi32>
      %shift_right_logical3A_801 = arith.shrui %or3A_798, %shift_right_logical3A_800 : vector<16xi32>
      %and3A_802 = arith.constant 252645135 : i32
      %and3A_803 = vector.broadcast %and3A_802 : i32 to vector<16xi32>
      %and3A_804 = arith.andi %shift_right_logical3A_801, %and3A_803 : vector<16xi32>
      %or3A_805 = arith.ori %or3A_798, %and3A_804 : vector<16xi32>
      %and3A_806 = arith.constant 16843009 : i32
      %and3A_807 = vector.broadcast %and3A_806 : i32 to vector<16xi32>
      %and3A_808 = arith.andi %or3A_805, %and3A_807 : vector<16xi32>
      %swap3A = arith.constant 0 : index
      %swap3A_809 = tpu.vector_load %arg7[%swap3A] {strides = array<i32>} : memref<224xi32, #tpu.memory_space<vmem>>, vector<16xi32>,
      tpu.vector_store %arg7[%swap3A], %and3A_808 {strides = array<i32>} : memref<224xi32, #tpu.memory_space<vmem>>, vector<16xi32>,
      %mul3A_810 = arith.constant 25000 : i32
      %mul3A_811 = arith.muli %add3A_528, %mul3A_810 : i32
      %add3A_812 = vector.broadcast %mul3A_811 : i32 to vector<16xi32>
      %add3A_813 = arith.addi %add3A_812, %shift_right_logical3A_785 : vector<16xi32>
      %swap3A_814 = arith.constant 0 : i32
      %swap3A_815 = arith.index_cast %swap3A_814 : i32 to index
      %swap3A_816 = arith.constant 0 : index
      %swap3A_817 = tpu.vector_load %arg8[%swap3A_815, %swap3A_816] {strides = array<i32>} : memref<2x112xi32, #tpu.memory_space<vmem>>, vector<16xi32>,
      tpu.vector_store %arg8[%swap3A_815, %swap3A_816], %add3A_813 {strides = array<i32>} : memref<2x112xi32, #tpu.memory_space<vmem>>, vector<16xi32>,
      %mul3A_818 = arith.constant 224 : i32
      %mul3A_819 = arith.muli %scan3A_527, %mul3A_818 : i32
      %add3A_820 = arith.constant 16 : i32
      %add3A_821 = arith.addi %mul3A_819, %add3A_820 : i32
      %get3A_822 = arith.index_cast %add3A_821 : i32 to index
      %get3A_823 = tpu.vector_load %arg4[%get3A_822] {strides = array<i32>} : memref<7168xi32, #tpu.memory_space<vmem>>, vector<16xi32>,
      %shift_right_logical3A_824 = arith.constant 2 : i32
      %shift_right_logical3A_825 = vector.broadcast %shift_right_logical3A_824 : i32 to vector<16xi32>
      %shift_right_logical3A_826 = arith.shrui %get3A_823, %shift_right_logical3A_825 : vector<16xi32>
      %gather3A_827 = tpu.vector_load_idx %arg6[%shift_right_logical3A_826] : memref<25008xi32, #tpu.memory_space<vmem>>[vector<16xi32>], vector<16xi32>,
      %shift_right_logical3A_828 = arith.constant 1 : i32
      %shift_right_logical3A_829 = vector.broadcast %shift_right_logical3A_828 : i32 to vector<16xi32>
      %shift_right_logical3A_830 = arith.shrui %gather3A_827, %shift_right_logical3A_829 : vector<16xi32>
      %and3A_831 = arith.constant 2139062143 : i32
      %and3A_832 = vector.broadcast %and3A_831 : i32 to vector<16xi32>
      %and3A_833 = arith.andi %shift_right_logical3A_830, %and3A_832 : vector<16xi32>
      %or3A_834 = arith.ori %gather3A_827, %and3A_833 : vector<16xi32>
      %shift_right_logical3A_835 = arith.constant 2 : i32
      %shift_right_logical3A_836 = vector.broadcast %shift_right_logical3A_835 : i32 to vector<16xi32>
      %shift_right_logical3A_837 = arith.shrui %or3A_834, %shift_right_logical3A_836 : vector<16xi32>
      %and3A_838 = arith.constant 1061109567 : i32
      %and3A_839 = vector.broadcast %and3A_838 : i32 to vector<16xi32>
      %and3A_840 = arith.andi %shift_right_logical3A_837, %and3A_839 : vector<16xi32>
      %or3A_841 = arith.ori %or3A_834, %and3A_840 : vector<16xi32>
      %shift_right_logical3A_842 = arith.constant 4 : i32
      %shift_right_logical3A_843 = vector.broadcast %shift_right_logical3A_842 : i32 to vector<16xi32>
      %shift_right_logical3A_844 = arith.shrui %or3A_841, %shift_right_logical3A_843 : vector<16xi32>
      %and3A_845 = arith.constant 252645135 : i32
      %and3A_846 = vector.broadcast %and3A_845 : i32 to vector<16xi32>
      %and3A_847 = arith.andi %shift_right_logical3A_844, %and3A_846 : vector<16xi32>
      %or3A_848 = arith.ori %or3A_841, %and3A_847 : vector<16xi32>
      %and3A_849 = arith.constant 16843009 : i32
      %and3A_850 = vector.broadcast %and3A_849 : i32 to vector<16xi32>
      %and3A_851 = arith.andi %or3A_848, %and3A_850 : vector<16xi32>
      %swap3A_852 = arith.constant 16 : index
      %swap3A_853 = tpu.vector_load %arg7[%swap3A_852] {strides = array<i32>} : memref<224xi32, #tpu.memory_space<vmem>>, vector<16xi32>,
      tpu.vector_store %arg7[%swap3A_852], %and3A_851 {strides = array<i32>} : memref<224xi32, #tpu.memory_space<vmem>>, vector<16xi32>,
      %mul3A_854 = arith.constant 25000 : i32
      %mul3A_855 = arith.muli %add3A_528, %mul3A_854 : i32
      %add3A_856 = vector.broadcast %mul3A_855 : i32 to vector<16xi32>
      %add3A_857 = arith.addi %add3A_856, %shift_right_logical3A_826 : vector<16xi32>
      %swap3A_858 = arith.constant 0 : i32
      %swap3A_859 = arith.index_cast %swap3A_858 : i32 to index
      %swap3A_860 = arith.constant 16 : index
      %swap3A_861 = tpu.vector_load %arg8[%swap3A_859, %swap3A_860] {strides = array<i32>} : memref<2x112xi32, #tpu.memory_space<vmem>>, vector<16xi32>,
      tpu.vector_store %arg8[%swap3A_859, %swap3A_860], %add3A_857 {strides = array<i32>} : memref<2x112xi32, #tpu.memory_space<vmem>>, vector<16xi32>,
      %mul3A_862 = arith.constant 224 : i32
      %mul3A_863 = arith.muli %scan3A_527, %mul3A_862 : i32
      %add3A_864 = arith.constant 32 : i32
      %add3A_865 = arith.addi %mul3A_863, %add3A_864 : i32
      %get3A_866 = arith.index_cast %add3A_865 : i32 to index
      %get3A_867 = tpu.vector_load %arg4[%get3A_866] {strides = array<i32>} : memref<7168xi32, #tpu.memory_space<vmem>>, vector<16xi32>,
      %shift_right_logical3A_868 = arith.constant 2 : i32
      %shift_right_logical3A_869 = vector.broadcast %shift_right_logical3A_868 : i32 to vector<16xi32>
      %shift_right_logical3A_870 = arith.shrui %get3A_867, %shift_right_logical3A_869 : vector<16xi32>
      %gather3A_871 = tpu.vector_load_idx %arg6[%shift_right_logical3A_870] : memref<25008xi32, #tpu.memory_space<vmem>>[vector<16xi32>], vector<16xi32>,
      %shift_right_logical3A_872 = arith.constant 1 : i32
      %shift_right_logical3A_873 = vector.broadcast %shift_right_logical3A_872 : i32 to vector<16xi32>
      %shift_right_logical3A_874 = arith.shrui %gather3A_871, %shift_right_logical3A_873 : vector<16xi32>
      %and3A_875 = arith.constant 2139062143 : i32
      %and3A_876 = vector.broadcast %and3A_875 : i32 to vector<16xi32>
      %and3A_877 = arith.andi %shift_right_logical3A_874, %and3A_876 : vector<16xi32>
      %or3A_878 = arith.ori %gather3A_871, %and3A_877 : vector<16xi32>
      %shift_right_logical3A_879 = arith.constant 2 : i32
      %shift_right_logical3A_880 = vector.broadcast %shift_right_logical3A_879 : i32 to vector<16xi32>
      %shift_right_logical3A_881 = arith.shrui %or3A_878, %shift_right_logical3A_880 : vector<16xi32>
      %and3A_882 = arith.constant 1061109567 : i32
      %and3A_883 = vector.broadcast %and3A_882 : i32 to vector<16xi32>
      %and3A_884 = arith.andi %shift_right_logical3A_881, %and3A_883 : vector<16xi32>
      %or3A_885 = arith.ori %or3A_878, %and3A_884 : vector<16xi32>
      %shift_right_logical3A_886 = arith.constant 4 : i32
      %shift_right_logical3A_887 = vector.broadcast %shift_right_logical3A_886 : i32 to vector<16xi32>
      %shift_right_logical3A_888 = arith.shrui %or3A_885, %shift_right_logical3A_887 : vector<16xi32>
      %and3A_889 = arith.constant 252645135 : i32
      %and3A_890 = vector.broadcast %and3A_889 : i32 to vector<16xi32>
      %and3A_891 = arith.andi %shift_right_logical3A_888, %and3A_890 : vector<16xi32>
      %or3A_892 = arith.ori %or3A_885, %and3A_891 : vector<16xi32>
      %and3A_893 = arith.constant 16843009 : i32
      %and3A_894 = vector.broadcast %and3A_893 : i32 to vector<16xi32>
      %and3A_895 = arith.andi %or3A_892, %and3A_894 : vector<16xi32>
      %swap3A_896 = arith.constant 32 : index
      %swap3A_897 = tpu.vector_load %arg7[%swap3A_896] {strides = array<i32>} : memref<224xi32, #tpu.memory_space<vmem>>, vector<16xi32>,
      tpu.vector_store %arg7[%swap3A_896], %and3A_895 {strides = array<i32>} : memref<224xi32, #tpu.memory_space<vmem>>, vector<16xi32>,
      %mul3A_898 = arith.constant 25000 : i32
      %mul3A_899 = arith.muli %add3A_528, %mul3A_898 : i32
      %add3A_900 = vector.broadcast %mul3A_899 : i32 to vector<16xi32>
      %add3A_901 = arith.addi %add3A_900, %shift_right_logical3A_870 : vector<16xi32>
      %swap3A_902 = arith.constant 0 : i32
      %swap3A_903 = arith.index_cast %swap3A_902 : i32 to index
      %swap3A_904 = arith.constant 32 : index
      %swap3A_905 = tpu.vector_load %arg8[%swap3A_903, %swap3A_904] {strides = array<i32>} : memref<2x112xi32, #tpu.memory_space<vmem>>, vector<16xi32>,
      tpu.vector_store %arg8[%swap3A_903, %swap3A_904], %add3A_901 {strides = array<i32>} : memref<2x112xi32, #tpu.memory_space<vmem>>, vector<16xi32>,
      %mul3A_906 = arith.constant 224 : i32
      %mul3A_907 = arith.muli %scan3A_527, %mul3A_906 : i32
      %add3A_908 = arith.constant 48 : i32
      %add3A_909 = arith.addi %mul3A_907, %add3A_908 : i32
      %get3A_910 = arith.index_cast %add3A_909 : i32 to index
      %get3A_911 = tpu.vector_load %arg4[%get3A_910] {strides = array<i32>} : memref<7168xi32, #tpu.memory_space<vmem>>, vector<16xi32>,
      %shift_right_logical3A_912 = arith.constant 2 : i32
      %shift_right_logical3A_913 = vector.broadcast %shift_right_logical3A_912 : i32 to vector<16xi32>
      %shift_right_logical3A_914 = arith.shrui %get3A_911, %shift_right_logical3A_913 : vector<16xi32>
      %gather3A_915 = tpu.vector_load_idx %arg6[%shift_right_logical3A_914] : memref<25008xi32, #tpu.memory_space<vmem>>[vector<16xi32>], vector<16xi32>,
      %shift_right_logical3A_916 = arith.constant 1 : i32
      %shift_right_logical3A_917 = vector.broadcast %shift_right_logical3A_916 : i32 to vector<16xi32>
      %shift_right_logical3A_918 = arith.shrui %gather3A_915, %shift_right_logical3A_917 : vector<16xi32>
      %and3A_919 = arith.constant 2139062143 : i32
      %and3A_920 = vector.broadcast %and3A_919 : i32 to vector<16xi32>
      %and3A_921 = arith.andi %shift_right_logical3A_918, %and3A_920 : vector<16xi32>
      %or3A_922 = arith.ori %gather3A_915, %and3A_921 : vector<16xi32>
      %shift_right_logical3A_923 = arith.constant 2 : i32
      %shift_right_logical3A_924 = vector.broadcast %shift_right_logical3A_923 : i32 to vector<16xi32>
      %shift_right_logical3A_925 = arith.shrui %or3A_922, %shift_right_logical3A_924 : vector<16xi32>
      %and3A_926 = arith.constant 1061109567 : i32
      %and3A_927 = vector.broadcast %and3A_926 : i32 to vector<16xi32>
      %and3A_928 = arith.andi %shift_right_logical3A_925, %and3A_927 : vector<16xi32>
      %or3A_929 = arith.ori %or3A_922, %and3A_928 : vector<16xi32>
      %shift_right_logical3A_930 = arith.constant 4 : i32
      %shift_right_logical3A_931 = vector.broadcast %shift_right_logical3A_930 : i32 to vector<16xi32>
      %shift_right_logical3A_932 = arith.shrui %or3A_929, %shift_right_logical3A_931 : vector<16xi32>
      %and3A_933 = arith.constant 252645135 : i32
      %and3A_934 = vector.broadcast %and3A_933 : i32 to vector<16xi32>
      %and3A_935 = arith.andi %shift_right_logical3A_932, %and3A_934 : vector<16xi32>
      %or3A_936 = arith.ori %or3A_929, %and3A_935 : vector<16xi32>
      %and3A_937 = arith.constant 16843009 : i32
      %and3A_938 = vector.broadcast %and3A_937 : i32 to vector<16xi32>
      %and3A_939 = arith.andi %or3A_936, %and3A_938 : vector<16xi32>
      %swap3A_940 = arith.constant 48 : index
      %swap3A_941 = tpu.vector_load %arg7[%swap3A_940] {strides = array<i32>} : memref<224xi32, #tpu.memory_space<vmem>>, vector<16xi32>,
      tpu.vector_store %arg7[%swap3A_940], %and3A_939 {strides = array<i32>} : memref<224xi32, #tpu.memory_space<vmem>>, vector<16xi32>,
      %mul3A_942 = arith.constant 25000 : i32
      %mul3A_943 = arith.muli %add3A_528, %mul3A_942 : i32
      %add3A_944 = vector.broadcast %mul3A_943 : i32 to vector<16xi32>
      %add3A_945 = arith.addi %add3A_944, %shift_right_logical3A_914 : vector<16xi32>
      %swap3A_946 = arith.constant 0 : i32
      %swap3A_947 = arith.index_cast %swap3A_946 : i32 to index
      %swap3A_948 = arith.constant 48 : index
      %swap3A_949 = tpu.vector_load %arg8[%swap3A_947, %swap3A_948] {strides = array<i32>} : memref<2x112xi32, #tpu.memory_space<vmem>>, vector<16xi32>,
      tpu.vector_store %arg8[%swap3A_947, %swap3A_948], %add3A_945 {strides = array<i32>} : memref<2x112xi32, #tpu.memory_space<vmem>>, vector<16xi32>,
      %mul3A_950 = arith.constant 224 : i32
      %mul3A_951 = arith.muli %scan3A_527, %mul3A_950 : i32
      %add3A_952 = arith.constant 64 : i32
      %add3A_953 = arith.addi %mul3A_951, %add3A_952 : i32
      %get3A_954 = arith.index_cast %add3A_953 : i32 to index
      %get3A_955 = tpu.vector_load %arg4[%get3A_954] {strides = array<i32>} : memref<7168xi32, #tpu.memory_space<vmem>>, vector<16xi32>,
      %shift_right_logical3A_956 = arith.constant 2 : i32
      %shift_right_logical3A_957 = vector.broadcast %shift_right_logical3A_956 : i32 to vector<16xi32>
      %shift_right_logical3A_958 = arith.shrui %get3A_955, %shift_right_logical3A_957 : vector<16xi32>
      %gather3A_959 = tpu.vector_load_idx %arg6[%shift_right_logical3A_958] : memref<25008xi32, #tpu.memory_space<vmem>>[vector<16xi32>], vector<16xi32>,
      %shift_right_logical3A_960 = arith.constant 1 : i32
      %shift_right_logical3A_961 = vector.broadcast %shift_right_logical3A_960 : i32 to vector<16xi32>
      %shift_right_logical3A_962 = arith.shrui %gather3A_959, %shift_right_logical3A_961 : vector<16xi32>
      %and3A_963 = arith.constant 2139062143 : i32
      %and3A_964 = vector.broadcast %and3A_963 : i32 to vector<16xi32>
      %and3A_965 = arith.andi %shift_right_logical3A_962, %and3A_964 : vector<16xi32>
      %or3A_966 = arith.ori %gather3A_959, %and3A_965 : vector<16xi32>
      %shift_right_logical3A_967 = arith.constant 2 : i32
      %shift_right_logical3A_968 = vector.broadcast %shift_right_logical3A_967 : i32 to vector<16xi32>
      %shift_right_logical3A_969 = arith.shrui %or3A_966, %shift_right_logical3A_968 : vector<16xi32>
      %and3A_970 = arith.constant 1061109567 : i32
      %and3A_971 = vector.broadcast %and3A_970 : i32 to vector<16xi32>
      %and3A_972 = arith.andi %shift_right_logical3A_969, %and3A_971 : vector<16xi32>
      %or3A_973 = arith.ori %or3A_966, %and3A_972 : vector<16xi32>
      %shift_right_logical3A_974 = arith.constant 4 : i32
      %shift_right_logical3A_975 = vector.broadcast %shift_right_logical3A_974 : i32 to vector<16xi32>
      %shift_right_logical3A_976 = arith.shrui %or3A_973, %shift_right_logical3A_975 : vector<16xi32>
      %and3A_977 = arith.constant 252645135 : i32
      %and3A_978 = vector.broadcast %and3A_977 : i32 to vector<16xi32>
      %and3A_979 = arith.andi %shift_right_logical3A_976, %and3A_978 : vector<16xi32>
      %or3A_980 = arith.ori %or3A_973, %and3A_979 : vector<16xi32>
      %and3A_981 = arith.constant 16843009 : i32
      %and3A_982 = vector.broadcast %and3A_981 : i32 to vector<16xi32>
      %and3A_983 = arith.andi %or3A_980, %and3A_982 : vector<16xi32>
      %swap3A_984 = arith.constant 64 : index
      %swap3A_985 = tpu.vector_load %arg7[%swap3A_984] {strides = array<i32>} : memref<224xi32, #tpu.memory_space<vmem>>, vector<16xi32>,
      tpu.vector_store %arg7[%swap3A_984], %and3A_983 {strides = array<i32>} : memref<224xi32, #tpu.memory_space<vmem>>, vector<16xi32>,
      %mul3A_986 = arith.constant 25000 : i32
      %mul3A_987 = arith.muli %add3A_528, %mul3A_986 : i32
      %add3A_988 = vector.broadcast %mul3A_987 : i32 to vector<16xi32>
      %add3A_989 = arith.addi %add3A_988, %shift_right_logical3A_958 : vector<16xi32>
      %swap3A_990 = arith.constant 0 : i32
      %swap3A_991 = arith.index_cast %swap3A_990 : i32 to index
      %swap3A_992 = arith.constant 64 : index
      %swap3A_993 = tpu.vector_load %arg8[%swap3A_991, %swap3A_992] {strides = array<i32>} : memref<2x112xi32, #tpu.memory_space<vmem>>, vector<16xi32>,
      tpu.vector_store %arg8[%swap3A_991, %swap3A_992], %add3A_989 {strides = array<i32>} : memref<2x112xi32, #tpu.memory_space<vmem>>, vector<16xi32>,
      %mul3A_994 = arith.constant 224 : i32
      %mul3A_995 = arith.muli %scan3A_527, %mul3A_994 : i32
      %add3A_996 = arith.constant 80 : i32
      %add3A_997 = arith.addi %mul3A_995, %add3A_996 : i32
      %get3A_998 = arith.index_cast %add3A_997 : i32 to index
      %get3A_999 = tpu.vector_load %arg4[%get3A_998] {strides = array<i32>} : memref<7168xi32, #tpu.memory_space<vmem>>, vector<16xi32>,
      %shift_right_logical3A_1000 = arith.constant 2 : i32
      %shift_right_logical3A_1001 = vector.broadcast %shift_right_logical3A_1000 : i32 to vector<16xi32>
      %shift_right_logical3A_1002 = arith.shrui %get3A_999, %shift_right_logical3A_1001 : vector<16xi32>
      %gather3A_1003 = tpu.vector_load_idx %arg6[%shift_right_logical3A_1002] : memref<25008xi32, #tpu.memory_space<vmem>>[vector<16xi32>], vector<16xi32>,
      %shift_right_logical3A_1004 = arith.constant 1 : i32
      %shift_right_logical3A_1005 = vector.broadcast %shift_right_logical3A_1004 : i32 to vector<16xi32>
      %shift_right_logical3A_1006 = arith.shrui %gather3A_1003, %shift_right_logical3A_1005 : vector<16xi32>
      %and3A_1007 = arith.constant 2139062143 : i32
      %and3A_1008 = vector.broadcast %and3A_1007 : i32 to vector<16xi32>
      %and3A_1009 = arith.andi %shift_right_logical3A_1006, %and3A_1008 : vector<16xi32>
      %or3A_1010 = arith.ori %gather3A_1003, %and3A_1009 : vector<16xi32>
      %shift_right_logical3A_1011 = arith.constant 2 : i32
      %shift_right_logical3A_1012 = vector.broadcast %shift_right_logical3A_1011 : i32 to vector<16xi32>
      %shift_right_logical3A_1013 = arith.shrui %or3A_1010, %shift_right_logical3A_1012 : vector<16xi32>
      %and3A_1014 = arith.constant 1061109567 : i32
      %and3A_1015 = vector.broadcast %and3A_1014 : i32 to vector<16xi32>
      %and3A_1016 = arith.andi %shift_right_logical3A_1013, %and3A_1015 : vector<16xi32>
      %or3A_1017 = arith.ori %or3A_1010, %and3A_1016 : vector<16xi32>
      %shift_right_logical3A_1018 = arith.constant 4 : i32
      %shift_right_logical3A_1019 = vector.broadcast %shift_right_logical3A_1018 : i32 to vector<16xi32>
      %shift_right_logical3A_1020 = arith.shrui %or3A_1017, %shift_right_logical3A_1019 : vector<16xi32>
      %and3A_1021 = arith.constant 252645135 : i32
      %and3A_1022 = vector.broadcast %and3A_1021 : i32 to vector<16xi32>
      %and3A_1023 = arith.andi %shift_right_logical3A_1020, %and3A_1022 : vector<16xi32>
      %or3A_1024 = arith.ori %or3A_1017, %and3A_1023 : vector<16xi32>
      %and3A_1025 = arith.constant 16843009 : i32
      %and3A_1026 = vector.broadcast %and3A_1025 : i32 to vector<16xi32>
      %and3A_1027 = arith.andi %or3A_1024, %and3A_1026 : vector<16xi32>
      %swap3A_1028 = arith.constant 80 : index
      %swap3A_1029 = tpu.vector_load %arg7[%swap3A_1028] {strides = array<i32>} : memref<224xi32, #tpu.memory_space<vmem>>, vector<16xi32>,
      tpu.vector_store %arg7[%swap3A_1028], %and3A_1027 {strides = array<i32>} : memref<224xi32, #tpu.memory_space<vmem>>, vector<16xi32>,
      %mul3A_1030 = arith.constant 25000 : i32
      %mul3A_1031 = arith.muli %add3A_528, %mul3A_1030 : i32
      %add3A_1032 = vector.broadcast %mul3A_1031 : i32 to vector<16xi32>
      %add3A_1033 = arith.addi %add3A_1032, %shift_right_logical3A_1002 : vector<16xi32>
      %swap3A_1034 = arith.constant 0 : i32
      %swap3A_1035 = arith.index_cast %swap3A_1034 : i32 to index
      %swap3A_1036 = arith.constant 80 : index
      %swap3A_1037 = tpu.vector_load %arg8[%swap3A_1035, %swap3A_1036] {strides = array<i32>} : memref<2x112xi32, #tpu.memory_space<vmem>>, vector<16xi32>,
      tpu.vector_store %arg8[%swap3A_1035, %swap3A_1036], %add3A_1033 {strides = array<i32>} : memref<2x112xi32, #tpu.memory_space<vmem>>, vector<16xi32>,
      %mul3A_1038 = arith.constant 224 : i32
      %mul3A_1039 = arith.muli %scan3A_527, %mul3A_1038 : i32
      %add3A_1040 = arith.constant 96 : i32
      %add3A_1041 = arith.addi %mul3A_1039, %add3A_1040 : i32
      %get3A_1042 = arith.index_cast %add3A_1041 : i32 to index
      %get3A_1043 = tpu.vector_load %arg4[%get3A_1042] {strides = array<i32>} : memref<7168xi32, #tpu.memory_space<vmem>>, vector<16xi32>,
      %shift_right_logical3A_1044 = arith.constant 2 : i32
      %shift_right_logical3A_1045 = vector.broadcast %shift_right_logical3A_1044 : i32 to vector<16xi32>
      %shift_right_logical3A_1046 = arith.shrui %get3A_1043, %shift_right_logical3A_1045 : vector<16xi32>
      %gather3A_1047 = tpu.vector_load_idx %arg6[%shift_right_logical3A_1046] : memref<25008xi32, #tpu.memory_space<vmem>>[vector<16xi32>], vector<16xi32>,
      %shift_right_logical3A_1048 = arith.constant 1 : i32
      %shift_right_logical3A_1049 = vector.broadcast %shift_right_logical3A_1048 : i32 to vector<16xi32>
      %shift_right_logical3A_1050 = arith.shrui %gather3A_1047, %shift_right_logical3A_1049 : vector<16xi32>
      %and3A_1051 = arith.constant 2139062143 : i32
      %and3A_1052 = vector.broadcast %and3A_1051 : i32 to vector<16xi32>
      %and3A_1053 = arith.andi %shift_right_logical3A_1050, %and3A_1052 : vector<16xi32>
      %or3A_1054 = arith.ori %gather3A_1047, %and3A_1053 : vector<16xi32>
      %shift_right_logical3A_1055 = arith.constant 2 : i32
      %shift_right_logical3A_1056 = vector.broadcast %shift_right_logical3A_1055 : i32 to vector<16xi32>
      %shift_right_logical3A_1057 = arith.shrui %or3A_1054, %shift_right_logical3A_1056 : vector<16xi32>
      %and3A_1058 = arith.constant 1061109567 : i32
      %and3A_1059 = vector.broadcast %and3A_1058 : i32 to vector<16xi32>
      %and3A_1060 = arith.andi %shift_right_logical3A_1057, %and3A_1059 : vector<16xi32>
      %or3A_1061 = arith.ori %or3A_1054, %and3A_1060 : vector<16xi32>
      %shift_right_logical3A_1062 = arith.constant 4 : i32
      %shift_right_logical3A_1063 = vector.broadcast %shift_right_logical3A_1062 : i32 to vector<16xi32>
      %shift_right_logical3A_1064 = arith.shrui %or3A_1061, %shift_right_logical3A_1063 : vector<16xi32>
      %and3A_1065 = arith.constant 252645135 : i32
      %and3A_1066 = vector.broadcast %and3A_1065 : i32 to vector<16xi32>
      %and3A_1067 = arith.andi %shift_right_logical3A_1064, %and3A_1066 : vector<16xi32>
      %or3A_1068 = arith.ori %or3A_1061, %and3A_1067 : vector<16xi32>
      %and3A_1069 = arith.constant 16843009 : i32
      %and3A_1070 = vector.broadcast %and3A_1069 : i32 to vector<16xi32>
      %and3A_1071 = arith.andi %or3A_1068, %and3A_1070 : vector<16xi32>
      %swap3A_1072 = arith.constant 96 : index
      %swap3A_1073 = tpu.vector_load %arg7[%swap3A_1072] {strides = array<i32>} : memref<224xi32, #tpu.memory_space<vmem>>, vector<16xi32>,
      tpu.vector_store %arg7[%swap3A_1072], %and3A_1071 {strides = array<i32>} : memref<224xi32, #tpu.memory_space<vmem>>, vector<16xi32>,
      %mul3A_1074 = arith.constant 25000 : i32
      %mul3A_1075 = arith.muli %add3A_528, %mul3A_1074 : i32
      %add3A_1076 = vector.broadcast %mul3A_1075 : i32 to vector<16xi32>
      %add3A_1077 = arith.addi %add3A_1076, %shift_right_logical3A_1046 : vector<16xi32>
      %swap3A_1078 = arith.constant 0 : i32
      %swap3A_1079 = arith.index_cast %swap3A_1078 : i32 to index
      %swap3A_1080 = arith.constant 96 : index
      %swap3A_1081 = tpu.vector_load %arg8[%swap3A_1079, %swap3A_1080] {strides = array<i32>} : memref<2x112xi32, #tpu.memory_space<vmem>>, vector<16xi32>,
      tpu.vector_store %arg8[%swap3A_1079, %swap3A_1080], %add3A_1077 {strides = array<i32>} : memref<2x112xi32, #tpu.memory_space<vmem>>, vector<16xi32>,
      %mul3A_1082 = arith.constant 224 : i32
      %mul3A_1083 = arith.muli %scan3A_527, %mul3A_1082 : i32
      %add3A_1084 = arith.constant 112 : i32
      %add3A_1085 = arith.addi %mul3A_1083, %add3A_1084 : i32
      %get3A_1086 = arith.index_cast %add3A_1085 : i32 to index
      %get3A_1087 = tpu.vector_load %arg4[%get3A_1086] {strides = array<i32>} : memref<7168xi32, #tpu.memory_space<vmem>>, vector<16xi32>,
      %shift_right_logical3A_1088 = arith.constant 2 : i32
      %shift_right_logical3A_1089 = vector.broadcast %shift_right_logical3A_1088 : i32 to vector<16xi32>
      %shift_right_logical3A_1090 = arith.shrui %get3A_1087, %shift_right_logical3A_1089 : vector<16xi32>
      %gather3A_1091 = tpu.vector_load_idx %arg6[%shift_right_logical3A_1090] : memref<25008xi32, #tpu.memory_space<vmem>>[vector<16xi32>], vector<16xi32>,
      %shift_right_logical3A_1092 = arith.constant 1 : i32
      %shift_right_logical3A_1093 = vector.broadcast %shift_right_logical3A_1092 : i32 to vector<16xi32>
      %shift_right_logical3A_1094 = arith.shrui %gather3A_1091, %shift_right_logical3A_1093 : vector<16xi32>
      %and3A_1095 = arith.constant 2139062143 : i32
      %and3A_1096 = vector.broadcast %and3A_1095 : i32 to vector<16xi32>
      %and3A_1097 = arith.andi %shift_right_logical3A_1094, %and3A_1096 : vector<16xi32>
      %or3A_1098 = arith.ori %gather3A_1091, %and3A_1097 : vector<16xi32>
      %shift_right_logical3A_1099 = arith.constant 2 : i32
      %shift_right_logical3A_1100 = vector.broadcast %shift_right_logical3A_1099 : i32 to vector<16xi32>
      %shift_right_logical3A_1101 = arith.shrui %or3A_1098, %shift_right_logical3A_1100 : vector<16xi32>
      %and3A_1102 = arith.constant 1061109567 : i32
      %and3A_1103 = vector.broadcast %and3A_1102 : i32 to vector<16xi32>
      %and3A_1104 = arith.andi %shift_right_logical3A_1101, %and3A_1103 : vector<16xi32>
      %or3A_1105 = arith.ori %or3A_1098, %and3A_1104 : vector<16xi32>
      %shift_right_logical3A_1106 = arith.constant 4 : i32
      %shift_right_logical3A_1107 = vector.broadcast %shift_right_logical3A_1106 : i32 to vector<16xi32>
      %shift_right_logical3A_1108 = arith.shrui %or3A_1105, %shift_right_logical3A_1107 : vector<16xi32>
      %and3A_1109 = arith.constant 252645135 : i32
      %and3A_1110 = vector.broadcast %and3A_1109 : i32 to vector<16xi32>
      %and3A_1111 = arith.andi %shift_right_logical3A_1108, %and3A_1110 : vector<16xi32>
      %or3A_1112 = arith.ori %or3A_1105, %and3A_1111 : vector<16xi32>
      %and3A_1113 = arith.constant 16843009 : i32
      %and3A_1114 = vector.broadcast %and3A_1113 : i32 to vector<16xi32>
      %and3A_1115 = arith.andi %or3A_1112, %and3A_1114 : vector<16xi32>
      %swap3A_1116 = arith.constant 112 : index
      %swap3A_1117 = tpu.vector_load %arg7[%swap3A_1116] {strides = array<i32>} : memref<224xi32, #tpu.memory_space<vmem>>, vector<16xi32>,
      tpu.vector_store %arg7[%swap3A_1116], %and3A_1115 {strides = array<i32>} : memref<224xi32, #tpu.memory_space<vmem>>, vector<16xi32>,
      %mul3A_1118 = arith.constant 25000 : i32
      %mul3A_1119 = arith.muli %add3A_528, %mul3A_1118 : i32
      %add3A_1120 = vector.broadcast %mul3A_1119 : i32 to vector<16xi32>
      %add3A_1121 = arith.addi %add3A_1120, %shift_right_logical3A_1090 : vector<16xi32>
      %swap3A_1122 = arith.constant 1 : i32
      %swap3A_1123 = arith.index_cast %swap3A_1122 : i32 to index
      %swap3A_1124 = arith.constant 0 : index
      %swap3A_1125 = tpu.vector_load %arg8[%swap3A_1123, %swap3A_1124] {strides = array<i32>} : memref<2x112xi32, #tpu.memory_space<vmem>>, vector<16xi32>,
      tpu.vector_store %arg8[%swap3A_1123, %swap3A_1124], %add3A_1121 {strides = array<i32>} : memref<2x112xi32, #tpu.memory_space<vmem>>, vector<16xi32>,
      %mul3A_1126 = arith.constant 224 : i32
      %mul3A_1127 = arith.muli %scan3A_527, %mul3A_1126 : i32
      %add3A_1128 = arith.constant 128 : i32
      %add3A_1129 = arith.addi %mul3A_1127, %add3A_1128 : i32
      %get3A_1130 = arith.index_cast %add3A_1129 : i32 to index
      %get3A_1131 = tpu.vector_load %arg4[%get3A_1130] {strides = array<i32>} : memref<7168xi32, #tpu.memory_space<vmem>>, vector<16xi32>,
      %shift_right_logical3A_1132 = arith.constant 2 : i32
      %shift_right_logical3A_1133 = vector.broadcast %shift_right_logical3A_1132 : i32 to vector<16xi32>
      %shift_right_logical3A_1134 = arith.shrui %get3A_1131, %shift_right_logical3A_1133 : vector<16xi32>
      %gather3A_1135 = tpu.vector_load_idx %arg6[%shift_right_logical3A_1134] : memref<25008xi32, #tpu.memory_space<vmem>>[vector<16xi32>], vector<16xi32>,
      %shift_right_logical3A_1136 = arith.constant 1 : i32
      %shift_right_logical3A_1137 = vector.broadcast %shift_right_logical3A_1136 : i32 to vector<16xi32>
      %shift_right_logical3A_1138 = arith.shrui %gather3A_1135, %shift_right_logical3A_1137 : vector<16xi32>
      %and3A_1139 = arith.constant 2139062143 : i32
      %and3A_1140 = vector.broadcast %and3A_1139 : i32 to vector<16xi32>
      %and3A_1141 = arith.andi %shift_right_logical3A_1138, %and3A_1140 : vector<16xi32>
      %or3A_1142 = arith.ori %gather3A_1135, %and3A_1141 : vector<16xi32>
      %shift_right_logical3A_1143 = arith.constant 2 : i32
      %shift_right_logical3A_1144 = vector.broadcast %shift_right_logical3A_1143 : i32 to vector<16xi32>
      %shift_right_logical3A_1145 = arith.shrui %or3A_1142, %shift_right_logical3A_1144 : vector<16xi32>
      %and3A_1146 = arith.constant 1061109567 : i32
      %and3A_1147 = vector.broadcast %and3A_1146 : i32 to vector<16xi32>
      %and3A_1148 = arith.andi %shift_right_logical3A_1145, %and3A_1147 : vector<16xi32>
      %or3A_1149 = arith.ori %or3A_1142, %and3A_1148 : vector<16xi32>
      %shift_right_logical3A_1150 = arith.constant 4 : i32
      %shift_right_logical3A_1151 = vector.broadcast %shift_right_logical3A_1150 : i32 to vector<16xi32>
      %shift_right_logical3A_1152 = arith.shrui %or3A_1149, %shift_right_logical3A_1151 : vector<16xi32>
      %and3A_1153 = arith.constant 252645135 : i32
      %and3A_1154 = vector.broadcast %and3A_1153 : i32 to vector<16xi32>
      %and3A_1155 = arith.andi %shift_right_logical3A_1152, %and3A_1154 : vector<16xi32>
      %or3A_1156 = arith.ori %or3A_1149, %and3A_1155 : vector<16xi32>
      %and3A_1157 = arith.constant 16843009 : i32
      %and3A_1158 = vector.broadcast %and3A_1157 : i32 to vector<16xi32>
      %and3A_1159 = arith.andi %or3A_1156, %and3A_1158 : vector<16xi32>
      %swap3A_1160 = arith.constant 128 : index
      %swap3A_1161 = tpu.vector_load %arg7[%swap3A_1160] {strides = array<i32>} : memref<224xi32, #tpu.memory_space<vmem>>, vector<16xi32>,
      tpu.vector_store %arg7[%swap3A_1160], %and3A_1159 {strides = array<i32>} : memref<224xi32, #tpu.memory_space<vmem>>, vector<16xi32>,
      %mul3A_1162 = arith.constant 25000 : i32
      %mul3A_1163 = arith.muli %add3A_528, %mul3A_1162 : i32
      %add3A_1164 = vector.broadcast %mul3A_1163 : i32 to vector<16xi32>
      %add3A_1165 = arith.addi %add3A_1164, %shift_right_logical3A_1134 : vector<16xi32>
      %swap3A_1166 = arith.constant 1 : i32
      %swap3A_1167 = arith.index_cast %swap3A_1166 : i32 to index
      %swap3A_1168 = arith.constant 16 : index
      %swap3A_1169 = tpu.vector_load %arg8[%swap3A_1167, %swap3A_1168] {strides = array<i32>} : memref<2x112xi32, #tpu.memory_space<vmem>>, vector<16xi32>,
      tpu.vector_store %arg8[%swap3A_1167, %swap3A_1168], %add3A_1165 {strides = array<i32>} : memref<2x112xi32, #tpu.memory_space<vmem>>, vector<16xi32>,
      %mul3A_1170 = arith.constant 224 : i32
      %mul3A_1171 = arith.muli %scan3A_527, %mul3A_1170 : i32
      %add3A_1172 = arith.constant 144 : i32
      %add3A_1173 = arith.addi %mul3A_1171, %add3A_1172 : i32
      %get3A_1174 = arith.index_cast %add3A_1173 : i32 to index
      %get3A_1175 = tpu.vector_load %arg4[%get3A_1174] {strides = array<i32>} : memref<7168xi32, #tpu.memory_space<vmem>>, vector<16xi32>,
      %shift_right_logical3A_1176 = arith.constant 2 : i32
      %shift_right_logical3A_1177 = vector.broadcast %shift_right_logical3A_1176 : i32 to vector<16xi32>
      %shift_right_logical3A_1178 = arith.shrui %get3A_1175, %shift_right_logical3A_1177 : vector<16xi32>
      %gather3A_1179 = tpu.vector_load_idx %arg6[%shift_right_logical3A_1178] : memref<25008xi32, #tpu.memory_space<vmem>>[vector<16xi32>], vector<16xi32>,
      %shift_right_logical3A_1180 = arith.constant 1 : i32
      %shift_right_logical3A_1181 = vector.broadcast %shift_right_logical3A_1180 : i32 to vector<16xi32>
      %shift_right_logical3A_1182 = arith.shrui %gather3A_1179, %shift_right_logical3A_1181 : vector<16xi32>
      %and3A_1183 = arith.constant 2139062143 : i32
      %and3A_1184 = vector.broadcast %and3A_1183 : i32 to vector<16xi32>
      %and3A_1185 = arith.andi %shift_right_logical3A_1182, %and3A_1184 : vector<16xi32>
      %or3A_1186 = arith.ori %gather3A_1179, %and3A_1185 : vector<16xi32>
      %shift_right_logical3A_1187 = arith.constant 2 : i32
      %shift_right_logical3A_1188 = vector.broadcast %shift_right_logical3A_1187 : i32 to vector<16xi32>
      %shift_right_logical3A_1189 = arith.shrui %or3A_1186, %shift_right_logical3A_1188 : vector<16xi32>
      %and3A_1190 = arith.constant 1061109567 : i32
      %and3A_1191 = vector.broadcast %and3A_1190 : i32 to vector<16xi32>
      %and3A_1192 = arith.andi %shift_right_logical3A_1189, %and3A_1191 : vector<16xi32>
      %or3A_1193 = arith.ori %or3A_1186, %and3A_1192 : vector<16xi32>
      %shift_right_logical3A_1194 = arith.constant 4 : i32
      %shift_right_logical3A_1195 = vector.broadcast %shift_right_logical3A_1194 : i32 to vector<16xi32>
      %shift_right_logical3A_1196 = arith.shrui %or3A_1193, %shift_right_logical3A_1195 : vector<16xi32>
      %and3A_1197 = arith.constant 252645135 : i32
      %and3A_1198 = vector.broadcast %and3A_1197 : i32 to vector<16xi32>
      %and3A_1199 = arith.andi %shift_right_logical3A_1196, %and3A_1198 : vector<16xi32>
      %or3A_1200 = arith.ori %or3A_1193, %and3A_1199 : vector<16xi32>
      %and3A_1201 = arith.constant 16843009 : i32
      %and3A_1202 = vector.broadcast %and3A_1201 : i32 to vector<16xi32>
      %and3A_1203 = arith.andi %or3A_1200, %and3A_1202 : vector<16xi32>
      %swap3A_1204 = arith.constant 144 : index
      %swap3A_1205 = tpu.vector_load %arg7[%swap3A_1204] {strides = array<i32>} : memref<224xi32, #tpu.memory_space<vmem>>, vector<16xi32>,
      tpu.vector_store %arg7[%swap3A_1204], %and3A_1203 {strides = array<i32>} : memref<224xi32, #tpu.memory_space<vmem>>, vector<16xi32>,
      %mul3A_1206 = arith.constant 25000 : i32
      %mul3A_1207 = arith.muli %add3A_528, %mul3A_1206 : i32
      %add3A_1208 = vector.broadcast %mul3A_1207 : i32 to vector<16xi32>
      %add3A_1209 = arith.addi %add3A_1208, %shift_right_logical3A_1178 : vector<16xi32>
      %swap3A_1210 = arith.constant 1 : i32
      %swap3A_1211 = arith.index_cast %swap3A_1210 : i32 to index
      %swap3A_1212 = arith.constant 32 : index
      %swap3A_1213 = tpu.vector_load %arg8[%swap3A_1211, %swap3A_1212] {strides = array<i32>} : memref<2x112xi32, #tpu.memory_space<vmem>>, vector<16xi32>,
      tpu.vector_store %arg8[%swap3A_1211, %swap3A_1212], %add3A_1209 {strides = array<i32>} : memref<2x112xi32, #tpu.memory_space<vmem>>, vector<16xi32>,
      %mul3A_1214 = arith.constant 224 : i32
      %mul3A_1215 = arith.muli %scan3A_527, %mul3A_1214 : i32
      %add3A_1216 = arith.constant 160 : i32
      %add3A_1217 = arith.addi %mul3A_1215, %add3A_1216 : i32
      %get3A_1218 = arith.index_cast %add3A_1217 : i32 to index
      %get3A_1219 = tpu.vector_load %arg4[%get3A_1218] {strides = array<i32>} : memref<7168xi32, #tpu.memory_space<vmem>>, vector<16xi32>,
      %shift_right_logical3A_1220 = arith.constant 2 : i32
      %shift_right_logical3A_1221 = vector.broadcast %shift_right_logical3A_1220 : i32 to vector<16xi32>
      %shift_right_logical3A_1222 = arith.shrui %get3A_1219, %shift_right_logical3A_1221 : vector<16xi32>
      %gather3A_1223 = tpu.vector_load_idx %arg6[%shift_right_logical3A_1222] : memref<25008xi32, #tpu.memory_space<vmem>>[vector<16xi32>], vector<16xi32>,
      %shift_right_logical3A_1224 = arith.constant 1 : i32
      %shift_right_logical3A_1225 = vector.broadcast %shift_right_logical3A_1224 : i32 to vector<16xi32>
      %shift_right_logical3A_1226 = arith.shrui %gather3A_1223, %shift_right_logical3A_1225 : vector<16xi32>
      %and3A_1227 = arith.constant 2139062143 : i32
      %and3A_1228 = vector.broadcast %and3A_1227 : i32 to vector<16xi32>
      %and3A_1229 = arith.andi %shift_right_logical3A_1226, %and3A_1228 : vector<16xi32>
      %or3A_1230 = arith.ori %gather3A_1223, %and3A_1229 : vector<16xi32>
      %shift_right_logical3A_1231 = arith.constant 2 : i32
      %shift_right_logical3A_1232 = vector.broadcast %shift_right_logical3A_1231 : i32 to vector<16xi32>
      %shift_right_logical3A_1233 = arith.shrui %or3A_1230, %shift_right_logical3A_1232 : vector<16xi32>
      %and3A_1234 = arith.constant 1061109567 : i32
      %and3A_1235 = vector.broadcast %and3A_1234 : i32 to vector<16xi32>
      %and3A_1236 = arith.andi %shift_right_logical3A_1233, %and3A_1235 : vector<16xi32>
      %or3A_1237 = arith.ori %or3A_1230, %and3A_1236 : vector<16xi32>
      %shift_right_logical3A_1238 = arith.constant 4 : i32
      %shift_right_logical3A_1239 = vector.broadcast %shift_right_logical3A_1238 : i32 to vector<16xi32>
      %shift_right_logical3A_1240 = arith.shrui %or3A_1237, %shift_right_logical3A_1239 : vector<16xi32>
      %and3A_1241 = arith.constant 252645135 : i32
      %and3A_1242 = vector.broadcast %and3A_1241 : i32 to vector<16xi32>
      %and3A_1243 = arith.andi %shift_right_logical3A_1240, %and3A_1242 : vector<16xi32>
      %or3A_1244 = arith.ori %or3A_1237, %and3A_1243 : vector<16xi32>
      %and3A_1245 = arith.constant 16843009 : i32
      %and3A_1246 = vector.broadcast %and3A_1245 : i32 to vector<16xi32>
      %and3A_1247 = arith.andi %or3A_1244, %and3A_1246 : vector<16xi32>
      %swap3A_1248 = arith.constant 160 : index
      %swap3A_1249 = tpu.vector_load %arg7[%swap3A_1248] {strides = array<i32>} : memref<224xi32, #tpu.memory_space<vmem>>, vector<16xi32>,
      tpu.vector_store %arg7[%swap3A_1248], %and3A_1247 {strides = array<i32>} : memref<224xi32, #tpu.memory_space<vmem>>, vector<16xi32>,
      %mul3A_1250 = arith.constant 25000 : i32
      %mul3A_1251 = arith.muli %add3A_528, %mul3A_1250 : i32
      %add3A_1252 = vector.broadcast %mul3A_1251 : i32 to vector<16xi32>
      %add3A_1253 = arith.addi %add3A_1252, %shift_right_logical3A_1222 : vector<16xi32>
      %swap3A_1254 = arith.constant 1 : i32
      %swap3A_1255 = arith.index_cast %swap3A_1254 : i32 to index
      %swap3A_1256 = arith.constant 48 : index
      %swap3A_1257 = tpu.vector_load %arg8[%swap3A_1255, %swap3A_1256] {strides = array<i32>} : memref<2x112xi32, #tpu.memory_space<vmem>>, vector<16xi32>,
      tpu.vector_store %arg8[%swap3A_1255, %swap3A_1256], %add3A_1253 {strides = array<i32>} : memref<2x112xi32, #tpu.memory_space<vmem>>, vector<16xi32>,
      %mul3A_1258 = arith.constant 224 : i32
      %mul3A_1259 = arith.muli %scan3A_527, %mul3A_1258 : i32
      %add3A_1260 = arith.constant 176 : i32
      %add3A_1261 = arith.addi %mul3A_1259, %add3A_1260 : i32
      %get3A_1262 = arith.index_cast %add3A_1261 : i32 to index
      %get3A_1263 = tpu.vector_load %arg4[%get3A_1262] {strides = array<i32>} : memref<7168xi32, #tpu.memory_space<vmem>>, vector<16xi32>,
      %shift_right_logical3A_1264 = arith.constant 2 : i32
      %shift_right_logical3A_1265 = vector.broadcast %shift_right_logical3A_1264 : i32 to vector<16xi32>
      %shift_right_logical3A_1266 = arith.shrui %get3A_1263, %shift_right_logical3A_1265 : vector<16xi32>
      %gather3A_1267 = tpu.vector_load_idx %arg6[%shift_right_logical3A_1266] : memref<25008xi32, #tpu.memory_space<vmem>>[vector<16xi32>], vector<16xi32>,
      %shift_right_logical3A_1268 = arith.constant 1 : i32
      %shift_right_logical3A_1269 = vector.broadcast %shift_right_logical3A_1268 : i32 to vector<16xi32>
      %shift_right_logical3A_1270 = arith.shrui %gather3A_1267, %shift_right_logical3A_1269 : vector<16xi32>
      %and3A_1271 = arith.constant 2139062143 : i32
      %and3A_1272 = vector.broadcast %and3A_1271 : i32 to vector<16xi32>
      %and3A_1273 = arith.andi %shift_right_logical3A_1270, %and3A_1272 : vector<16xi32>
      %or3A_1274 = arith.ori %gather3A_1267, %and3A_1273 : vector<16xi32>
      %shift_right_logical3A_1275 = arith.constant 2 : i32
      %shift_right_logical3A_1276 = vector.broadcast %shift_right_logical3A_1275 : i32 to vector<16xi32>
      %shift_right_logical3A_1277 = arith.shrui %or3A_1274, %shift_right_logical3A_1276 : vector<16xi32>
      %and3A_1278 = arith.constant 1061109567 : i32
      %and3A_1279 = vector.broadcast %and3A_1278 : i32 to vector<16xi32>
      %and3A_1280 = arith.andi %shift_right_logical3A_1277, %and3A_1279 : vector<16xi32>
      %or3A_1281 = arith.ori %or3A_1274, %and3A_1280 : vector<16xi32>
      %shift_right_logical3A_1282 = arith.constant 4 : i32
      %shift_right_logical3A_1283 = vector.broadcast %shift_right_logical3A_1282 : i32 to vector<16xi32>
      %shift_right_logical3A_1284 = arith.shrui %or3A_1281, %shift_right_logical3A_1283 : vector<16xi32>
      %and3A_1285 = arith.constant 252645135 : i32
      %and3A_1286 = vector.broadcast %and3A_1285 : i32 to vector<16xi32>
      %and3A_1287 = arith.andi %shift_right_logical3A_1284, %and3A_1286 : vector<16xi32>
      %or3A_1288 = arith.ori %or3A_1281, %and3A_1287 : vector<16xi32>
      %and3A_1289 = arith.constant 16843009 : i32
      %and3A_1290 = vector.broadcast %and3A_1289 : i32 to vector<16xi32>
      %and3A_1291 = arith.andi %or3A_1288, %and3A_1290 : vector<16xi32>
      %swap3A_1292 = arith.constant 176 : index
      %swap3A_1293 = tpu.vector_load %arg7[%swap3A_1292] {strides = array<i32>} : memref<224xi32, #tpu.memory_space<vmem>>, vector<16xi32>,
      tpu.vector_store %arg7[%swap3A_1292], %and3A_1291 {strides = array<i32>} : memref<224xi32, #tpu.memory_space<vmem>>, vector<16xi32>,
      %mul3A_1294 = arith.constant 25000 : i32
      %mul3A_1295 = arith.muli %add3A_528, %mul3A_1294 : i32
      %add3A_1296 = vector.broadcast %mul3A_1295 : i32 to vector<16xi32>
      %add3A_1297 = arith.addi %add3A_1296, %shift_right_logical3A_1266 : vector<16xi32>
      %swap3A_1298 = arith.constant 1 : i32
      %swap3A_1299 = arith.index_cast %swap3A_1298 : i32 to index
      %swap3A_1300 = arith.constant 64 : index
      %swap3A_1301 = tpu.vector_load %arg8[%swap3A_1299, %swap3A_1300] {strides = array<i32>} : memref<2x112xi32, #tpu.memory_space<vmem>>, vector<16xi32>,
      tpu.vector_store %arg8[%swap3A_1299, %swap3A_1300], %add3A_1297 {strides = array<i32>} : memref<2x112xi32, #tpu.memory_space<vmem>>, vector<16xi32>,
      %mul3A_1302 = arith.constant 224 : i32
      %mul3A_1303 = arith.muli %scan3A_527, %mul3A_1302 : i32
      %add3A_1304 = arith.constant 192 : i32
      %add3A_1305 = arith.addi %mul3A_1303, %add3A_1304 : i32
      %get3A_1306 = arith.index_cast %add3A_1305 : i32 to index
      %get3A_1307 = tpu.vector_load %arg4[%get3A_1306] {strides = array<i32>} : memref<7168xi32, #tpu.memory_space<vmem>>, vector<16xi32>,
      %shift_right_logical3A_1308 = arith.constant 2 : i32
      %shift_right_logical3A_1309 = vector.broadcast %shift_right_logical3A_1308 : i32 to vector<16xi32>
      %shift_right_logical3A_1310 = arith.shrui %get3A_1307, %shift_right_logical3A_1309 : vector<16xi32>
      %gather3A_1311 = tpu.vector_load_idx %arg6[%shift_right_logical3A_1310] : memref<25008xi32, #tpu.memory_space<vmem>>[vector<16xi32>], vector<16xi32>,
      %shift_right_logical3A_1312 = arith.constant 1 : i32
      %shift_right_logical3A_1313 = vector.broadcast %shift_right_logical3A_1312 : i32 to vector<16xi32>
      %shift_right_logical3A_1314 = arith.shrui %gather3A_1311, %shift_right_logical3A_1313 : vector<16xi32>
      %and3A_1315 = arith.constant 2139062143 : i32
      %and3A_1316 = vector.broadcast %and3A_1315 : i32 to vector<16xi32>
      %and3A_1317 = arith.andi %shift_right_logical3A_1314, %and3A_1316 : vector<16xi32>
      %or3A_1318 = arith.ori %gather3A_1311, %and3A_1317 : vector<16xi32>
      %shift_right_logical3A_1319 = arith.constant 2 : i32
      %shift_right_logical3A_1320 = vector.broadcast %shift_right_logical3A_1319 : i32 to vector<16xi32>
      %shift_right_logical3A_1321 = arith.shrui %or3A_1318, %shift_right_logical3A_1320 : vector<16xi32>
      %and3A_1322 = arith.constant 1061109567 : i32
      %and3A_1323 = vector.broadcast %and3A_1322 : i32 to vector<16xi32>
      %and3A_1324 = arith.andi %shift_right_logical3A_1321, %and3A_1323 : vector<16xi32>
      %or3A_1325 = arith.ori %or3A_1318, %and3A_1324 : vector<16xi32>
      %shift_right_logical3A_1326 = arith.constant 4 : i32
      %shift_right_logical3A_1327 = vector.broadcast %shift_right_logical3A_1326 : i32 to vector<16xi32>
      %shift_right_logical3A_1328 = arith.shrui %or3A_1325, %shift_right_logical3A_1327 : vector<16xi32>
      %and3A_1329 = arith.constant 252645135 : i32
      %and3A_1330 = vector.broadcast %and3A_1329 : i32 to vector<16xi32>
      %and3A_1331 = arith.andi %shift_right_logical3A_1328, %and3A_1330 : vector<16xi32>
      %or3A_1332 = arith.ori %or3A_1325, %and3A_1331 : vector<16xi32>
      %and3A_1333 = arith.constant 16843009 : i32
      %and3A_1334 = vector.broadcast %and3A_1333 : i32 to vector<16xi32>
      %and3A_1335 = arith.andi %or3A_1332, %and3A_1334 : vector<16xi32>
      %swap3A_1336 = arith.constant 192 : index
      %swap3A_1337 = tpu.vector_load %arg7[%swap3A_1336] {strides = array<i32>} : memref<224xi32, #tpu.memory_space<vmem>>, vector<16xi32>,
      tpu.vector_store %arg7[%swap3A_1336], %and3A_1335 {strides = array<i32>} : memref<224xi32, #tpu.memory_space<vmem>>, vector<16xi32>,
      %mul3A_1338 = arith.constant 25000 : i32
      %mul3A_1339 = arith.muli %add3A_528, %mul3A_1338 : i32
      %add3A_1340 = vector.broadcast %mul3A_1339 : i32 to vector<16xi32>
      %add3A_1341 = arith.addi %add3A_1340, %shift_right_logical3A_1310 : vector<16xi32>
      %swap3A_1342 = arith.constant 1 : i32
      %swap3A_1343 = arith.index_cast %swap3A_1342 : i32 to index
      %swap3A_1344 = arith.constant 80 : index
      %swap3A_1345 = tpu.vector_load %arg8[%swap3A_1343, %swap3A_1344] {strides = array<i32>} : memref<2x112xi32, #tpu.memory_space<vmem>>, vector<16xi32>,
      tpu.vector_store %arg8[%swap3A_1343, %swap3A_1344], %add3A_1341 {strides = array<i32>} : memref<2x112xi32, #tpu.memory_space<vmem>>, vector<16xi32>,
      %mul3A_1346 = arith.constant 224 : i32
      %mul3A_1347 = arith.muli %scan3A_527, %mul3A_1346 : i32
      %add3A_1348 = arith.constant 208 : i32
      %add3A_1349 = arith.addi %mul3A_1347, %add3A_1348 : i32
      %get3A_1350 = arith.index_cast %add3A_1349 : i32 to index
      %get3A_1351 = tpu.vector_load %arg4[%get3A_1350] {strides = array<i32>} : memref<7168xi32, #tpu.memory_space<vmem>>, vector<16xi32>,
      %shift_right_logical3A_1352 = arith.constant 2 : i32
      %shift_right_logical3A_1353 = vector.broadcast %shift_right_logical3A_1352 : i32 to vector<16xi32>
      %shift_right_logical3A_1354 = arith.shrui %get3A_1351, %shift_right_logical3A_1353 : vector<16xi32>
      %gather3A_1355 = tpu.vector_load_idx %arg6[%shift_right_logical3A_1354] : memref<25008xi32, #tpu.memory_space<vmem>>[vector<16xi32>], vector<16xi32>,
      %shift_right_logical3A_1356 = arith.constant 1 : i32
      %shift_right_logical3A_1357 = vector.broadcast %shift_right_logical3A_1356 : i32 to vector<16xi32>
      %shift_right_logical3A_1358 = arith.shrui %gather3A_1355, %shift_right_logical3A_1357 : vector<16xi32>
      %and3A_1359 = arith.constant 2139062143 : i32
      %and3A_1360 = vector.broadcast %and3A_1359 : i32 to vector<16xi32>
      %and3A_1361 = arith.andi %shift_right_logical3A_1358, %and3A_1360 : vector<16xi32>
      %or3A_1362 = arith.ori %gather3A_1355, %and3A_1361 : vector<16xi32>
      %shift_right_logical3A_1363 = arith.constant 2 : i32
      %shift_right_logical3A_1364 = vector.broadcast %shift_right_logical3A_1363 : i32 to vector<16xi32>
      %shift_right_logical3A_1365 = arith.shrui %or3A_1362, %shift_right_logical3A_1364 : vector<16xi32>
      %and3A_1366 = arith.constant 1061109567 : i32
      %and3A_1367 = vector.broadcast %and3A_1366 : i32 to vector<16xi32>
      %and3A_1368 = arith.andi %shift_right_logical3A_1365, %and3A_1367 : vector<16xi32>
      %or3A_1369 = arith.ori %or3A_1362, %and3A_1368 : vector<16xi32>
      %shift_right_logical3A_1370 = arith.constant 4 : i32
      %shift_right_logical3A_1371 = vector.broadcast %shift_right_logical3A_1370 : i32 to vector<16xi32>
      %shift_right_logical3A_1372 = arith.shrui %or3A_1369, %shift_right_logical3A_1371 : vector<16xi32>
      %and3A_1373 = arith.constant 252645135 : i32
      %and3A_1374 = vector.broadcast %and3A_1373 : i32 to vector<16xi32>
      %and3A_1375 = arith.andi %shift_right_logical3A_1372, %and3A_1374 : vector<16xi32>
      %or3A_1376 = arith.ori %or3A_1369, %and3A_1375 : vector<16xi32>
      %and3A_1377 = arith.constant 16843009 : i32
      %and3A_1378 = vector.broadcast %and3A_1377 : i32 to vector<16xi32>
      %and3A_1379 = arith.andi %or3A_1376, %and3A_1378 : vector<16xi32>
      %swap3A_1380 = arith.constant 208 : index
      %swap3A_1381 = tpu.vector_load %arg7[%swap3A_1380] {strides = array<i32>} : memref<224xi32, #tpu.memory_space<vmem>>, vector<16xi32>,
      tpu.vector_store %arg7[%swap3A_1380], %and3A_1379 {strides = array<i32>} : memref<224xi32, #tpu.memory_space<vmem>>, vector<16xi32>,
      %mul3A_1382 = arith.constant 25000 : i32
      %mul3A_1383 = arith.muli %add3A_528, %mul3A_1382 : i32
      %add3A_1384 = vector.broadcast %mul3A_1383 : i32 to vector<16xi32>
      %add3A_1385 = arith.addi %add3A_1384, %shift_right_logical3A_1354 : vector<16xi32>
      %swap3A_1386 = arith.constant 1 : i32
      %swap3A_1387 = arith.index_cast %swap3A_1386 : i32 to index
      %swap3A_1388 = arith.constant 96 : index
      %swap3A_1389 = tpu.vector_load %arg8[%swap3A_1387, %swap3A_1388] {strides = array<i32>} : memref<2x112xi32, #tpu.memory_space<vmem>>, vector<16xi32>,
      tpu.vector_store %arg8[%swap3A_1387, %swap3A_1388], %add3A_1385 {strides = array<i32>} : memref<2x112xi32, #tpu.memory_space<vmem>>, vector<16xi32>,
      %mul3A_1390 = arith.constant 224 : i32
      %mul3A_1391 = arith.muli %scan3A_527, %mul3A_1390 : i32
      %add3A_1392 = arith.constant 0 : i32
      %add3A_1393 = arith.addi %mul3A_1391, %add3A_1392 : i32
      %get3A_1394 = arith.index_cast %add3A_1393 : i32 to index
      %get3A_1395 = tpu.vector_load %arg4[%get3A_1394] {strides = array<i32>} : memref<7168xi32, #tpu.memory_space<vmem>>, vector<16xi32>,
      %shift_right_logical3A_1396 = arith.constant 2 : i32
      %shift_right_logical3A_1397 = vector.broadcast %shift_right_logical3A_1396 : i32 to vector<16xi32>
      %shift_right_logical3A_1398 = arith.shrui %get3A_1395, %shift_right_logical3A_1397 : vector<16xi32>
      tpu.vector_store_idx %arg6[%shift_right_logical3A_1398], %broadcast_in_dim3A_3 : memref<25008xi32, #tpu.memory_space<vmem>>[vector<16xi32>], vector<16xi32>,
      %mul3A_1399 = arith.constant 224 : i32
      %mul3A_1400 = arith.muli %scan3A_527, %mul3A_1399 : i32
      %add3A_1401 = arith.constant 16 : i32
      %add3A_1402 = arith.addi %mul3A_1400, %add3A_1401 : i32
      %get3A_1403 = arith.index_cast %add3A_1402 : i32 to index
      %get3A_1404 = tpu.vector_load %arg4[%get3A_1403] {strides = array<i32>} : memref<7168xi32, #tpu.memory_space<vmem>>, vector<16xi32>,
      %shift_right_logical3A_1405 = arith.constant 2 : i32
      %shift_right_logical3A_1406 = vector.broadcast %shift_right_logical3A_1405 : i32 to vector<16xi32>
      %shift_right_logical3A_1407 = arith.shrui %get3A_1404, %shift_right_logical3A_1406 : vector<16xi32>
      tpu.vector_store_idx %arg6[%shift_right_logical3A_1407], %broadcast_in_dim3A_3 : memref<25008xi32, #tpu.memory_space<vmem>>[vector<16xi32>], vector<16xi32>,
      %mul3A_1408 = arith.constant 224 : i32
      %mul3A_1409 = arith.muli %scan3A_527, %mul3A_1408 : i32
      %add3A_1410 = arith.constant 32 : i32
      %add3A_1411 = arith.addi %mul3A_1409, %add3A_1410 : i32
      %get3A_1412 = arith.index_cast %add3A_1411 : i32 to index
      %get3A_1413 = tpu.vector_load %arg4[%get3A_1412] {strides = array<i32>} : memref<7168xi32, #tpu.memory_space<vmem>>, vector<16xi32>,
      %shift_right_logical3A_1414 = arith.constant 2 : i32
      %shift_right_logical3A_1415 = vector.broadcast %shift_right_logical3A_1414 : i32 to vector<16xi32>
      %shift_right_logical3A_1416 = arith.shrui %get3A_1413, %shift_right_logical3A_1415 : vector<16xi32>
      tpu.vector_store_idx %arg6[%shift_right_logical3A_1416], %broadcast_in_dim3A_3 : memref<25008xi32, #tpu.memory_space<vmem>>[vector<16xi32>], vector<16xi32>,
      %mul3A_1417 = arith.constant 224 : i32
      %mul3A_1418 = arith.muli %scan3A_527, %mul3A_1417 : i32
      %add3A_1419 = arith.constant 48 : i32
      %add3A_1420 = arith.addi %mul3A_1418, %add3A_1419 : i32
      %get3A_1421 = arith.index_cast %add3A_1420 : i32 to index
      %get3A_1422 = tpu.vector_load %arg4[%get3A_1421] {strides = array<i32>} : memref<7168xi32, #tpu.memory_space<vmem>>, vector<16xi32>,
      %shift_right_logical3A_1423 = arith.constant 2 : i32
      %shift_right_logical3A_1424 = vector.broadcast %shift_right_logical3A_1423 : i32 to vector<16xi32>
      %shift_right_logical3A_1425 = arith.shrui %get3A_1422, %shift_right_logical3A_1424 : vector<16xi32>
      tpu.vector_store_idx %arg6[%shift_right_logical3A_1425], %broadcast_in_dim3A_3 : memref<25008xi32, #tpu.memory_space<vmem>>[vector<16xi32>], vector<16xi32>,
      %mul3A_1426 = arith.constant 224 : i32
      %mul3A_1427 = arith.muli %scan3A_527, %mul3A_1426 : i32
      %add3A_1428 = arith.constant 64 : i32
      %add3A_1429 = arith.addi %mul3A_1427, %add3A_1428 : i32
      %get3A_1430 = arith.index_cast %add3A_1429 : i32 to index
      %get3A_1431 = tpu.vector_load %arg4[%get3A_1430] {strides = array<i32>} : memref<7168xi32, #tpu.memory_space<vmem>>, vector<16xi32>,
      %shift_right_logical3A_1432 = arith.constant 2 : i32
      %shift_right_logical3A_1433 = vector.broadcast %shift_right_logical3A_1432 : i32 to vector<16xi32>
      %shift_right_logical3A_1434 = arith.shrui %get3A_1431, %shift_right_logical3A_1433 : vector<16xi32>
      tpu.vector_store_idx %arg6[%shift_right_logical3A_1434], %broadcast_in_dim3A_3 : memref<25008xi32, #tpu.memory_space<vmem>>[vector<16xi32>], vector<16xi32>,
      %mul3A_1435 = arith.constant 224 : i32
      %mul3A_1436 = arith.muli %scan3A_527, %mul3A_1435 : i32
      %add3A_1437 = arith.constant 80 : i32
      %add3A_1438 = arith.addi %mul3A_1436, %add3A_1437 : i32
      %get3A_1439 = arith.index_cast %add3A_1438 : i32 to index
      %get3A_1440 = tpu.vector_load %arg4[%get3A_1439] {strides = array<i32>} : memref<7168xi32, #tpu.memory_space<vmem>>, vector<16xi32>,
      %shift_right_logical3A_1441 = arith.constant 2 : i32
      %shift_right_logical3A_1442 = vector.broadcast %shift_right_logical3A_1441 : i32 to vector<16xi32>
      %shift_right_logical3A_1443 = arith.shrui %get3A_1440, %shift_right_logical3A_1442 : vector<16xi32>
      tpu.vector_store_idx %arg6[%shift_right_logical3A_1443], %broadcast_in_dim3A_3 : memref<25008xi32, #tpu.memory_space<vmem>>[vector<16xi32>], vector<16xi32>,
      %mul3A_1444 = arith.constant 224 : i32
      %mul3A_1445 = arith.muli %scan3A_527, %mul3A_1444 : i32
      %add3A_1446 = arith.constant 96 : i32
      %add3A_1447 = arith.addi %mul3A_1445, %add3A_1446 : i32
      %get3A_1448 = arith.index_cast %add3A_1447 : i32 to index
      %get3A_1449 = tpu.vector_load %arg4[%get3A_1448] {strides = array<i32>} : memref<7168xi32, #tpu.memory_space<vmem>>, vector<16xi32>,
      %shift_right_logical3A_1450 = arith.constant 2 : i32
      %shift_right_logical3A_1451 = vector.broadcast %shift_right_logical3A_1450 : i32 to vector<16xi32>
      %shift_right_logical3A_1452 = arith.shrui %get3A_1449, %shift_right_logical3A_1451 : vector<16xi32>
      tpu.vector_store_idx %arg6[%shift_right_logical3A_1452], %broadcast_in_dim3A_3 : memref<25008xi32, #tpu.memory_space<vmem>>[vector<16xi32>], vector<16xi32>,
      %mul3A_1453 = arith.constant 224 : i32
      %mul3A_1454 = arith.muli %scan3A_527, %mul3A_1453 : i32
      %add3A_1455 = arith.constant 112 : i32
      %add3A_1456 = arith.addi %mul3A_1454, %add3A_1455 : i32
      %get3A_1457 = arith.index_cast %add3A_1456 : i32 to index
      %get3A_1458 = tpu.vector_load %arg4[%get3A_1457] {strides = array<i32>} : memref<7168xi32, #tpu.memory_space<vmem>>, vector<16xi32>,
      %shift_right_logical3A_1459 = arith.constant 2 : i32
      %shift_right_logical3A_1460 = vector.broadcast %shift_right_logical3A_1459 : i32 to vector<16xi32>
      %shift_right_logical3A_1461 = arith.shrui %get3A_1458, %shift_right_logical3A_1460 : vector<16xi32>
      tpu.vector_store_idx %arg6[%shift_right_logical3A_1461], %broadcast_in_dim3A_3 : memref<25008xi32, #tpu.memory_space<vmem>>[vector<16xi32>], vector<16xi32>,
      %mul3A_1462 = arith.constant 224 : i32
      %mul3A_1463 = arith.muli %scan3A_527, %mul3A_1462 : i32
      %add3A_1464 = arith.constant 128 : i32
      %add3A_1465 = arith.addi %mul3A_1463, %add3A_1464 : i32
      %get3A_1466 = arith.index_cast %add3A_1465 : i32 to index
      %get3A_1467 = tpu.vector_load %arg4[%get3A_1466] {strides = array<i32>} : memref<7168xi32, #tpu.memory_space<vmem>>, vector<16xi32>,
      %shift_right_logical3A_1468 = arith.constant 2 : i32
      %shift_right_logical3A_1469 = vector.broadcast %shift_right_logical3A_1468 : i32 to vector<16xi32>
      %shift_right_logical3A_1470 = arith.shrui %get3A_1467, %shift_right_logical3A_1469 : vector<16xi32>
      tpu.vector_store_idx %arg6[%shift_right_logical3A_1470], %broadcast_in_dim3A_3 : memref<25008xi32, #tpu.memory_space<vmem>>[vector<16xi32>], vector<16xi32>,
      %mul3A_1471 = arith.constant 224 : i32
      %mul3A_1472 = arith.muli %scan3A_527, %mul3A_1471 : i32
      %add3A_1473 = arith.constant 144 : i32
      %add3A_1474 = arith.addi %mul3A_1472, %add3A_1473 : i32
      %get3A_1475 = arith.index_cast %add3A_1474 : i32 to index
      %get3A_1476 = tpu.vector_load %arg4[%get3A_1475] {strides = array<i32>} : memref<7168xi32, #tpu.memory_space<vmem>>, vector<16xi32>,
      %shift_right_logical3A_1477 = arith.constant 2 : i32
      %shift_right_logical3A_1478 = vector.broadcast %shift_right_logical3A_1477 : i32 to vector<16xi32>
      %shift_right_logical3A_1479 = arith.shrui %get3A_1476, %shift_right_logical3A_1478 : vector<16xi32>
      tpu.vector_store_idx %arg6[%shift_right_logical3A_1479], %broadcast_in_dim3A_3 : memref<25008xi32, #tpu.memory_space<vmem>>[vector<16xi32>], vector<16xi32>,
      %mul3A_1480 = arith.constant 224 : i32
      %mul3A_1481 = arith.muli %scan3A_527, %mul3A_1480 : i32
      %add3A_1482 = arith.constant 160 : i32
      %add3A_1483 = arith.addi %mul3A_1481, %add3A_1482 : i32
      %get3A_1484 = arith.index_cast %add3A_1483 : i32 to index
      %get3A_1485 = tpu.vector_load %arg4[%get3A_1484] {strides = array<i32>} : memref<7168xi32, #tpu.memory_space<vmem>>, vector<16xi32>,
      %shift_right_logical3A_1486 = arith.constant 2 : i32
      %shift_right_logical3A_1487 = vector.broadcast %shift_right_logical3A_1486 : i32 to vector<16xi32>
      %shift_right_logical3A_1488 = arith.shrui %get3A_1485, %shift_right_logical3A_1487 : vector<16xi32>
      tpu.vector_store_idx %arg6[%shift_right_logical3A_1488], %broadcast_in_dim3A_3 : memref<25008xi32, #tpu.memory_space<vmem>>[vector<16xi32>], vector<16xi32>,
      %mul3A_1489 = arith.constant 224 : i32
      %mul3A_1490 = arith.muli %scan3A_527, %mul3A_1489 : i32
      %add3A_1491 = arith.constant 176 : i32
      %add3A_1492 = arith.addi %mul3A_1490, %add3A_1491 : i32
      %get3A_1493 = arith.index_cast %add3A_1492 : i32 to index
      %get3A_1494 = tpu.vector_load %arg4[%get3A_1493] {strides = array<i32>} : memref<7168xi32, #tpu.memory_space<vmem>>, vector<16xi32>,
      %shift_right_logical3A_1495 = arith.constant 2 : i32
      %shift_right_logical3A_1496 = vector.broadcast %shift_right_logical3A_1495 : i32 to vector<16xi32>
      %shift_right_logical3A_1497 = arith.shrui %get3A_1494, %shift_right_logical3A_1496 : vector<16xi32>
      tpu.vector_store_idx %arg6[%shift_right_logical3A_1497], %broadcast_in_dim3A_3 : memref<25008xi32, #tpu.memory_space<vmem>>[vector<16xi32>], vector<16xi32>,
      %mul3A_1498 = arith.constant 224 : i32
      %mul3A_1499 = arith.muli %scan3A_527, %mul3A_1498 : i32
      %add3A_1500 = arith.constant 192 : i32
      %add3A_1501 = arith.addi %mul3A_1499, %add3A_1500 : i32
      %get3A_1502 = arith.index_cast %add3A_1501 : i32 to index
      %get3A_1503 = tpu.vector_load %arg4[%get3A_1502] {strides = array<i32>} : memref<7168xi32, #tpu.memory_space<vmem>>, vector<16xi32>,
      %shift_right_logical3A_1504 = arith.constant 2 : i32
      %shift_right_logical3A_1505 = vector.broadcast %shift_right_logical3A_1504 : i32 to vector<16xi32>
      %shift_right_logical3A_1506 = arith.shrui %get3A_1503, %shift_right_logical3A_1505 : vector<16xi32>
      tpu.vector_store_idx %arg6[%shift_right_logical3A_1506], %broadcast_in_dim3A_3 : memref<25008xi32, #tpu.memory_space<vmem>>[vector<16xi32>], vector<16xi32>,
      %mul3A_1507 = arith.constant 224 : i32
      %mul3A_1508 = arith.muli %scan3A_527, %mul3A_1507 : i32
      %add3A_1509 = arith.constant 208 : i32
      %add3A_1510 = arith.addi %mul3A_1508, %add3A_1509 : i32
      %get3A_1511 = arith.index_cast %add3A_1510 : i32 to index
      %get3A_1512 = tpu.vector_load %arg4[%get3A_1511] {strides = array<i32>} : memref<7168xi32, #tpu.memory_space<vmem>>, vector<16xi32>,
      %shift_right_logical3A_1513 = arith.constant 2 : i32
      %shift_right_logical3A_1514 = vector.broadcast %shift_right_logical3A_1513 : i32 to vector<16xi32>
      %shift_right_logical3A_1515 = arith.shrui %get3A_1512, %shift_right_logical3A_1514 : vector<16xi32>
      tpu.vector_store_idx %arg6[%shift_right_logical3A_1515], %broadcast_in_dim3A_3 : memref<25008xi32, #tpu.memory_space<vmem>>[vector<16xi32>], vector<16xi32>,
      %dma_start3A_1516 = arith.constant 0 : i32
      %dma_start3A_1517 = arith.constant 0 : i32
      %dma_start3A_1518 = tpu.memref_slice %arg7[%dma_start3A_1517] : memref<224xi32, #tpu.memory_space<vmem>> -> memref<112xi32, #tpu.memory_space<vmem>>
      %dma_start3A_1519 = arith.constant 0 : i32
      %dma_start3A_1520 = tpu.memref_slice %arg8[%dma_start3A_1516, %dma_start3A_1519] : memref<2x112xi32, #tpu.memory_space<vmem>> -> memref<1x112xi32, #tpu.memory_space<vmem>>
      %dma_start3A_1521 = tpu.memref_squeeze %dma_start3A_1520 : memref<1x112xi32, #tpu.memory_space<vmem>> -> memref<112xi32, #tpu.memory_space<vmem>>
      %dma_start3A_1522 = arith.constant 0 : i32
      %dma_start3A_1523 = tpu.memref_slice %arg3[%dma_start3A_1522] : memref<25600000xi32, #tpu.memory_space<hbm>> -> memref<25600000xi32, #tpu.memory_space<hbm>>
      tpu.enqueue_indirect_dma source(%dma_start3A_1518 : memref<112xi32, #tpu.memory_space<vmem>>) target(%dma_start3A_1523 : memref<25600000xi32, #tpu.memory_space<hbm>>) offsets(%dma_start3A_1521 : memref<112xi32, #tpu.memory_space<vmem>>) semaphore(%arg10 : memref<!tpu.dma_semaphore, #tpu.memory_space<semaphore_mem>>)
      %dma_wait3A_1524 = arith.constant 0 : i32
      %dma_wait3A_1525 = arith.constant 0 : i32
      %dma_wait3A_1526 = tpu.memref_slice %arg7[%dma_wait3A_1525] : memref<224xi32, #tpu.memory_space<vmem>> -> memref<112xi32, #tpu.memory_space<vmem>>
      %dma_wait3A_1527 = arith.constant 0 : i32
      %dma_wait3A_1528 = tpu.memref_slice %arg8[%dma_wait3A_1524, %dma_wait3A_1527] : memref<2x112xi32, #tpu.memory_space<vmem>> -> memref<1x112xi32, #tpu.memory_space<vmem>>
      %dma_wait3A_1529 = tpu.memref_squeeze %dma_wait3A_1528 : memref<1x112xi32, #tpu.memory_space<vmem>> -> memref<112xi32, #tpu.memory_space<vmem>>
      %dma_wait3A_1530 = arith.constant 0 : i32
      %dma_wait3A_1531 = tpu.memref_slice %arg3[%dma_wait3A_1530] : memref<25600000xi32, #tpu.memory_space<hbm>> -> memref<25600000xi32, #tpu.memory_space<hbm>>
      tpu.wait_indirect_dma semaphore(%arg10 : memref<!tpu.dma_semaphore, #tpu.memory_space<semaphore_mem>>) src(%dma_wait3A_1526 : memref<112xi32, #tpu.memory_space<vmem>>) dst(%dma_wait3A_1531 : memref<25600000xi32, #tpu.memory_space<hbm>>)
      %dma_start3A_1532 = arith.constant 1 : i32
      %dma_start3A_1533 = arith.constant 112 : i32
      %dma_start3A_1534 = tpu.memref_slice %arg7[%dma_start3A_1533] : memref<224xi32, #tpu.memory_space<vmem>> -> memref<112xi32, #tpu.memory_space<vmem>>
      %dma_start3A_1535 = arith.constant 0 : i32
      %dma_start3A_1536 = tpu.memref_slice %arg8[%dma_start3A_1532, %dma_start3A_1535] : memref<2x112xi32, #tpu.memory_space<vmem>> -> memref<1x112xi32, #tpu.memory_space<vmem>>
      %dma_start3A_1537 = tpu.memref_squeeze %dma_start3A_1536 : memref<1x112xi32, #tpu.memory_space<vmem>> -> memref<112xi32, #tpu.memory_space<vmem>>
      %dma_start3A_1538 = arith.constant 0 : i32
      %dma_start3A_1539 = tpu.memref_slice %arg3[%dma_start3A_1538] : memref<25600000xi32, #tpu.memory_space<hbm>> -> memref<25600000xi32, #tpu.memory_space<hbm>>
      tpu.enqueue_indirect_dma source(%dma_start3A_1534 : memref<112xi32, #tpu.memory_space<vmem>>) target(%dma_start3A_1539 : memref<25600000xi32, #tpu.memory_space<hbm>>) offsets(%dma_start3A_1537 : memref<112xi32, #tpu.memory_space<vmem>>) semaphore(%arg10 : memref<!tpu.dma_semaphore, #tpu.memory_space<semaphore_mem>>)
      %dma_wait3A_1540 = arith.constant 1 : i32
      %dma_wait3A_1541 = arith.constant 112 : i32
      %dma_wait3A_1542 = tpu.memref_slice %arg7[%dma_wait3A_1541] : memref<224xi32, #tpu.memory_space<vmem>> -> memref<112xi32, #tpu.memory_space<vmem>>
      %dma_wait3A_1543 = arith.constant 0 : i32
      %dma_wait3A_1544 = tpu.memref_slice %arg8[%dma_wait3A_1540, %dma_wait3A_1543] : memref<2x112xi32, #tpu.memory_space<vmem>> -> memref<1x112xi32, #tpu.memory_space<vmem>>
      %dma_wait3A_1545 = tpu.memref_squeeze %dma_wait3A_1544 : memref<1x112xi32, #tpu.memory_space<vmem>> -> memref<112xi32, #tpu.memory_space<vmem>>
      %dma_wait3A_1546 = arith.constant 0 : i32
      %dma_wait3A_1547 = tpu.memref_slice %arg3[%dma_wait3A_1546] : memref<25600000xi32, #tpu.memory_space<hbm>> -> memref<25600000xi32, #tpu.memory_space<hbm>>
      tpu.wait_indirect_dma semaphore(%arg10 : memref<!tpu.dma_semaphore, #tpu.memory_space<semaphore_mem>>) src(%dma_wait3A_1542 : memref<112xi32, #tpu.memory_space<vmem>>) dst(%dma_wait3A_1547 : memref<25600000xi32, #tpu.memory_space<hbm>>)
    }
    %scan3A_526 = arith.constant 32 : i32
    return
  }
}

</mosaic_0001>

<sc_bundles>
// kernel: kernel.3.cloned.1.call-start
scs
__scs_entry_jumppad:
0x0: {  	(pc) =	sbr.rel $0x88, $3  }
0x1: {  	(tag) =	ssettag $0x0;
	lr =	simm.s32 $0x1  }
0x2: {  	[smem:$0x3FA0] =	sst lr;
	_ =	strace $0xD0000000  }
0x3: {  	_ = 	snop  }
0x4: {  	_ = 	snop  }
0x5: {  	_ = 	snop  }
0x6: {  	_ = 	snop  }
0x7: {  	_ = 	snop  }
__scs_overlays_trampoline_lowered:
0x8: {  	[smem:$0x3FAF] =	sst s0  }
0x9: {  	[smem:$0x3FB0] =	sst s1  }
0xa: {  	[smem:$0x3FB1] =	sst s2  }
0xb: {  	[smem:$0x3FB2] =	sst s3  }
0xc: {  	[smem:$0x3FB3] =	sst s4  }
0xd: {  	[smem:$0x3FB4] =	sst s5  }
0xe: {  	[smem:$0x3FB5] =	sst s6  }
0xf: {  	[smem:$0x3FB6] =	sst s7  }
0x10: {  	[smem:$0x3FB7] =	sst s8  }
0x11: {  	[smem:$0x3FB8] =	sst s9;
	s0 =	simm.s32 @!p0 $0x0  }
0x12: {  	s1 =	sld [smem:$0x3F9E];
	s0 =	simm.s32 @p0 $0x1  }
0x13: {  	[smem:$0x3FB9] =	sst s0;
	s0 =	simm.s32 @!p1 $0x0  }
0x14: {  	s2 =	sld [smem:$0x3F9D];
	s0 =	simm.s32 @p1 $0x1  }
0x15: {  	[smem:$0x3FBA] =	sst s0;
	s0 =	simm.s32 @!p2 $0x0  }
0x16: {  	s3 =	sld [smem:$0x3FDB];
	s0 =	simm.s32 @p2 $0x1  }
0x17: {  	s4 =	simm.s32 $0x1BF5;
	[smem:$0x3FBC] =	sst s0  }
0x18: {  	s0 =	sld [smem:$0x3F9F];
	_ =	swait.ge [sflag:s4], $0x0  }
0x19: {  	s7 =	sld [smem:$0x3FA0]  }
0x1a: {  	s8 =	sadd.s32 $0xFFFFE003, lr  }
0x1b: {  	s9 =	sadd.s32 $0xFFFFFEF7, lr;
	s5 =	simm.s32 $0xFFFFFFFF;
	p2 =	slt.u32 s8, $0xFFFFF086  }
0x1c: {  	p1 =	slt.u32 s9, $0xF7A;
	s5 =	simm.s32 @!p2 $0x0  }
0x1d: {  	s5 =	simm.s32 @p1 $0x1;
	p0 =	seq.s32 s7, s2  }
0x1e: {  	s7 =	smul.u32 @!p0 $0xF7A, s2;
	p2 =	seq.s32 @!p0 s5, $0x0  }
0x1f: {  	s9 =	smul.u32 $0xF7A, s1;
	s8 =	simm.s32 @!p0 $0x1BF5;
	p2 =	por !p2, p0  }
0x20: {  	[sflag:s8] =	ssyncset.s32 @!p0 $0xFFFFF086;
	s6 =	sadd.s32 @!p0 s3, s7;
	s7 =	simm.s32 @!p0 $0x108  }
0x21: {  	s3 =	sadd.s32 s3, s9;
	s6 =	sadd.s32 @!p0 $0x88, s6;
	s7 =	simm.s32 @p2 $0x1082  }
0x22: {  	[simem:s7], [sflag:s8] =	dma.local @!p0 [hbm:s6], $0xF7A  }
0x23: {  	s9 =	sor.u32 $0xD0000000, s2;
	s6 =	simm.s32 $0x108;
	_ =	swait.ge @!p0 [sflag:s8], $0x0  }
0x24: {  	s3 =	sadd.s32 $0x88, s3;
	s6 =	simm.s32 @!p1 $0x1082;
	[sflag:s4] =	ssyncset.s32 $0xFFFFF086  }
0x25: {  	[simem:s6], [sflag:s4] =	dma.local [hbm:s3], $0xF7A  }
0x26: {  	[smem:$0x3FA0] =	sst s1;
	(tag) =	ssettag s2;
	_ =	strace s9  }
0x27: {  	s1 =	sld [smem:$0x3FB0]  }
0x28: {  	s2 =	sld [smem:$0x3FB1]  }
0x29: {  	s4 =	sld [smem:$0x3FB3]  }
0x2a: {  	p0 =	seq.s32 s5, $0x0;
	s5 =	sld [smem:$0x3FB4]  }
0x2b: {  	s6 =	sld [smem:$0x3FB5]  }
0x2c: {  	s7 =	sld [smem:$0x3FB6]  }
0x2d: {  	s3 =	simm.s32 $0x108;
	s8 =	sld [smem:$0x3FB7]  }
0x2e: {  	s3 =	simm.s32 @!p0 $0x1082;
	s9 =	sld [smem:$0x3FB8]  }
0x2f: {  	lr =	sadd.s32 s0, s3;
	s0 =	sld [smem:$0x3FAF]  }
0x30: {  	s3 =	sld [smem:$0x3FB2]  }
0x31: {  	[smem:$0x3FBB] =	sst s10  }
0x32: {  	s10 =	sld [smem:$0x3FB9];
	_ =	sdelay $0x3  }
0x33: {  	p0 =	seq.s32 s10, $0x1;
	s10 =	sld [smem:$0x3FBB];
	_ =	sdelay $0x3  }
0x34: {  	[smem:$0x3FBB] =	sst s10  }
0x35: {  	s10 =	sld [smem:$0x3FBA];
	_ =	sdelay $0x3  }
0x36: {  	p1 =	seq.s32 s10, $0x1;
	s10 =	sld [smem:$0x3FBB];
	_ =	sdelay $0x3  }
0x37: {  	[smem:$0x3FBB] =	sst s10  }
0x38: {  	s10 =	sld [smem:$0x3FBC]  }
0x39: {  	_ = 	snop;
	(pc) =	sbr.ind lr, $3  }
0x3a: {  	_ = 	snop  }
0x3b: {  	_ = 	snop  }
0x3c: {  	p2 =	seq.s32 s10, $0x1;
	s10 =	sld [smem:$0x3FBB]  }
0x3d: {  	_ =	shalt  }
0x3e: {  	_ =	shalt  }
0x3f: {  	_ =	shalt  }
0x40: {  	_ =	shalt  }
0x41: {  	_ =	shalt  }
0x42: {  	_ =	shalt  }
0x43: {  	_ =	shalt  }
0x44: {  	_ =	shalt  }
0x45: {  	_ =	shalt  }
0x46: {  	_ =	shalt  }
0x47: {  	_ =	shalt  }
0x48: {  	_ =	shalt  }
0x49: {  	_ =	shalt  }
0x4a: {  	_ =	shalt  }
0x4b: {  	_ =	shalt  }
0x4c: {  	_ =	shalt  }
0x4d: {  	_ =	shalt  }
0x4e: {  	_ =	shalt  }
0x4f: {  	_ =	shalt  }
0x50: {  	_ =	shalt  }
0x51: {  	_ =	shalt  }
0x52: {  	_ =	shalt  }
0x53: {  	_ =	shalt  }
0x54: {  	_ =	shalt  }
0x55: {  	_ =	shalt  }
0x56: {  	_ =	shalt  }
0x57: {  	_ =	shalt  }
0x58: {  	_ =	shalt  }
0x59: {  	_ =	shalt  }
0x5a: {  	_ =	shalt  }
0x5b: {  	_ =	shalt  }
0x5c: {  	_ =	shalt  }
0x5d: {  	_ =	shalt  }
0x5e: {  	_ =	shalt  }
0x5f: {  	_ =	shalt  }
0x60: {  	_ =	shalt  }
0x61: {  	_ =	shalt  }
0x62: {  	_ =	shalt  }
0x63: {  	_ =	shalt  }
0x64: {  	_ =	shalt  }
0x65: {  	_ =	shalt  }
0x66: {  	_ =	shalt  }
0x67: {  	_ =	shalt  }
0x68: {  	_ =	shalt  }
0x69: {  	_ =	shalt  }
0x6a: {  	_ =	shalt  }
0x6b: {  	_ =	shalt  }
0x6c: {  	_ =	shalt  }
0x6d: {  	_ =	shalt  }
0x6e: {  	_ =	shalt  }
0x6f: {  	_ =	shalt  }
0x70: {  	_ =	shalt  }
0x71: {  	_ =	shalt  }
0x72: {  	_ =	shalt  }
0x73: {  	_ =	shalt  }
0x74: {  	_ =	shalt  }
0x75: {  	_ =	shalt  }
0x76: {  	_ =	shalt  }
0x77: {  	_ =	shalt  }
0x78: {  	_ =	shalt  }
0x79: {  	_ =	shalt  }
0x7a: {  	_ =	shalt  }
0x7b: {  	_ =	shalt  }
0x7c: {  	_ =	shalt  }
0x7d: {  	_ =	shalt  }
0x7e: {  	_ =	shalt  }
0x7f: {  	_ =	shalt  }
0x80: {  	_ =	shalt  }
0x81: {  	_ =	shalt  }
0x82: {  	_ =	shalt  }
0x83: {  	_ =	shalt  }
0x84: {  	_ =	shalt  }
0x85: {  	_ =	shalt  }
0x86: {  	_ =	shalt  }
0x87: {  	_ =	shalt  }
.Lfunc_end0:
.L_simem_size_0:
called_computation.1_lowered:
.L_overlay_start_0:
0x88: {  	s2 =	sld [smem:$0x3FD9]  }
0x89: {  	s3 =	sld [smem:$0x3FFE];
	_ =	sdelay $0x1  }
0x8a: {  	s1 =	srdreg.scid  }
0x8b: {  	s0 =	sand.u32 $0x1, s1  }
0x8c: {  	s17 =	sshll.u32 s0, $0xA;
	s2 =	sadd.s32 s3, s2  }
0x8d: {  	s2 =	sadd.s32 s2, s17  }
0x8e: {  	[smem:$0x3FC7] =	sst s2  }
0x8f: {  	_ = 	snop  }
0x90: {  	s2 =	sld [smem:$0x3FD0];
	(tm) =	ssettm $0x1  }
0x91: {  	s18 =	sld [smem:$0x3FFB];
	_ =	sdelay $0x3  }
0x92: {  	_ =	strace s18  }
0x93: {  	s3 =	sld [smem:$0x3FFC];
	_ =	sdelay $0x3  }
0x94: {  	_ =	strace s3  }
0x95: {  	s3 =	sld [smem:$0x3FFD];
	_ =	sdelay $0x3  }
0x96: {  	_ =	strace s3  }
0x97: {  	_ =	strace $0x8FFFFFFF  }
0x98: {  	s19 =	sld [smem:$0x3FDB];
	_ =	sdelay $0x1  }
0x99: {  	s4 =	simm.s32 $_scs_section_size  }
0x9a: {  	s5 =	simm.s32 $_size__tile_overlayer_lowered;
	s6 =	simm.s32 $_tile_overlayer_lowered  }
0x9b: {  	s22 =	simm.s32 $0x1BFF;
	s21 =	sshll.u32 s6, $0x1;
	s3 =	sadd.s32 s4, s19  }
0x9c: {  	s7 =	simm.s32 $0x0;
	s20 =	sshll.u32 s5, $0x1;
	s5 =	sadd.s32 s21, s3  }
0x9d: {  	[timem:s7], [sflag:s22] =	dma.local [hbm:s5], s20  }
0x9e: {  	_ =	swait.ge [sflag:s22], s20  }
0x9f: {  	s4 =	ssub.s32 $0x0, s20;
	[sflag:s22] =	ssyncset.done $0x0  }
0xa0: {  	[sflag:s22] =	ssyncadd.s32 s4;
	_ =	sdelay $0x1  }
0xa1: {  	s23 =	simm.s32 $0x1B8B  }
0xa2: {  	_ =	swait.ge [sflag:s23], $0x1  }
0xa3: {  	[sflag:s23] =	ssyncset.done $0x0  }
0xa4: {  	s25 =	simm.s32 $0x1B8E;
	s24 =	sld [smem:$0x3FFE];
	[sflag:s23] =	ssyncadd.s32 $0xFFFFFFFF  }
0xa5: {  	s26 =	simm.s32 $execute0_lowered;
	[smem:$0x3FD2] =	sst s25  }
0xa6: {  	s5 =	sshll.u32 s26, $0x1;
	_ =	strace $0x80000046;
	[dreg:$0x1] =	wrdreg $0xFFFFFFFF  }
0xa7: {  	s28 =	simm.s32 $_size_execute0_lowered;
	s3 =	sadd.s32 s3, s5;
	[dreg:$0x0] =	wrdreg $0x0  }
0xa8: {  	s5 =	sshll.u32 s28, $0x1;
	[dreg:$0x2] =	wrdreg s3  }
0xa9: {  	[dreg:$0x3] =	wrdreg s5  }
0xaa: {  	[dreg:$0x4] =	wrdreg $0xC0  }
0xab: {  	_ =	task [dreg:s7], $0x5FFFF  }
0xac: {  	[dreg:$0x1] =	wrdreg $0xFFFFFFFF  }
0xad: {  	[dreg:$0x0] =	wrdreg $0x60  }
0xae: {  	[dreg:$0x2] =	wrdreg s24  }
0xaf: {  	[dreg:$0x3] =	wrdreg s2  }
0xb0: {  	[dreg:$0x4] =	wrdreg $0x9  }
0xb1: {  	_ =	task.clear_ibuf [dreg:s7], $0x5FFFF;
	_ =	strace $0x90000046  }
0xb2: {  	s29 =	simm.s32 $0x9;
	_ =	strace $0x80000048  }
0xb3: {  	_ =	swait.ge [sflag:s29], $0x1  }
0xb4: {  	[sflag:s29] =	ssyncadd.s32 $0xFFFFFFFF  }
0xb5: {  	_ =	strace $0x90000048  }
0xb6: {  	_ =	sfence  }
0xb7: {  	s30 =	sld [smem:$0x0];
	_ =	sdelay $0x2  }
0xb8: {  	s31 =	sshll.u32 s1, $0xD;
	s1 =	sshrl.u32 s1, $0x2  }
0xb9: {  	s3 =	sand.u32 $0x4000, s31;
	s1 =	sadd.s32 s1, s30  }
0xba: {  	s0 =	sor.u32 s3, s0;
	s1 =	sshll.u32 s1, $0x11  }
0xbb: {  	s0 =	sor.u32 s1, s0  }
0xbc: {  	s0 =	sadd.s32 $0x8F2B, s0  }
0xbd: {  	[sflag:s0] =	ssyncadd.remote.s32 $0x1  }
0xbe: {  	_ =	sfence.sel $0xFFFF  }
0xbf: {  	[dreg:$0x0] =	wrdreg $0xFFFFFFFF;
	(pc) =	sbr.abs _section_cstart, $3  }
0xc0: {  	[dreg:$0x1] =	wrdreg $0xFFFFFFFF  }
0xc1: {  	_ =	task.clear_ibuf [dreg:s7], $0x2FFFF;
	_ =	strace $0x9FFFFFFF  }
0xc2: {  	(tm) =	ssettm $0x7FFFFFFF  }
0xc3: {  	_ =	shalt  }
tec
execute0_lowered:
.L_overlay_start_1:
0x0: {  	(tag) =	ssettag $0x1  }
0x1: {  	s1 =	srdreg.scid;
	s10 =	stileid.u32  }
0x2: {  	s0 =	rddreg [dreg:$0x0];
	s1 =	sand.u32 $0x1, s1;
	s4 =	sshll.u32 s10, $0x1  }
0x3: {  	s4 =	sor.u32 s1, s4;
	s6 =	ssub.s32 $0x2, s1;
	s1 =	smul.u32 $0xC3500, s1  }
0x4: {  	s2 =	rddreg [dreg:$0x1];
	s3 =	simm.s32 $0x0;
	s5 =	smul.u32 $0x380, s4  }
0x5: {  	[smem:$0x7FF] =	sst s3;
	s8 =	smul.u32 $0xC3500, s4  }
0x6: {  	_ =	strace $0x80000047;
	s7 =	sshrl.u32 s6, $0x1;
	s4 =	smul.u32 $0x186A0, s4  }
0x7: {  	s9 =	ssub.s32 s6, s7;
	s0 =	sadd.s32 s5, s0;
	s13 =	sadd.s32 $0x61A8, s8  }
0x8: {  	s14 =	sshrl.u32 s8, $0x3;
	s4 =	sadd.s32 s2, s4;
	s16 =	sadd.s32 $0x124F8, s8  }
0x9: {  	s17 =	sadd.s32 $0x1E848, s8;
	s18 =	sadd.s32 $0x2AB98, s8;
	s22 =	sadd.s32 $0x36EE8, s8  }
0xa: {  	s23 =	sadd.s32 $0x43238, s8;
	s24 =	sadd.s32 $0x4F588, s8;
	s6 =	sadd.s32 $0x5B8D8, s8  }
0xb: {  	s11 =	sadd.s32 $0x67C28, s8;
	s12 =	sadd.s32 $0x73F78, s8;
	s9 =	smax.u32 s9, $0x1  }
0xc: {  	s0 =	sadd.s32 $0xA00, s0;
	[dreg:$0x4] =	wrdreg s4;
	s7 =	sadd.s32 s2, s14  }
0xd: {  	s19 =	sshrl.u32 s17, $0x3;
	s20 =	sshrl.u32 s18, $0x3;
	s25 =	sshrl.u32 s23, $0x3  }
0xe: {  	s26 =	sshrl.u32 s24, $0x3;
	s14 =	sshrl.u32 s12, $0x3;
	s17 =	sadd.s32 $0x8C618, s8  }
0xf: {  	s18 =	smul.u32 $0x186A00, s10;
	s23 =	sadd.s32 $0xB1008, s8;
	s10 =	simm.s32 $0x3  }
0x10: {  	s12 =	simm.s32 $0x1;
	[dreg:$0x3] =	wrdreg s0;
	s0 =	sshrl.u32 s13, $0x3  }
0x11: {  	s15 =	sadd.s32 $0x186A, s7;
	s21 =	sadd.s32 s2, s20;
	s5 =	sadd.s32 s2, s26  }
0x12: {  	s13 =	sshrl.u32 s11, $0x3;
	s4 =	sshrl.u32 s17, $0x3;
	s26 =	sadd.s32 $0x30D4, s7  }
0x13: {  	s28 =	sadd.s32 $0x927C, s7;
	s29 =	sadd.s32 $0xAAE6, s7;
	s30 =	sadd.s32 $0xC350, s7  }
0x14: {  	s31 =	sadd.s32 $0xDBBA, s7;
	s11 =	simm.s32 $0x1C00;
	[dreg:$0x6] =	wrdreg s15  }
0x15: {  	s17 =	simm.s32 $0x2;
	s0 =	sadd.s32 s2, s0;
	[dreg:$0x9] =	wrdreg s21  }
0x16: {  	[dreg:$0xc] =	wrdreg s5;
	s15 =	sadd.s32 s2, s14;
	s20 =	sadd.s32 s2, s4  }
0x17: {  	s1 =	sadd.s32 s1, s18;
	[dreg:$0x16] =	wrdreg s26;
	s26 =	sadd.s32 $0x7A12, s7  }
0x18: {  	s4 =	sadd.s32 $0x124F8, s7;
	s5 =	sadd.s32 $0x13D62, s7;
	[dreg:$0x5] =	wrdreg s0  }
0x19: {  	s14 =	simm.s32 $0x70;
	s18 =	simm.s32 $0xE180;
	[dreg:$0xf] =	wrdreg s15  }
0x1a: {  	s0 =	sshrl.u32 s16, $0x3;
	s16 =	sadd.s32 $0x802C8, s8;
	[dreg:$0x11] =	wrdreg s20  }
0x1b: {  	[dreg:$0x12] =	wrdreg s1;
	s1 =	sshrl.u32 s23, $0x3;
	s0 =	sadd.s32 s2, s0  }
0x1c: {  	s15 =	simm.s32 $0xE100;
	[dreg:$0x7] =	wrdreg s0;
	s0 =	sadd.s32 s2, s19  }
0x1d: {  	s20 =	simm.s32 $0xE070;
	s19 =	sadd.s32 $0x98968, s8;
	[dreg:$0x8] =	wrdreg s0  }
0x1e: {  	s0 =	sshrl.u32 s22, $0x3;
	s21 =	sshrl.u32 s19, $0x3;
	s22 =	sadd.s32 $0xA4CB8, s8  }
0x1f: {  	s8 =	sadd.s32 $0xBD358, s8;
	s0 =	sadd.s32 s2, s0;
	s24 =	sshrl.u32 s22, $0x3  }
0x20: {  	s8 =	sshrl.u32 s8, $0x3;
	[dreg:$0xa] =	wrdreg s0;
	s0 =	sadd.s32 s2, s25  }
0x21: {  	s25 =	sadd.s32 s2, s1;
	[dreg:$0xb] =	wrdreg s0;
	s0 =	sshrl.u32 s6, $0x3  }
0x22: {  	s1 =	sadd.s32 $0xF424, s7;
	[dreg:$0x15] =	wrdreg s25;
	s0 =	sadd.s32 s2, s0  }
0x23: {  	s8 =	sadd.s32 s2, s8;
	[dreg:$0xd] =	wrdreg s0;
	s0 =	sadd.s32 s2, s13  }
0x24: {  	s25 =	sadd.s32 $0x61A8, s7;
	[dreg:$0xe] =	wrdreg s0;
	s0 =	sshrl.u32 s16, $0x3  }
0x25: {  	s6 =	sadd.s32 $0x155CC, s7;
	s13 =	simm.s32 $0x7E00;
	s0 =	sadd.s32 s2, s0  }
0x26: {  	s16 =	simm.s32 $0xE000;
	[dreg:$0x10] =	wrdreg s0;
	s0 =	sadd.s32 s2, s21  }
0x27: {  	[dreg:$0x13] =	wrdreg s0;
	s0 =	sadd.s32 s2, s24;
	s24 =	sadd.s32 $0x493E, s7  }
0x28: {  	v0 =	vimm.s32 $0x0;
	v1 =	vimm.s32 $0x1;
	[dreg:$0x14] =	wrdreg s0;
	s0 =	sadd.s32 $0x10C8E, s7;
	s7 =	sadd.s32 $0x16E36, s7  }
.LBB2_1:
0x29: {  	s19 =	simm.s32 $0x40;
	s21 =	simm.s32 $0x0  }
.LBB2_2:
0x2a: {  	p0 =	sne.s32 s19, $0x18680;
	[tilespmem:s21+$0x1C00] =	vst v0;
	s22 =	smov.u32 s19;
	s19 =	sadd.s32 $0x40, s19  }
.Ltmp0:
0x2b: {  	[tilespmem:s21+$0x7E00] =	vst v0;
	(pc) =	sbr.rel @p0 .LBB2_2-.Ltmp0, $2  }
0x2c: {  	_ =	sdelay $0x2  }
0x2d: {  	s21 =	sshra.s32 s22, $0x2  }
0x2e: {  	[tilespmem:s21+$0x1C00] =	vst v0  }
0x2f: {  	[tilespmem:s21+$0x7E00] =	vst v0;
	s21 =	simm.s32 $0x0;
	s19 =	rddreg [dreg:$0x3]  }
0x30: {  	[tilespmem:s21], [sflag:$0x3] =	stream.linear.gather [hbm4b:s19+s21], $0x1C00, $0x38;
	[tilespmem:$0xE200] =	vst v63  }
0x31: {  	_ =	swait.ge [sflag:s10], $0x1C00  }
0x32: {  	[sflag:s10] =	ssyncset.done $0x0  }
0x33: {  	s22 =	rddreg [dreg:$0x4];
	[sflag:s10] =	ssyncadd.s32 $0xFFFFE400  }
0x34: {  	[hbm4b:s22+s21] =	stream.linear.scatter [tilespmem:s11], [sflag:$0x1], $0x61A8, $0x38;
	[tilespmem:$0xE200] =	vst v63  }
0x35: {  	s23 =	rddreg [dreg:$0x5]  }
0x36: {  	[hbm4b:s23+s21] =	stream.linear.scatter [tilespmem:s11], [sflag:$0x1], $0x61A8, $0x38;
	[tilespmem:$0xE200] =	vst v63  }
0x37: {  	s22 =	rddreg [dreg:$0x6]  }
0x38: {  	[hbm4b:s22+s21] =	stream.linear.scatter [tilespmem:s11], [sflag:$0x1], $0x61A8, $0x38;
	[tilespmem:$0xE200] =	vst v63  }
0x39: {  	s23 =	rddreg [dreg:$0x7]  }
0x3a: {  	[hbm4b:s23+s21] =	stream.linear.scatter [tilespmem:s11], [sflag:$0x1], $0x61A8, $0x38;
	[tilespmem:$0xE200] =	vst v63  }
0x3b: {  	s22 =	rddreg [dreg:$0x16]  }
0x3c: {  	[hbm4b:s22+s21] =	stream.linear.scatter [tilespmem:s11], [sflag:$0x1], $0x61A8, $0x38;
	[tilespmem:$0xE200] =	vst v63  }
0x3d: {  	s23 =	rddreg [dreg:$0x8]  }
0x3e: {  	[hbm4b:s23+s21] =	stream.linear.scatter [tilespmem:s11], [sflag:$0x1], $0x61A8, $0x38;
	[tilespmem:$0xE200] =	vst v63  }
0x3f: {  	_ = 	snop  }
0x40: {  	[hbm4b:s24+s21] =	stream.linear.scatter [tilespmem:s11], [sflag:$0x1], $0x61A8, $0x38;
	[tilespmem:$0xE200] =	vst v63  }
0x41: {  	s22 =	rddreg [dreg:$0x9]  }
0x42: {  	[hbm4b:s22+s21] =	stream.linear.scatter [tilespmem:s11], [sflag:$0x1], $0x61A8, $0x38;
	[tilespmem:$0xE200] =	vst v63  }
0x43: {  	_ = 	snop  }
0x44: {  	[hbm4b:s25+s21] =	stream.linear.scatter [tilespmem:s11], [sflag:$0x1], $0x61A8, $0x38;
	[tilespmem:$0xE200] =	vst v63  }
0x45: {  	s23 =	rddreg [dreg:$0xa]  }
0x46: {  	[hbm4b:s23+s21] =	stream.linear.scatter [tilespmem:s11], [sflag:$0x1], $0x61A8, $0x38;
	[tilespmem:$0xE200] =	vst v63  }
0x47: {  	_ = 	snop  }
0x48: {  	[hbm4b:s26+s21] =	stream.linear.scatter [tilespmem:s11], [sflag:$0x1], $0x61A8, $0x38;
	[tilespmem:$0xE200] =	vst v63  }
0x49: {  	s22 =	rddreg [dreg:$0xb]  }
0x4a: {  	[hbm4b:s22+s21] =	stream.linear.scatter [tilespmem:s11], [sflag:$0x1], $0x61A8, $0x38;
	[tilespmem:$0xE200] =	vst v63  }
0x4b: {  	_ = 	snop  }
0x4c: {  	[hbm4b:s28+s21] =	stream.linear.scatter [tilespmem:s11], [sflag:$0x1], $0x61A8, $0x38;
	[tilespmem:$0xE200] =	vst v63  }
0x4d: {  	s23 =	rddreg [dreg:$0xc]  }
0x4e: {  	[hbm4b:s23+s21] =	stream.linear.scatter [tilespmem:s11], [sflag:$0x1], $0x61A8, $0x38;
	[tilespmem:$0xE200] =	vst v63  }
0x4f: {  	_ = 	snop  }
0x50: {  	[hbm4b:s29+s21] =	stream.linear.scatter [tilespmem:s11], [sflag:$0x1], $0x61A8, $0x38;
	[tilespmem:$0xE200] =	vst v63  }
0x51: {  	s22 =	rddreg [dreg:$0xd]  }
0x52: {  	[hbm4b:s22+s21] =	stream.linear.scatter [tilespmem:s11], [sflag:$0x1], $0x61A8, $0x38;
	[tilespmem:$0xE200] =	vst v63  }
0x53: {  	_ = 	snop  }
0x54: {  	[hbm4b:s30+s21] =	stream.linear.scatter [tilespmem:s11], [sflag:$0x1], $0x61A8, $0x38;
	[tilespmem:$0xE200] =	vst v63  }
0x55: {  	s23 =	rddreg [dreg:$0xe]  }
0x56: {  	[hbm4b:s23+s21] =	stream.linear.scatter [tilespmem:s11], [sflag:$0x1], $0x61A8, $0x38;
	[tilespmem:$0xE200] =	vst v63  }
0x57: {  	_ = 	snop  }
0x58: {  	[hbm4b:s31+s21] =	stream.linear.scatter [tilespmem:s11], [sflag:$0x1], $0x61A8, $0x38;
	[tilespmem:$0xE200] =	vst v63  }
0x59: {  	s22 =	rddreg [dreg:$0xf]  }
0x5a: {  	[hbm4b:s22+s21] =	stream.linear.scatter [tilespmem:s11], [sflag:$0x1], $0x61A8, $0x38;
	[tilespmem:$0xE200] =	vst v63  }
0x5b: {  	_ = 	snop  }
0x5c: {  	[hbm4b:s1+s21] =	stream.linear.scatter [tilespmem:s11], [sflag:$0x1], $0x61A8, $0x38;
	[tilespmem:$0xE200] =	vst v63  }
0x5d: {  	s23 =	rddreg [dreg:$0x10]  }
0x5e: {  	[hbm4b:s23+s21] =	stream.linear.scatter [tilespmem:s11], [sflag:$0x1], $0x61A8, $0x38;
	[tilespmem:$0xE200] =	vst v63  }
0x5f: {  	_ = 	snop  }
0x60: {  	[hbm4b:s0+s21] =	stream.linear.scatter [tilespmem:s11], [sflag:$0x1], $0x61A8, $0x38;
	[tilespmem:$0xE200] =	vst v63  }
0x61: {  	s22 =	rddreg [dreg:$0x11]  }
0x62: {  	[hbm4b:s22+s21] =	stream.linear.scatter [tilespmem:s11], [sflag:$0x1], $0x61A8, $0x38;
	[tilespmem:$0xE200] =	vst v63  }
0x63: {  	_ = 	snop  }
0x64: {  	[hbm4b:s4+s21] =	stream.linear.scatter [tilespmem:s11], [sflag:$0x1], $0x61A8, $0x38;
	[tilespmem:$0xE200] =	vst v63  }
0x65: {  	s23 =	rddreg [dreg:$0x13]  }
0x66: {  	[hbm4b:s23+s21] =	stream.linear.scatter [tilespmem:s11], [sflag:$0x1], $0x61A8, $0x38;
	[tilespmem:$0xE200] =	vst v63  }
0x67: {  	_ = 	snop  }
0x68: {  	[hbm4b:s5+s21] =	stream.linear.scatter [tilespmem:s11], [sflag:$0x1], $0x61A8, $0x38;
	[tilespmem:$0xE200] =	vst v63  }
0x69: {  	s22 =	rddreg [dreg:$0x14]  }
0x6a: {  	[hbm4b:s22+s21] =	stream.linear.scatter [tilespmem:s11], [sflag:$0x1], $0x61A8, $0x38;
	[tilespmem:$0xE200] =	vst v63  }
0x6b: {  	_ = 	snop  }
0x6c: {  	[hbm4b:s6+s21] =	stream.linear.scatter [tilespmem:s11], [sflag:$0x1], $0x61A8, $0x38;
	[tilespmem:$0xE200] =	vst v63  }
0x6d: {  	s23 =	rddreg [dreg:$0x15]  }
0x6e: {  	[hbm4b:s23+s21] =	stream.linear.scatter [tilespmem:s11], [sflag:$0x1], $0x61A8, $0x38;
	[tilespmem:$0xE200] =	vst v63  }
0x6f: {  	_ = 	snop  }
0x70: {  	[hbm4b:s7+s21] =	stream.linear.scatter [tilespmem:s11], [sflag:$0x1], $0x61A8, $0x38;
	[tilespmem:$0xE200] =	vst v63  }
0x71: {  	_ = 	snop  }
0x72: {  	[hbm4b:s8+s21] =	stream.linear.scatter [tilespmem:s11], [sflag:$0x1], $0x61A8, $0x38;
	[tilespmem:$0xE200] =	vst v63  }
0x73: {  	_ =	swait.ge [sflag:s12], $0x61A8  }
0x74: {  	[sflag:s12] =	ssyncset.done $0x0  }
0x75: {  	[sflag:s12] =	ssyncadd.s32 $0xFFFF9E58  }
0x76: {  	_ =	swait.ge [sflag:s12], $0x61A8  }
0x77: {  	[sflag:s12] =	ssyncset.done $0x0  }
0x78: {  	[sflag:s12] =	ssyncadd.s32 $0xFFFF9E58  }
0x79: {  	_ =	swait.ge [sflag:s12], $0x61A8  }
0x7a: {  	[sflag:s12] =	ssyncset.done $0x0  }
0x7b: {  	[sflag:s12] =	ssyncadd.s32 $0xFFFF9E58  }
0x7c: {  	_ =	swait.ge [sflag:s12], $0x61A8  }
0x7d: {  	[sflag:s12] =	ssyncset.done $0x0  }
0x7e: {  	[sflag:s12] =	ssyncadd.s32 $0xFFFF9E58  }
0x7f: {  	_ =	swait.ge [sflag:s12], $0x61A8  }
0x80: {  	[sflag:s12] =	ssyncset.done $0x0  }
0x81: {  	[sflag:s12] =	ssyncadd.s32 $0xFFFF9E58  }
0x82: {  	_ =	swait.ge [sflag:s12], $0x61A8  }
0x83: {  	[sflag:s12] =	ssyncset.done $0x0  }
0x84: {  	[sflag:s12] =	ssyncadd.s32 $0xFFFF9E58  }
0x85: {  	_ =	swait.ge [sflag:s12], $0x61A8  }
0x86: {  	[sflag:s12] =	ssyncset.done $0x0  }
0x87: {  	[sflag:s12] =	ssyncadd.s32 $0xFFFF9E58  }
0x88: {  	_ =	swait.ge [sflag:s12], $0x61A8  }
0x89: {  	[sflag:s12] =	ssyncset.done $0x0  }
0x8a: {  	[sflag:s12] =	ssyncadd.s32 $0xFFFF9E58  }
0x8b: {  	_ =	swait.ge [sflag:s12], $0x61A8  }
0x8c: {  	[sflag:s12] =	ssyncset.done $0x0  }
0x8d: {  	[sflag:s12] =	ssyncadd.s32 $0xFFFF9E58  }
0x8e: {  	_ =	swait.ge [sflag:s12], $0x61A8  }
0x8f: {  	[sflag:s12] =	ssyncset.done $0x0  }
0x90: {  	[sflag:s12] =	ssyncadd.s32 $0xFFFF9E58  }
0x91: {  	_ =	swait.ge [sflag:s12], $0x61A8  }
0x92: {  	[sflag:s12] =	ssyncset.done $0x0  }
0x93: {  	[sflag:s12] =	ssyncadd.s32 $0xFFFF9E58  }
0x94: {  	_ =	swait.ge [sflag:s12], $0x61A8  }
0x95: {  	[sflag:s12] =	ssyncset.done $0x0  }
0x96: {  	[sflag:s12] =	ssyncadd.s32 $0xFFFF9E58  }
0x97: {  	_ =	swait.ge [sflag:s12], $0x61A8  }
0x98: {  	[sflag:s12] =	ssyncset.done $0x0  }
0x99: {  	[sflag:s12] =	ssyncadd.s32 $0xFFFF9E58  }
0x9a: {  	_ =	swait.ge [sflag:s12], $0x61A8  }
0x9b: {  	[sflag:s12] =	ssyncset.done $0x0  }
0x9c: {  	[sflag:s12] =	ssyncadd.s32 $0xFFFF9E58  }
0x9d: {  	_ =	swait.ge [sflag:s12], $0x61A8  }
0x9e: {  	[sflag:s12] =	ssyncset.done $0x0  }
0x9f: {  	[sflag:s12] =	ssyncadd.s32 $0xFFFF9E58  }
0xa0: {  	_ =	swait.ge [sflag:s12], $0x61A8  }
0xa1: {  	[sflag:s12] =	ssyncset.done $0x0  }
0xa2: {  	[sflag:s12] =	ssyncadd.s32 $0xFFFF9E58  }
0xa3: {  	_ =	swait.ge [sflag:s12], $0x61A8  }
0xa4: {  	[sflag:s12] =	ssyncset.done $0x0  }
0xa5: {  	[sflag:s12] =	ssyncadd.s32 $0xFFFF9E58  }
0xa6: {  	_ =	swait.ge [sflag:s12], $0x61A8  }
0xa7: {  	[sflag:s12] =	ssyncset.done $0x0  }
0xa8: {  	[sflag:s12] =	ssyncadd.s32 $0xFFFF9E58  }
0xa9: {  	_ =	swait.ge [sflag:s12], $0x61A8  }
0xaa: {  	[sflag:s12] =	ssyncset.done $0x0  }
0xab: {  	[sflag:s12] =	ssyncadd.s32 $0xFFFF9E58  }
0xac: {  	_ =	swait.ge [sflag:s12], $0x61A8  }
0xad: {  	[sflag:s12] =	ssyncset.done $0x0  }
0xae: {  	[sflag:s12] =	ssyncadd.s32 $0xFFFF9E58  }
0xaf: {  	_ =	swait.ge [sflag:s12], $0x61A8  }
0xb0: {  	[sflag:s12] =	ssyncset.done $0x0  }
0xb1: {  	[sflag:s12] =	ssyncadd.s32 $0xFFFF9E58  }
0xb2: {  	_ =	swait.ge [sflag:s12], $0x61A8  }
0xb3: {  	[sflag:s12] =	ssyncset.done $0x0  }
0xb4: {  	[sflag:s12] =	ssyncadd.s32 $0xFFFF9E58  }
0xb5: {  	_ =	swait.ge [sflag:s12], $0x61A8  }
0xb6: {  	[sflag:s12] =	ssyncset.done $0x0  }
0xb7: {  	[sflag:s12] =	ssyncadd.s32 $0xFFFF9E58  }
0xb8: {  	_ =	swait.ge [sflag:s12], $0x61A8  }
0xb9: {  	[sflag:s12] =	ssyncset.done $0x0  }
0xba: {  	[sflag:s12] =	ssyncadd.s32 $0xFFFF9E58  }
0xbb: {  	_ =	swait.ge [sflag:s12], $0x61A8  }
0xbc: {  	[sflag:s12] =	ssyncset.done $0x0  }
0xbd: {  	[sflag:s12] =	ssyncadd.s32 $0xFFFF9E58  }
0xbe: {  	_ =	swait.ge [sflag:s12], $0x61A8  }
0xbf: {  	[sflag:s12] =	ssyncset.done $0x0  }
0xc0: {  	[sflag:s12] =	ssyncadd.s32 $0xFFFF9E58  }
0xc1: {  	_ =	swait.ge [sflag:s12], $0x61A8  }
0xc2: {  	[sflag:s12] =	ssyncset.done $0x0  }
0xc3: {  	[sflag:s12] =	ssyncadd.s32 $0xFFFF9E58  }
0xc4: {  	_ =	swait.ge [sflag:s12], $0x61A8  }
0xc5: {  	[sflag:s12] =	ssyncset.done $0x0  }
0xc6: {  	[sflag:s12] =	ssyncadd.s32 $0xFFFF9E58  }
0xc7: {  	_ =	swait.ge [sflag:s12], $0x61A8  }
0xc8: {  	[sflag:s12] =	ssyncset.done $0x0  }
0xc9: {  	[sflag:s12] =	ssyncadd.s32 $0xFFFF9E58  }
0xca: {  	_ =	swait.ge [sflag:s12], $0x61A8  }
0xcb: {  	[sflag:s12] =	ssyncset.done $0x0  }
0xcc: {  	[sflag:s12] =	ssyncadd.s32 $0xFFFF9E58  }
0xcd: {  	_ =	swait.ge [sflag:s12], $0x61A8  }
0xce: {  	[sflag:s12] =	ssyncset.done $0x0  }
0xcf: {  	[sflag:s12] =	ssyncadd.s32 $0xFFFF9E58  }
0xd0: {  	_ =	swait.ge [sflag:s12], $0x61A8  }
0xd1: {  	[sflag:s12] =	ssyncset.done $0x0  }
0xd2: {  	s19 =	simm.s32 $0x70;
	s22 =	rddreg [dreg:$0x12];
	[sflag:s12] =	ssyncadd.s32 $0xFFFF9E58  }
.LBB2_4:
0xd3: {  	v2 =	vld [tilespmem:s19+$0xFFFFFF90];
	_ =	sdelay $0x4  }
0xd4: {  	v3 =	vshrl.u32 v2, $0x2;
	_ =	sdelay $0x1  }
0xd5: {  	v2 =	vshll.u32 v2, $0x3  }
0xd6: {  	v2 =	vand.u32 $0x18, v2  }
0xd7: {  	v2 =	vshll.u32 v1, v2  }
0xd8: {  	[tilespmem:v3+s13+$0x0] =	vst.idx.add.s32.msk $0xffff, v2  }
0xd9: {  	v2 =	vld [tilespmem:s19+$0xFFFFFFA0];
	_ =	sdelay $0x4  }
0xda: {  	v3 =	vshrl.u32 v2, $0x2;
	_ =	sdelay $0x1  }
0xdb: {  	v2 =	vshll.u32 v2, $0x3  }
0xdc: {  	v2 =	vand.u32 $0x18, v2  }
0xdd: {  	v2 =	vshll.u32 v1, v2  }
0xde: {  	[tilespmem:v3+s13+$0x0] =	vst.idx.add.s32.msk $0xffff, v2  }
0xdf: {  	v2 =	vld [tilespmem:s19+$0xFFFFFFB0];
	_ =	sdelay $0x4  }
0xe0: {  	v3 =	vshrl.u32 v2, $0x2;
	_ =	sdelay $0x1  }
0xe1: {  	v2 =	vshll.u32 v2, $0x3  }
0xe2: {  	v2 =	vand.u32 $0x18, v2  }
0xe3: {  	v2 =	vshll.u32 v1, v2  }
0xe4: {  	[tilespmem:v3+s13+$0x0] =	vst.idx.add.s32.msk $0xffff, v2  }
0xe5: {  	v2 =	vld [tilespmem:s19+$0xFFFFFFC0];
	_ =	sdelay $0x4  }
0xe6: {  	v3 =	vshrl.u32 v2, $0x2;
	_ =	sdelay $0x1  }
0xe7: {  	v2 =	vshll.u32 v2, $0x3  }
0xe8: {  	v2 =	vand.u32 $0x18, v2  }
0xe9: {  	v2 =	vshll.u32 v1, v2  }
0xea: {  	[tilespmem:v3+s13+$0x0] =	vst.idx.add.s32.msk $0xffff, v2  }
0xeb: {  	v2 =	vld [tilespmem:s19+$0xFFFFFFD0];
	_ =	sdelay $0x4  }
0xec: {  	v3 =	vshrl.u32 v2, $0x2;
	_ =	sdelay $0x1  }
0xed: {  	v2 =	vshll.u32 v2, $0x3  }
0xee: {  	v2 =	vand.u32 $0x18, v2  }
0xef: {  	v2 =	vshll.u32 v1, v2  }
0xf0: {  	[tilespmem:v3+s13+$0x0] =	vst.idx.add.s32.msk $0xffff, v2  }
0xf1: {  	v2 =	vld [tilespmem:s19+$0xFFFFFFE0];
	_ =	sdelay $0x4  }
0xf2: {  	v3 =	vshrl.u32 v2, $0x2;
	_ =	sdelay $0x1  }
0xf3: {  	v2 =	vshll.u32 v2, $0x3  }
0xf4: {  	v2 =	vand.u32 $0x18, v2  }
0xf5: {  	v2 =	vshll.u32 v1, v2  }
0xf6: {  	[tilespmem:v3+s13+$0x0] =	vst.idx.add.s32.msk $0xffff, v2  }
0xf7: {  	v2 =	vld [tilespmem:s19+$0xFFFFFFF0];
	_ =	sdelay $0x4  }
0xf8: {  	v3 =	vshrl.u32 v2, $0x2;
	_ =	sdelay $0x1  }
0xf9: {  	v2 =	vshll.u32 v2, $0x3  }
0xfa: {  	v2 =	vand.u32 $0x18, v2  }
0xfb: {  	v2 =	vshll.u32 v1, v2  }
0xfc: {  	[tilespmem:v3+s13+$0x0] =	vst.idx.add.s32.msk $0xffff, v2  }
0xfd: {  	v2 =	vld [tilespmem:s19+$0x0];
	_ =	sdelay $0x4  }
0xfe: {  	v3 =	vshrl.u32 v2, $0x2;
	_ =	sdelay $0x1  }
0xff: {  	v2 =	vshll.u32 v2, $0x3  }
0x100: {  	v2 =	vand.u32 $0x18, v2  }
0x101: {  	v2 =	vshll.u32 v1, v2  }
0x102: {  	s23 =	sand.u32 $0x1FE0, s21;
	[tilespmem:v3+s13+$0x0] =	vst.idx.add.s32.msk $0xffff, v2  }
0x103: {  	v2 =	vld [tilespmem:s23+$0x80];
	_ =	sdelay $0x4  }
0x104: {  	v3 =	vshrl.u32 v2, $0x2;
	_ =	sdelay $0x1  }
0x105: {  	v2 =	vshll.u32 v2, $0x3  }
0x106: {  	v2 =	vand.u32 $0x18, v2  }
0x107: {  	v2 =	vshll.u32 v1, v2  }
0x108: {  	[tilespmem:v3+s13+$0x0] =	vst.idx.add.s32.msk $0xffff, v2  }
0x109: {  	v2 =	vld [tilespmem:s19+$0x20];
	_ =	sdelay $0x4  }
0x10a: {  	v3 =	vshrl.u32 v2, $0x2;
	_ =	sdelay $0x1  }
0x10b: {  	v2 =	vshll.u32 v2, $0x3  }
0x10c: {  	v2 =	vand.u32 $0x18, v2  }
0x10d: {  	v2 =	vshll.u32 v1, v2  }
0x10e: {  	[tilespmem:v3+s13+$0x0] =	vst.idx.add.s32.msk $0xffff, v2  }
0x10f: {  	v2 =	vld [tilespmem:s19+$0x30];
	_ =	sdelay $0x4  }
0x110: {  	v3 =	vshrl.u32 v2, $0x2;
	_ =	sdelay $0x1  }
0x111: {  	v2 =	vshll.u32 v2, $0x3  }
0x112: {  	v2 =	vand.u32 $0x18, v2  }
0x113: {  	v2 =	vshll.u32 v1, v2  }
0x114: {  	[tilespmem:v3+s13+$0x0] =	vst.idx.add.s32.msk $0xffff, v2  }
0x115: {  	v2 =	vld [tilespmem:s19+$0x40];
	_ =	sdelay $0x4  }
0x116: {  	v3 =	vshrl.u32 v2, $0x2;
	_ =	sdelay $0x1  }
0x117: {  	v2 =	vshll.u32 v2, $0x3  }
0x118: {  	v2 =	vand.u32 $0x18, v2  }
0x119: {  	v2 =	vshll.u32 v1, v2  }
0x11a: {  	[tilespmem:v3+s13+$0x0] =	vst.idx.add.s32.msk $0xffff, v2  }
0x11b: {  	v2 =	vld [tilespmem:s19+$0x50];
	_ =	sdelay $0x4  }
0x11c: {  	v3 =	vshrl.u32 v2, $0x2;
	_ =	sdelay $0x1  }
0x11d: {  	v2 =	vshll.u32 v2, $0x3  }
0x11e: {  	v2 =	vand.u32 $0x18, v2  }
0x11f: {  	v2 =	vshll.u32 v1, v2  }
0x120: {  	[tilespmem:v3+s13+$0x0] =	vst.idx.add.s32.msk $0xffff, v2  }
0x121: {  	v2 =	vld [tilespmem:s19+$0x60];
	_ =	sdelay $0x4  }
0x122: {  	v3 =	vshrl.u32 v2, $0x2;
	_ =	sdelay $0x1  }
0x123: {  	v2 =	vshll.u32 v2, $0x3  }
0x124: {  	v2 =	vand.u32 $0x18, v2  }
0x125: {  	v2 =	vshll.u32 v1, v2  }
0x126: {  	[tilespmem:v3+s13+$0x0] =	vst.idx.add.s32.msk $0xffff, v2  }
0x127: {  	v2 =	vld [tilespmem:s19+$0xFFFFFF90];
	_ =	sdelay $0x4  }
0x128: {  	v2 =	vshrl.u32 v2, $0x2;
	_ =	sdelay $0x4  }
0x129: {  	v3 =	vld.idx.msk [tilespmem:v2+s13+$0x0], $0xffff;
	_ =	sdelay $0x4  }
0x12a: {  	v4 =	vshrl.u32 v3, $0x1  }
0x12b: {  	v3 =	vor.u32 v3, v4  }
0x12c: {  	v4 =	vshrl.u32 v3, $0x2  }
0x12d: {  	v3 =	vor.u32 v3, v4  }
0x12e: {  	v4 =	vshrl.u32 v3, $0x4  }
0x12f: {  	v2 =	vadd.s32 s22, v2;
	v3 =	vor.u32 v3, v4  }
0x130: {  	[tilespmem:$0xE100] =	vst v2;
	v3 =	vand.u32 $0x1010101, v3  }
0x131: {  	[tilespmem:$0xE000] =	vst v3  }
0x132: {  	v2 =	vld [tilespmem:s19+$0xFFFFFFA0];
	_ =	sdelay $0x4  }
0x133: {  	v2 =	vshrl.u32 v2, $0x2;
	_ =	sdelay $0x4  }
0x134: {  	v3 =	vld.idx.msk [tilespmem:v2+s13+$0x0], $0xffff;
	_ =	sdelay $0x4  }
0x135: {  	v51 =	vshrl.u32 v3, $0x1  }
0x136: {  	v3 =	vor.u32 v3, v51  }
0x137: {  	v4 =	vshrl.u32 v3, $0x2  }
0x138: {  	v3 =	vor.u32 v3, v4  }
0x139: {  	v4 =	vshrl.u32 v3, $0x4  }
0x13a: {  	v2 =	vadd.s32 s22, v2;
	v3 =	vor.u32 v3, v4  }
0x13b: {  	[tilespmem:$0xE110] =	vst v2;
	v3 =	vand.u32 $0x1010101, v3  }
0x13c: {  	[tilespmem:$0xE010] =	vst v3  }
0x13d: {  	v2 =	vld [tilespmem:s19+$0xFFFFFFB0];
	_ =	sdelay $0x4  }
0x13e: {  	v2 =	vshrl.u32 v2, $0x2;
	_ =	sdelay $0x4  }
0x13f: {  	v3 =	vld.idx.msk [tilespmem:v2+s13+$0x0], $0xffff;
	_ =	sdelay $0x4  }
0x140: {  	v52 =	vshrl.u32 v3, $0x1  }
0x141: {  	v3 =	vor.u32 v3, v52  }
0x142: {  	v4 =	vshrl.u32 v3, $0x2  }
0x143: {  	v3 =	vor.u32 v3, v4  }
0x144: {  	v4 =	vshrl.u32 v3, $0x4  }
0x145: {  	v2 =	vadd.s32 s22, v2;
	v3 =	vor.u32 v3, v4  }
0x146: {  	[tilespmem:$0xE120] =	vst v2;
	v3 =	vand.u32 $0x1010101, v3  }
0x147: {  	[tilespmem:$0xE020] =	vst v3  }
0x148: {  	v2 =	vld [tilespmem:s19+$0xFFFFFFC0];
	_ =	sdelay $0x4  }
0x149: {  	v2 =	vshrl.u32 v2, $0x2;
	_ =	sdelay $0x4  }
0x14a: {  	v3 =	vld.idx.msk [tilespmem:v2+s13+$0x0], $0xffff;
	_ =	sdelay $0x4  }
0x14b: {  	v53 =	vshrl.u32 v3, $0x1  }
0x14c: {  	v3 =	vor.u32 v3, v53  }
0x14d: {  	v4 =	vshrl.u32 v3, $0x2  }
0x14e: {  	v3 =	vor.u32 v3, v4  }
0x14f: {  	v4 =	vshrl.u32 v3, $0x4  }
0x150: {  	v2 =	vadd.s32 s22, v2;
	v3 =	vor.u32 v3, v4  }
0x151: {  	[tilespmem:$0xE130] =	vst v2;
	v3 =	vand.u32 $0x1010101, v3  }
0x152: {  	[tilespmem:$0xE030] =	vst v3  }
0x153: {  	v2 =	vld [tilespmem:s19+$0xFFFFFFD0];
	_ =	sdelay $0x4  }
0x154: {  	v2 =	vshrl.u32 v2, $0x2;
	_ =	sdelay $0x4  }
0x155: {  	v3 =	vld.idx.msk [tilespmem:v2+s13+$0x0], $0xffff;
	_ =	sdelay $0x4  }
0x156: {  	v54 =	vshrl.u32 v3, $0x1  }
0x157: {  	v3 =	vor.u32 v3, v54  }
0x158: {  	v4 =	vshrl.u32 v3, $0x2  }
0x159: {  	v3 =	vor.u32 v3, v4  }
0x15a: {  	v4 =	vshrl.u32 v3, $0x4  }
0x15b: {  	v2 =	vadd.s32 s22, v2;
	v3 =	vor.u32 v3, v4  }
0x15c: {  	[tilespmem:$0xE140] =	vst v2;
	v3 =	vand.u32 $0x1010101, v3  }
0x15d: {  	[tilespmem:$0xE040] =	vst v3  }
0x15e: {  	v2 =	vld [tilespmem:s19+$0xFFFFFFE0];
	_ =	sdelay $0x4  }
0x15f: {  	v2 =	vshrl.u32 v2, $0x2;
	_ =	sdelay $0x4  }
0x160: {  	v3 =	vld.idx.msk [tilespmem:v2+s13+$0x0], $0xffff;
	_ =	sdelay $0x4  }
0x161: {  	v55 =	vshrl.u32 v3, $0x1  }
0x162: {  	v3 =	vor.u32 v3, v55  }
0x163: {  	v4 =	vshrl.u32 v3, $0x2  }
0x164: {  	v3 =	vor.u32 v3, v4  }
0x165: {  	v4 =	vshrl.u32 v3, $0x4  }
0x166: {  	v2 =	vadd.s32 s22, v2;
	v3 =	vor.u32 v3, v4  }
0x167: {  	[tilespmem:$0xE150] =	vst v2;
	v3 =	vand.u32 $0x1010101, v3  }
0x168: {  	[tilespmem:$0xE050] =	vst v3  }
0x169: {  	v2 =	vld [tilespmem:s19+$0xFFFFFFF0];
	_ =	sdelay $0x4  }
0x16a: {  	v2 =	vshrl.u32 v2, $0x2;
	_ =	sdelay $0x4  }
0x16b: {  	v3 =	vld.idx.msk [tilespmem:v2+s13+$0x0], $0xffff;
	_ =	sdelay $0x4  }
0x16c: {  	v56 =	vshrl.u32 v3, $0x1  }
0x16d: {  	v3 =	vor.u32 v3, v56  }
0x16e: {  	v4 =	vshrl.u32 v3, $0x2  }
0x16f: {  	v3 =	vor.u32 v3, v4  }
0x170: {  	v4 =	vshrl.u32 v3, $0x4  }
0x171: {  	v2 =	vadd.s32 s22, v2;
	v3 =	vor.u32 v3, v4  }
0x172: {  	[tilespmem:$0xE160] =	vst v2;
	v3 =	vand.u32 $0x1010101, v3  }
0x173: {  	[tilespmem:$0xE060] =	vst v3  }
0x174: {  	v2 =	vld [tilespmem:s19+$0x0];
	_ =	sdelay $0x4  }
0x175: {  	v2 =	vshrl.u32 v2, $0x2;
	_ =	sdelay $0x4  }
0x176: {  	v3 =	vld.idx.msk [tilespmem:v2+s13+$0x0], $0xffff;
	_ =	sdelay $0x4  }
0x177: {  	v57 =	vshrl.u32 v3, $0x1  }
0x178: {  	v3 =	vor.u32 v3, v57  }
0x179: {  	v4 =	vshrl.u32 v3, $0x2  }
0x17a: {  	v3 =	vor.u32 v3, v4  }
0x17b: {  	v4 =	vshrl.u32 v3, $0x4  }
0x17c: {  	v2 =	vadd.s32 s22, v2;
	v3 =	vor.u32 v3, v4  }
0x17d: {  	[tilespmem:$0xE180] =	vst v2;
	v3 =	vand.u32 $0x1010101, v3  }
0x17e: {  	[tilespmem:$0xE070] =	vst v3  }
0x17f: {  	v2 =	vld [tilespmem:s23+$0x80];
	_ =	sdelay $0x4  }
0x180: {  	v2 =	vshrl.u32 v2, $0x2;
	_ =	sdelay $0x4  }
0x181: {  	v3 =	vld.idx.msk [tilespmem:v2+s13+$0x0], $0xffff;
	_ =	sdelay $0x4  }
0x182: {  	v58 =	vshrl.u32 v3, $0x1  }
0x183: {  	v3 =	vor.u32 v3, v58  }
0x184: {  	v4 =	vshrl.u32 v3, $0x2  }
0x185: {  	v3 =	vor.u32 v3, v4  }
0x186: {  	v4 =	vshrl.u32 v3, $0x4  }
0x187: {  	v2 =	vadd.s32 s22, v2;
	v3 =	vor.u32 v3, v4  }
0x188: {  	[tilespmem:$0xE190] =	vst v2;
	v3 =	vand.u32 $0x1010101, v3  }
0x189: {  	[tilespmem:$0xE080] =	vst v3  }
0x18a: {  	v2 =	vld [tilespmem:s19+$0x20];
	_ =	sdelay $0x4  }
0x18b: {  	v2 =	vshrl.u32 v2, $0x2;
	_ =	sdelay $0x4  }
0x18c: {  	v3 =	vld.idx.msk [tilespmem:v2+s13+$0x0], $0xffff;
	_ =	sdelay $0x4  }
0x18d: {  	v59 =	vshrl.u32 v3, $0x1  }
0x18e: {  	v3 =	vor.u32 v3, v59  }
0x18f: {  	v4 =	vshrl.u32 v3, $0x2  }
0x190: {  	v3 =	vor.u32 v3, v4  }
0x191: {  	v4 =	vshrl.u32 v3, $0x4  }
0x192: {  	v2 =	vadd.s32 s22, v2;
	v3 =	vor.u32 v3, v4  }
0x193: {  	[tilespmem:$0xE1A0] =	vst v2;
	v3 =	vand.u32 $0x1010101, v3  }
0x194: {  	[tilespmem:$0xE090] =	vst v3  }
0x195: {  	v2 =	vld [tilespmem:s19+$0x30];
	_ =	sdelay $0x4  }
0x196: {  	v2 =	vshrl.u32 v2, $0x2;
	_ =	sdelay $0x4  }
0x197: {  	v3 =	vld.idx.msk [tilespmem:v2+s13+$0x0], $0xffff;
	_ =	sdelay $0x4  }
0x198: {  	v60 =	vshrl.u32 v3, $0x1  }
0x199: {  	v3 =	vor.u32 v3, v60  }
0x19a: {  	v4 =	vshrl.u32 v3, $0x2  }
0x19b: {  	v3 =	vor.u32 v3, v4  }
0x19c: {  	v4 =	vshrl.u32 v3, $0x4  }
0x19d: {  	v2 =	vadd.s32 s22, v2;
	v3 =	vor.u32 v3, v4  }
0x19e: {  	[tilespmem:$0xE1B0] =	vst v2;
	v3 =	vand.u32 $0x1010101, v3  }
0x19f: {  	[tilespmem:$0xE0A0] =	vst v3  }
0x1a0: {  	v2 =	vld [tilespmem:s19+$0x40];
	_ =	sdelay $0x4  }
0x1a1: {  	v2 =	vshrl.u32 v2, $0x2;
	_ =	sdelay $0x4  }
0x1a2: {  	v3 =	vld.idx.msk [tilespmem:v2+s13+$0x0], $0xffff;
	_ =	sdelay $0x4  }
0x1a3: {  	v61 =	vshrl.u32 v3, $0x1  }
0x1a4: {  	v3 =	vor.u32 v3, v61  }
0x1a5: {  	v4 =	vshrl.u32 v3, $0x2  }
0x1a6: {  	v3 =	vor.u32 v3, v4  }
0x1a7: {  	v4 =	vshrl.u32 v3, $0x4  }
0x1a8: {  	v2 =	vadd.s32 s22, v2;
	v3 =	vor.u32 v3, v4  }
0x1a9: {  	[tilespmem:$0xE1C0] =	vst v2;
	v3 =	vand.u32 $0x1010101, v3  }
0x1aa: {  	[tilespmem:$0xE0B0] =	vst v3  }
0x1ab: {  	v2 =	vld [tilespmem:s19+$0x50];
	_ =	sdelay $0x4  }
0x1ac: {  	v2 =	vshrl.u32 v2, $0x2;
	_ =	sdelay $0x4  }
0x1ad: {  	v3 =	vld.idx.msk [tilespmem:v2+s13+$0x0], $0xffff;
	_ =	sdelay $0x4  }
0x1ae: {  	v62 =	vshrl.u32 v3, $0x1  }
0x1af: {  	v3 =	vor.u32 v3, v62  }
0x1b0: {  	v4 =	vshrl.u32 v3, $0x2  }
0x1b1: {  	v3 =	vor.u32 v3, v4  }
0x1b2: {  	v4 =	vshrl.u32 v3, $0x4  }
0x1b3: {  	v2 =	vadd.s32 s22, v2;
	v3 =	vor.u32 v3, v4  }
0x1b4: {  	[tilespmem:$0xE1D0] =	vst v2;
	v3 =	vand.u32 $0x1010101, v3  }
0x1b5: {  	[tilespmem:$0xE0C0] =	vst v3  }
0x1b6: {  	v2 =	vld [tilespmem:s19+$0x60];
	_ =	sdelay $0x4  }
0x1b7: {  	v2 =	vshrl.u32 v2, $0x2;
	_ =	sdelay $0x4  }
0x1b8: {  	v3 =	vld.idx.msk [tilespmem:v2+s13+$0x0], $0xffff;
	_ =	sdelay $0x4  }
0x1b9: {  	v63 =	vshrl.u32 v3, $0x1  }
0x1ba: {  	v3 =	vor.u32 v3, v63  }
0x1bb: {  	v4 =	vshrl.u32 v3, $0x2  }
0x1bc: {  	v3 =	vor.u32 v3, v4  }
0x1bd: {  	v4 =	vshrl.u32 v3, $0x4  }
0x1be: {  	v2 =	vadd.s32 s22, v2;
	v3 =	vor.u32 v3, v4  }
0x1bf: {  	[tilespmem:$0xE1E0] =	vst v2;
	v3 =	vand.u32 $0x1010101, v3  }
0x1c0: {  	[tilespmem:$0xE0D0] =	vst v3  }
0x1c1: {  	v2 =	vld [tilespmem:s19+$0xFFFFFF90];
	_ =	sdelay $0x4  }
0x1c2: {  	v2 =	vshrl.u32 v2, $0x2;
	_ =	sdelay $0x4  }
0x1c3: {  	[tilespmem:v2+s13+$0x0] =	vst.idx.msk $0xffff, v0  }
0x1c4: {  	v2 =	vld [tilespmem:s19+$0xFFFFFFA0];
	_ =	sdelay $0x4  }
0x1c5: {  	v2 =	vshrl.u32 v2, $0x2;
	_ =	sdelay $0x4  }
0x1c6: {  	[tilespmem:v2+s13+$0x0] =	vst.idx.msk $0xffff, v0  }
0x1c7: {  	v2 =	vld [tilespmem:s19+$0xFFFFFFB0];
	_ =	sdelay $0x4  }
0x1c8: {  	v2 =	vshrl.u32 v2, $0x2;
	_ =	sdelay $0x4  }
0x1c9: {  	[tilespmem:v2+s13+$0x0] =	vst.idx.msk $0xffff, v0  }
0x1ca: {  	v2 =	vld [tilespmem:s19+$0xFFFFFFC0];
	_ =	sdelay $0x4  }
0x1cb: {  	v2 =	vshrl.u32 v2, $0x2;
	_ =	sdelay $0x4  }
0x1cc: {  	[tilespmem:v2+s13+$0x0] =	vst.idx.msk $0xffff, v0  }
0x1cd: {  	v2 =	vld [tilespmem:s19+$0xFFFFFFD0];
	_ =	sdelay $0x4  }
0x1ce: {  	v2 =	vshrl.u32 v2, $0x2;
	_ =	sdelay $0x4  }
0x1cf: {  	[tilespmem:v2+s13+$0x0] =	vst.idx.msk $0xffff, v0  }
0x1d0: {  	v2 =	vld [tilespmem:s19+$0xFFFFFFE0];
	_ =	sdelay $0x4  }
0x1d1: {  	v2 =	vshrl.u32 v2, $0x2;
	_ =	sdelay $0x4  }
0x1d2: {  	[tilespmem:v2+s13+$0x0] =	vst.idx.msk $0xffff, v0  }
0x1d3: {  	v2 =	vld [tilespmem:s19+$0xFFFFFFF0];
	_ =	sdelay $0x4  }
0x1d4: {  	v2 =	vshrl.u32 v2, $0x2;
	_ =	sdelay $0x4  }
0x1d5: {  	[tilespmem:v2+s13+$0x0] =	vst.idx.msk $0xffff, v0  }
0x1d6: {  	v2 =	vld [tilespmem:s19+$0x0];
	_ =	sdelay $0x4  }
0x1d7: {  	v2 =	vshrl.u32 v2, $0x2;
	_ =	sdelay $0x4  }
0x1d8: {  	[tilespmem:v2+s13+$0x0] =	vst.idx.msk $0xffff, v0  }
0x1d9: {  	v2 =	vld [tilespmem:s23+$0x80];
	_ =	sdelay $0x4  }
0x1da: {  	v2 =	vshrl.u32 v2, $0x2;
	_ =	sdelay $0x4  }
0x1db: {  	[tilespmem:v2+s13+$0x0] =	vst.idx.msk $0xffff, v0  }
0x1dc: {  	v2 =	vld [tilespmem:s19+$0x20];
	_ =	sdelay $0x4  }
0x1dd: {  	v2 =	vshrl.u32 v2, $0x2;
	_ =	sdelay $0x4  }
0x1de: {  	[tilespmem:v2+s13+$0x0] =	vst.idx.msk $0xffff, v0  }
0x1df: {  	v2 =	vld [tilespmem:s19+$0x30];
	_ =	sdelay $0x4  }
0x1e0: {  	v2 =	vshrl.u32 v2, $0x2;
	_ =	sdelay $0x4  }
0x1e1: {  	[tilespmem:v2+s13+$0x0] =	vst.idx.msk $0xffff, v0  }
0x1e2: {  	v2 =	vld [tilespmem:s19+$0x40];
	_ =	sdelay $0x4  }
0x1e3: {  	v2 =	vshrl.u32 v2, $0x2;
	_ =	sdelay $0x4  }
0x1e4: {  	[tilespmem:v2+s13+$0x0] =	vst.idx.msk $0xffff, v0  }
0x1e5: {  	v2 =	vld [tilespmem:s19+$0x50];
	_ =	sdelay $0x4  }
0x1e6: {  	v2 =	vshrl.u32 v2, $0x2;
	_ =	sdelay $0x4  }
0x1e7: {  	[tilespmem:v2+s13+$0x0] =	vst.idx.msk $0xffff, v0  }
0x1e8: {  	v2 =	vld [tilespmem:s19+$0x60];
	_ =	sdelay $0x4  }
0x1e9: {  	v2 =	vshrl.u32 v2, $0x2;
	_ =	sdelay $0x4  }
0x1ea: {  	[tilespmem:v2+s13+$0x0] =	vst.idx.msk $0xffff, v0  }
0x1eb: {  	[hbm4b:s2+s14] =	stream.indirect.scatter [tilespmem:s16], [sflag:$0x2], $0x1, s15, s14, $0xb8;
	[tilespmem:$0xE200] =	vst v63  }
0x1ec: {  	_ =	swait.ge [sflag:s17], $0x70  }
0x1ed: {  	p0 =	sne.s32 s21, $0x1B20;
	[sflag:s17] =	ssyncset.done $0x0  }
.Ltmp1:
0x1ee: {  	[sflag:s17] =	ssyncadd.s32 $0xFFFFFF90;
	(pc) =	sbr.rel @p0 .LBB2_4-.Ltmp1, $4  }
0x1ef: {  	[hbm4b:s2+s14] =	stream.indirect.scatter [tilespmem:s20], [sflag:$0x2], $0x1, s18, s14, $0xb8;
	[tilespmem:$0xE200] =	vst v63  }
0x1f0: {  	_ =	swait.ge [sflag:s17], $0x70  }
0x1f1: {  	s21 =	sadd.s32 $0xE0, s21;
	[sflag:s17] =	ssyncset.done $0x0  }
0x1f2: {  	s22 =	sadd.s32 $0x61A8, s22;
	s19 =	sadd.s32 $0xE0, s19;
	[sflag:s17] =	ssyncadd.s32 $0xFFFFFF90  }
0x1f3: {  	s3 =	sadd.s32 $0x1, s3  }
0x1f4: {  	p0 =	sne.s32 s3, s9  }
.Ltmp2:
0x1f5: {  	_ = 	snop;
	(pc) =	sbr.rel @p0 .LBB2_1-.Ltmp2, $1  }
0x1f6: {  	_ =	sdelay $0x3  }
0x1f7: {  	_ =	sfence.sel $0x180000  }
0x1f8: {  	[bflag:$0x0] =	sbarrier.arrive $0xFFFF  }
0x1f9: {  	_ =	strace $0x90000047  }
0x1fa: {  	s0 =	stileid.u32;
	[bflag:$0x2] =	sbarrier.arrive $0xFFFF  }
0x1fb: {  	p0 =	sne.s32 s0, $0x0;
	s0 =	rddreg [dreg:$0x2]  }
0x1fc: {  	s0 =	sadd.s32 @!p0 $0x100000, s0  }
0x1fd: {  	[sflag:s0] =	ssyncadd.tile.s32 @!p0 $0x1;
	_ =	shalt  }
.Lfunc_end2:
_tile_overlayer_lowered:
.L_overlay_start_2:
0x1fe: {  	(tag) =	ssettag $0x2  }
0x1ff: {  	s0 =	rddreg [dreg:$0x0];
	s2 =	stileid.u32  }
0x200: {  	s1 =	rddreg [dreg:$0x1];
	p0 =	sne.s32 s2, $0x0  }
0x201: {  	s3 =	rddreg [dreg:$0x2];
	[bflag:$0x3] =	sbarrier.arrive $0xFFFF;
	s2 =	simm.s32 @!p0 $0x1C03  }
0x202: {  	[timem:s3], [sflag:s2] =	dma.local @!p0 [hbm:s0], s1  }
0x203: {  	s0 =	simm.s32 @!p0 $0x3  }
0x204: {  	_ =	swait.ge @!p0 [sflag:s0], s1  }
0x205: {  	s1 =	ssub.s32 @!p0 $0x0, s1;
	[sflag:s0] =	ssyncset.done @!p0 $0x0  }
0x206: {  	[sflag:s0] =	ssyncadd.s32 @!p0 s1  }
0x207: {  	[bflag:$0x3] =	sbarrier.arrive $0xFFFF  }
0x208: {  	_ =	shalt  }

// kernel: sparse-core-data-format-call.cloned.1.call-start
scs
called_computation_lowered:
.L_overlay_start_0:
0x0: {  	s2 =	sld [smem:$0x3FD9]  }
0x1: {  	s3 =	sld [smem:$0x3FFE];
	_ =	sdelay $0x1  }
0x2: {  	s1 =	srdreg.scid  }
0x3: {  	s0 =	sand.u32 $0x1, s1  }
0x4: {  	s18 =	sshll.u32 s0, $0xA;
	s2 =	sadd.s32 s3, s2  }
0x5: {  	s2 =	sadd.s32 s2, s18  }
0x6: {  	[smem:$0x3FC7] =	sst s2  }
0x7: {  	_ = 	snop  }
0x8: {  	s2 =	sld [smem:$0x3FD0];
	(tm) =	ssettm $0x1  }
0x9: {  	s19 =	sld [smem:$0x3FFB];
	_ =	sdelay $0x3  }
0xa: {  	_ =	strace s19  }
0xb: {  	s3 =	sld [smem:$0x3FFC];
	_ =	sdelay $0x3  }
0xc: {  	_ =	strace s3  }
0xd: {  	s3 =	sld [smem:$0x3FFD];
	_ =	sdelay $0x3  }
0xe: {  	_ =	strace s3  }
0xf: {  	_ =	strace $0x8FFFFFFF  }
0x10: {  	s20 =	sld [smem:$0x3FDB];
	_ =	sdelay $0x1  }
0x11: {  	s4 =	simm.s32 $_scs_section_size  }
0x12: {  	s5 =	simm.s32 $_size__tile_overlayer_lowered;
	s6 =	simm.s32 $_tile_overlayer_lowered  }
0x13: {  	s23 =	simm.s32 $0x1BFF;
	s22 =	sshll.u32 s6, $0x1;
	s3 =	sadd.s32 s4, s20  }
0x14: {  	s7 =	simm.s32 $0x0;
	s21 =	sshll.u32 s5, $0x1;
	s5 =	sadd.s32 s22, s3  }
0x15: {  	[timem:s7], [sflag:s23] =	dma.local [hbm:s5], s21  }
0x16: {  	_ =	swait.ge [sflag:s23], s21  }
0x17: {  	s4 =	ssub.s32 $0x0, s21;
	[sflag:s23] =	ssyncset.done $0x0  }
0x18: {  	[sflag:s23] =	ssyncadd.s32 s4;
	_ =	sdelay $0x1  }
0x19: {  	s24 =	simm.s32 $0x1B8B  }
0x1a: {  	_ =	swait.ge [sflag:s24], $0x1  }
0x1b: {  	[sflag:s24] =	ssyncset.done $0x0  }
0x1c: {  	s26 =	simm.s32 $0x1B8E;
	s25 =	sld [smem:$0x3FFE];
	[sflag:s24] =	ssyncadd.s32 $0xFFFFFFFF  }
0x1d: {  	s27 =	simm.s32 $execute0_lowered;
	[smem:$0x3FD2] =	sst s26  }
0x1e: {  	s5 =	sshll.u32 s27, $0x1;
	_ =	strace $0x80000049;
	[dreg:$0x1] =	wrdreg $0xFFFFFFFF  }
0x1f: {  	s28 =	simm.s32 $_size_execute0_lowered;
	s3 =	sadd.s32 s3, s5;
	[dreg:$0x0] =	wrdreg $0x0  }
0x20: {  	s5 =	sshll.u32 s28, $0x1;
	[dreg:$0x2] =	wrdreg s3  }
0x21: {  	[dreg:$0x3] =	wrdreg s5  }
0x22: {  	[dreg:$0x4] =	wrdreg $0xC0  }
0x23: {  	_ =	task [dreg:s7], $0x5FFFF  }
0x24: {  	[dreg:$0x1] =	wrdreg $0xFFFFFFFF  }
0x25: {  	[dreg:$0x0] =	wrdreg $0x60  }
0x26: {  	[dreg:$0x2] =	wrdreg s25  }
0x27: {  	[dreg:$0x3] =	wrdreg s2  }
0x28: {  	[dreg:$0x4] =	wrdreg $0x9  }
0x29: {  	_ =	task.clear_ibuf [dreg:s7], $0x5FFFF;
	_ =	strace $0x90000049  }
0x2a: {  	s29 =	simm.s32 $0x9;
	_ =	strace $0x8000004B  }
0x2b: {  	_ =	swait.ge [sflag:s29], $0x1  }
0x2c: {  	[sflag:s29] =	ssyncadd.s32 $0xFFFFFFFF  }
0x2d: {  	_ =	strace $0x9000004B  }
0x2e: {  	_ =	sfence  }
0x2f: {  	s30 =	sld [smem:$0x0];
	_ =	sdelay $0x2  }
0x30: {  	s31 =	sshll.u32 s1, $0xD;
	s1 =	sshrl.u32 s1, $0x2  }
0x31: {  	s3 =	sand.u32 $0x4000, s31;
	s1 =	sadd.s32 s1, s30  }
0x32: {  	s0 =	sor.u32 s3, s0;
	s1 =	sshll.u32 s1, $0x11  }
0x33: {  	s0 =	sor.u32 s1, s0  }
0x34: {  	s0 =	sadd.s32 $0x8F2B, s0  }
0x35: {  	[sflag:s0] =	ssyncadd.remote.s32 $0x1  }
0x36: {  	_ =	sfence.sel $0xFFFF  }
0x37: {  	[dreg:$0x0] =	wrdreg $0xFFFFFFFF;
	(pc) =	sbr.abs _section_cstart, $3  }
0x38: {  	[dreg:$0x1] =	wrdreg $0xFFFFFFFF  }
0x39: {  	_ =	task.clear_ibuf [dreg:s7], $0x2FFFF;
	_ =	strace $0x9FFFFFFF  }
0x3a: {  	(tm) =	ssettm $0x7FFFFFFF  }
0x3b: {  	_ =	shalt  }
tec
execute0_lowered:
.L_overlay_start_1:
0x0: {  	(tag) =	ssettag $0x1  }
0x1: {  	s4 =	rddreg [dreg:$0x0]  }
0x2: {  	s0 =	stileid.u32;
	s2 =	rddreg [dreg:$0x1]  }
0x3: {  	s7 =	srdreg.scid;
	s31 =	simm.s32 $0x2;
	s16 =	simm.s32 $0x0  }
0x4: {  	s9 =	simm.s32 $0x2000;
	s15 =	simm.s32 $0x0;
	s1 =	sshll.u32 s0, $0x7  }
0x5: {  	s10 =	simm.s32 $0x0;
	s11 =	simm.s32 $0x0;
	s3 =	sand.u32 $0x380, s1  }
0x6: {  	s14 =	simm.s32 $0x0;
	s4 =	sadd.s32 $0xA00, s4;
	s5 =	ssub.s32 $0x400, s3  }
0x7: {  	s8 =	sshll.u32 s0, $0x4;
	s7 =	sshll.u32 s7, $0x8;
	s6 =	sand.u32 $0x380, s5  }
0x8: {  	s1 =	rddreg [dreg:$0x2];
	p0 =	sne.s32 s6, $0x0;
	s6 =	simm.s32 $0x1  }
.Ltmp0:
0x9: {  	s5 =	sshrl.u32 s5, $0xA;
	s6 =	simm.s32 @!p0 $0x0;
	(pc) =	sbr.rel .LBB1_1-.Ltmp0, $4  }
0xa: {  	_ =	strace $0x8000004A;
	s7 =	sor.u32 s8, s7;
	s6 =	sadd.s32 s6, s5  }
0xb: {  	s7 =	sand.u32 $0x180, s7;
	s5 =	simm.s32 $0x1;
	s6 =	smul.u32 $0x31, s6  }
0xc: {  	s13 =	smov.u32 s3;
	s12 =	smov.u32 s7;
	[sflag:s5] =	ssyncpa.u1 $0x0  }
0xd: {  	p0 =	por $0x0, $0x0;
	[sflag:s31] =	ssyncpa.u1 $0x0;
	s8 =	sadd.s32 $0x1, s6  }
.LBB1_4:
0xe: {  	s21 =	sshra.s32 s21, $0x2;
	s27 =	sshll.u32 s10, $0xA;
	s22 =	sshll.u32 s11, $0x3  }
0xf: {  	s23 =	sshll.u32 s10, $0x7;
	s24 =	sand.u32 $0x78, s11;
	p1 =	sgt.s32 s10, $0x6128  }
0x10: {  	s25 =	sshra.s32 s10, $0x1F;
	s26 =	sshra.s32 s11, $0x1F;
	s20 =	sadd.s32 s21, s20  }
0x11: {  	v5 =	vld [tilespmem:s18+$0xFFFFFFD0];
	[tilespmem:s19+$0x2040 ss:$0x81] =	vst.msk $0xffff, v4;
	s21 =	sand.u32 $0xFFFFE000, s27;
	s22 =	sand.u32 $0xFFFFFC00, s22;
	s28 =	sand.u32 $0x380, s23  }
0x12: {  	v58 =	vld [tilespmem:s18+$0xFFFFFFE0];
	[tilespmem:s19+$0x2850 ss:$0x81] =	vst.msk $0xffff, v3;
	s23 =	smov.u32 s10;
	s30 =	sand.u32 s25, s10;
	s25 =	smov.u32 s11  }
0x13: {  	v59 =	vld [tilespmem:s18+$0xFFFFFFF0];
	[tilespmem:s19+$0x3060 ss:$0x81] =	vst.msk $0xffff, v2;
	s31 =	sand.u32 s26, s11;
	s21 =	sadd.s32 s22, s21;
	s22 =	sor.u32 s24, s28  }
0x14: {  	v60 =	vld [tilespmem:s18+$0x0];
	[tilespmem:s19+$0x0 ss:$0x81] =	vst.msk $0xffff, v1;
	s23 =	simm.s32 @!p1 $0x6128;
	p1 =	sgt.s32 s11, $0x380;
	s21 =	sshrl.u32 s21, $0xA  }
0x15: {  	v61 =	vld [tilespmem:s18+$0x10];
	[tilespmem:s20+$0x3870 ss:$0x81] =	vst.msk $0xffff, v0;
	s19 =	ssub.s32 s23, s30;
	s25 =	simm.s32 @!p1 $0x380;
	s29 =	smulhi.u32 $0x53E2D7, s21  }
0x16: {  	v62 =	vld [tilespmem:s18+$0x20];
	s23 =	ssub.s32 s25, s31;
	s26 =	sadd.s32 $0xFFFF9ED8, s19;
	s19 =	ssub.s32 $0x61A8, s19;
	[tilespmem:s20+$0x810 ss:$0x81] =	vst.msk $0xffff, v5  }
0x17: {  	v63 =	vld [tilespmem:s18+$0xFFFFFFC0];
	[tilespmem:s20+$0x1020 ss:$0x81] =	vst.msk $0xffff, v58;
	p1 =	sgt.s32 s26, $0x7F;
	s28 =	sadd.s32 $0xFFFFFC80, s23;
	s24 =	sshrl.u32 s29, $0x5  }
0x18: {  	[tilespmem:s20+$0x1830 ss:$0x81] =	vst.msk $0xffff, v59;
	s23 =	ssub.s32 $0x400, s23;
	p2 =	sgt.s32 s28, $0x7F;
	s27 =	smul.u32 $0x61A8, s24  }
0x19: {  	s30 =	sand.u32 $0x7, s11;
	[tilespmem:s20+$0x2040 ss:$0x81] =	vst.msk $0xffff, v60;
	s19 =	simm.s32 @p1 $0x0;
	s23 =	simm.s32 @p2 $0x0  }
0x1a: {  	[tilespmem:s20+$0x2850 ss:$0x81] =	vst.msk $0xffff, v61;
	s29 =	sshrl.u32 s22, $0x3;
	s19 =	smul.u32 s23, s19;
	s18 =	ssub.s32 s21, s27  }
0x1b: {  	[tilespmem:s20+$0x3060 ss:$0x81] =	vst.msk $0xffff, v62;
	s22 =	sshll.u32 s30, $0x12;
	s21 =	sadd.s32 s2, s29;
	s18 =	sshll.u32 s18, $0x7  }
0x1c: {  	[tilespmem:s20+$0x0 ss:$0x81] =	vst.msk $0xffff, v63;
	s31 =	sor.u32 $0x400, s22;
	s19 =	sand.u32 $0x3FFFFFFF, s19;
	s18 =	sadd.s32 s18, s21  }
0x1d: {  	[hbm4b:s18+s31] =	stream.strided.scatter [tilespmem:s17], [sflag:$0x2], s19, s9, s31, $0x20;
	[tilespmem:$0x10100] =	vst v63  }
.LBB1_5:
0x1e: {  	p1 =	slt.u32 s14, $0x2  }
0x1f: {  	s18 =	smov.u32 s16;
	p2 =	sgt.s32 @!p1 s16, $0x6128;
	s17 =	sshra.s32 @!p1 s16, $0x1F  }
0x20: {  	p3 =	sgt.s32 @!p1 s15, $0x380;
	s19 =	sshra.s32 @!p1 s15, $0x1F;
	p2 =	por !p2, p1  }
0x21: {  	s16 =	sand.u32 @!p1 s17, s16;
	p3 =	por !p3, p1;
	s17 =	smov.u32 s15  }
0x22: {  	s15 =	sand.u32 @!p1 s19, s15;
	s18 =	simm.s32 @p2 $0x6128;
	s17 =	simm.s32 @p3 $0x380  }
0x23: {  	s16 =	ssub.s32 @!p1 s18, s16;
	s15 =	ssub.s32 @!p1 s17, s15  }
0x24: {  	s19 =	smov.u32 s13;
	s17 =	sadd.s32 @!p1 $0xFFFF9ED8, s16;
	s18 =	sadd.s32 @!p1 $0xFFFFFC80, s15  }
0x25: {  	s16 =	ssub.s32 @!p1 $0x61A8, s16;
	p2 =	sgt.s32 @!p1 s17, $0x7F;
	p3 =	sgt.s32 @!p1 s18, $0x7F  }
0x26: {  	s15 =	ssub.s32 @!p1 $0x400, s15;
	p2 =	por !p2, p1;
	p3 =	por !p3, p1  }
0x27: {  	s17 =	sadd.s32 $0x200, s12;
	s16 =	simm.s32 @!p2 $0x0;
	s15 =	simm.s32 @!p3 $0x0  }
0x28: {  	p2 =	sgt.s32 s17, $0x61A7;
	s15 =	smul.u32 @!p1 s15, s16;
	s16 =	sadd.s32 $0x400, s13  }
0x29: {  	s19 =	smov.u32 @p2 s16  }
0x2a: {  	s17 =	smov.u32 @p2 s7;
	p2 =	sgt.s32 s19, $0x3FF  }
0x2b: {  	s19 =	smov.u32 @p2 s3;
	p2 =	sne.s32 s14, s8  }
.Ltmp1:
0x2c: {  	p0 =	por !p0, !p0;
	s18 =	simm.s32 @!p1 $0x2;
	(pc) =	sbr.rel @!p2 .LBB1_6-.Ltmp1, $4  }
0x2d: {  	s16 =	smov.u32 s10;
	s10 =	smov.u32 s12;
	s15 =	sand.u32 @!p1 $0x3FFFFFFF, s15  }
0x2e: {  	s12 =	smov.u32 s17;
	_ =	swait.ge @!p1 [sflag:s18], s15;
	s20 =	ssub.s32 @!p1 $0x0, s15  }
0x2f: {  	s15 =	smov.u32 s11;
	s14 =	sadd.s32 $0x1, s14;
	[sflag:s18] =	ssyncset.done @!p1 $0x0  }
0x30: {  	s11 =	smov.u32 s13;
	s13 =	smov.u32 s19;
	[sflag:s18] =	ssyncadd.s32 @!p1 s20  }
.LBB1_1:
0x31: {  	p1 =	sge.u32 s14, s6  }
0x32: {  	s17 =	sshrl.u32 @!p1 s13, $0x3  }
0x33: {  	s18 =	sshll.u32 @!p1 s12, $0x3;
	s17 =	smul.u32 @!p1 $0x31000, s17  }
0x34: {  	s19 =	sshll.u32 @!p1 s13, $0x7;
	s18 =	sand.u32 @!p1 $0xFFFFFC00, s18  }
0x35: {  	s17 =	sadd.s32 @!p1 s17, s18;
	s18 =	sand.u32 @!p1 $0x380, s19  }
0x36: {  	s19 =	sand.u32 @!p1 $0x7F, s12;
	s17 =	sor.u32 @!p1 s18, s17  }
0x37: {  	s18 =	sor.u32 @!p1 s19, s17  }
0x38: {  	s19 =	smulhi.u32 @!p1 $0x5397829D, s18;
	_ =	sdelay $0x1  }
0x39: {  	s17 =	smulhi.u32 @!p1 $0x5397829D, s17;
	s19 =	sshrl.u32 @!p1 s19, $0xD  }
0x3a: {  	s19 =	smul.u32 @!p1 $0x6200, s19  }
0x3b: {  	s31 =	sadd.s32 $0xFFFFFFFF, s14;
	s20 =	sxor.u32 @!p1 $0xFFFFFFFF, s14;
	s17 =	sshrl.u32 @!p1 s17, $0xD  }
0x3c: {  	s20 =	sshll.u32 @!p1 s20, $0xE;
	s17 =	sand.u32 @!p1 $0x3FF, s17;
	s18 =	ssub.s32 @!p1 s18, s19  }
0x3d: {  	s17 =	smul.u32 @!p1 $0xC40, s17;
	s19 =	sshrl.u32 @!p1 s18, $0x3;
	s18 =	sand.u32 @!p1 $0x7, s18  }
0x3e: {  	s20 =	sand.u32 @!p1 $0x4000, s20;
	s19 =	sadd.s32 @!p1 s4, s19;
	s18 =	sshll.u32 @!p1 s18, $0x12  }
0x3f: {  	s17 =	sadd.s32 @!p1 s17, s19;
	s18 =	sor.u32 @!p1 $0x400, s18;
	s19 =	simm.s32 @!p1 $0x31000  }
0x40: {  	[tilespmem:s20], [sflag:$0x1] =	stream.strided.gather @!p1 [hbm4b:s17+s18], $0x4000, s19, s18, $0x38;
	[tilespmem:$0x10100] =	vst v63  }
0x41: {  	p1 =	sge.u32 s31, s6  }
.Ltmp2:
0x42: {  	_ = 	snop;
	(pc) =	sbr.rel @p1 .LBB1_5-.Ltmp2, $1  }
0x43: {  	_ =	sdelay $0x3  }
0x44: {  	s17 =	simm.s32 $0x1  }
0x45: {  	_ =	swait.ge [sflag:s5], $0x4000;
	s17 =	simm.s32 @!p0 $0x0  }
0x46: {  	[sflag:s5] =	ssyncset.done $0x0;
	s18 =	sshll.u32 s17, $0xE  }
0x47: {  	[sflag:s5] =	ssyncadd.s32 $0xFFFFC000;
	s18 =	sor.u32 $0x40, s18  }
0x48: {  	s17 =	smul.u32 $0x10200, s17;
	v0 =	vld [tilespmem:s18+$0x30]  }
0x49: {  	v1 =	vld [tilespmem:s18+$0xFFFFFFD0]  }
0x4a: {  	s17 =	sshrl.u32 s17, $0x2;
	v5 =	vld [tilespmem:s18+$0xFFFFFFE0]  }
0x4b: {  	v6 =	vld [tilespmem:s18+$0xFFFFFFF0];
	s20 =	sor.u32 $0x8000, s17  }
0x4c: {  	s31 =	sand.u32 $0x1, s14;
	v4 =	vld [tilespmem:s18+$0x0];
	s19 =	sadd.s32 $0x0, s20  }
0x4d: {  	v3 =	vld [tilespmem:s18+$0x10];
	s17 =	smul.u32 $0x10200, s31;
	[tilespmem:s19+$0x3870 ss:$0x81] =	vst.msk $0xffff, v0  }
0x4e: {  	v2 =	vld [tilespmem:s18+$0x20];
	[tilespmem:s19+$0x810 ss:$0x81] =	vst.msk $0xffff, v1  }
0x4f: {  	s17 =	sshrl.u32 s17, $0x2;
	v1 =	vld [tilespmem:s18+$0xFFFFFFC0];
	[tilespmem:s19+$0x1020 ss:$0x81] =	vst.msk $0xffff, v5;
	s18 =	sadd.s32 $0x80, s18  }
0x50: {  	s21 =	simm.s32 $0x4;
	s22 =	simm.s32 $0x8;
	s17 =	sor.u32 $0x8000, s17;
	[tilespmem:s19+$0x1830 ss:$0x81] =	vst.msk $0xffff, v6;
	v0 =	vld [tilespmem:s18+$0x30]  }
.LBB1_3:
0x51: {  	p1 =	sne.s32 s22, $0x1FC;
	v5 =	vld [tilespmem:s18+$0xFFFFFFD0];
	[tilespmem:s19+$0x2040 ss:$0x81] =	vst.msk $0xffff, v4  }
0x52: {  	v6 =	vld [tilespmem:s18+$0xFFFFFFE0];
	[tilespmem:s19+$0x2850 ss:$0x81] =	vst.msk $0xffff, v3  }
0x53: {  	s23 =	sshra.s32 s21, $0x2;
	s21 =	smov.u32 s22;
	v7 =	vld [tilespmem:s18+$0xFFFFFFF0];
	[tilespmem:s19+$0x3060 ss:$0x81] =	vst.msk $0xffff, v2  }
.Ltmp3:
0x54: {  	v4 =	vld [tilespmem:s18+$0x0];
	[tilespmem:s19+$0x0 ss:$0x81] =	vst.msk $0xffff, v1;
	s19 =	sadd.s32 s23, s20;
	(pc) =	sbr.rel @p1 .LBB1_3-.Ltmp3, $4  }
0x55: {  	v3 =	vld [tilespmem:s18+$0x10];
	[tilespmem:s19+$0x3870 ss:$0x81] =	vst.msk $0xffff, v0  }
0x56: {  	[tilespmem:s19+$0x810 ss:$0x81] =	vst.msk $0xffff, v5;
	v2 =	vld [tilespmem:s18+$0x20]  }
0x57: {  	v1 =	vld [tilespmem:s18+$0xFFFFFFC0];
	[tilespmem:s19+$0x1020 ss:$0x81] =	vst.msk $0xffff, v6;
	s18 =	sadd.s32 $0x80, s18  }
0x58: {  	s22 =	sadd.s32 $0x4, s22;
	v0 =	vld [tilespmem:s18+$0x30];
	[tilespmem:s19+$0x1830 ss:$0x81] =	vst.msk $0xffff, v7  }
.Ltmp4:
0x59: {  	_ = 	snop;
	(pc) =	sbr.rel .LBB1_4-.Ltmp4, $1  }
0x5a: {  	_ =	sdelay $0x3  }
.LBB1_6:
0x5b: {  	_ =	sfence.sel $0x180000  }
0x5c: {  	s2 =	simm.s32 $0x1;
	[bflag:$0x0] =	sbarrier.arrive $0xFFFF  }
0x5d: {  	s31 =	simm.s32 $0x2;
	[sflag:s2] =	ssyncpa.u1 $0x1  }
0x5e: {  	[sflag:s31] =	ssyncpa.u1 $0x1  }
0x5f: {  	p0 =	sne.s32 s0, $0x0;
	_ =	strace $0x9000004A  }
0x60: {  	s0 =	sadd.s32 @!p0 $0x100000, s1;
	[bflag:$0x2] =	sbarrier.arrive $0xFFFF  }
0x61: {  	[sflag:s0] =	ssyncadd.tile.s32 @!p0 $0x1;
	_ =	shalt  }
.Lfunc_end1:
_tile_overlayer_lowered:
.L_overlay_start_2:
0x62: {  	(tag) =	ssettag $0x2  }
0x63: {  	s0 =	rddreg [dreg:$0x0];
	s2 =	stileid.u32  }
0x64: {  	s1 =	rddreg [dreg:$0x1];
	p0 =	sne.s32 s2, $0x0  }
0x65: {  	s3 =	rddreg [dreg:$0x2];
	[bflag:$0x3] =	sbarrier.arrive $0xFFFF;
	s2 =	simm.s32 @!p0 $0x1C01  }
0x66: {  	[timem:s3], [sflag:s2] =	dma.local @!p0 [hbm:s0], s1  }
0x67: {  	s0 =	simm.s32 @!p0 $0x1  }
0x68: {  	_ =	swait.ge @!p0 [sflag:s0], s1  }
0x69: {  	s1 =	ssub.s32 @!p0 $0x0, s1;
	[sflag:s0] =	ssyncset.done @!p0 $0x0  }
0x6a: {  	[sflag:s0] =	ssyncadd.s32 @!p0 s1  }
0x6b: {  	[bflag:$0x3] =	sbarrier.arrive $0xFFFF  }
0x6c: {  	_ =	shalt  }

</sc_bundles>
